<compile_context>
chip_gen: v7x
topology: tpu7x:2x2x1
jax: 0.10.2.dev20260603
libtpu: 0.0.44.dev20260713+nightly
codegen_flags: <defaults>
</compile_context>

<pallas_src>
import functools

import jax
import jax.numpy as jnp
from jax import lax
from jax.experimental import pallas as pl
from jax.experimental.pallas import tpu as pltpu
from jax.experimental.pallas import tpu_sc as plsc

N = 10000
D = 128
E = 320000

NC = 2
NS = 16
NW = NC * NS
L = 16

B = 128
G = 80
EPW = G * B
EP = NW * EPW
GH = G // 2
ROWS = 10112
RPT = ROWS // NS

_sc_mesh = plsc.VectorSubcoreMesh(core_axis_name="c", subcore_axis_name="s")


@functools.partial(
    pl.kernel,
    out_type=jax.ShapeDtypeStruct((NC * 2 * ROWS,), jnp.float32),
    mesh=_sc_mesh,
    scratch_types=[
        pltpu.VMEM((G, B), jnp.int32),
        pltpu.VMEM((G, B), jnp.int32),
        pltpu.VMEM((B,), jnp.float32),
        pltpu.VMEM((640,), jnp.float32),
        pltpu.SemaphoreType.DMA,
        pltpu.SemaphoreType.DMA,
        pltpu.VMEM_SHARED((ROWS,), jnp.float32),
        pltpu.VMEM_SHARED((ROWS,), jnp.float32),
    ],
)
def _deg_kernel(src_hbm, dst_hbm, out_hbm, sidx, didx, ones, zbuf,
                sema, semb, acc_o, acc_i):
    c = lax.axis_index("c")
    s = lax.axis_index("s")
    wid = s * NC + c

    vone = jnp.ones((L,), jnp.float32)
    vz = jnp.zeros((L,), jnp.float32)
    for j in range(B // L):
        ones[pl.ds(j * L, L)] = vone
    for j in range(640 // L):
        zbuf[pl.ds(j * L, L)] = vz

    r0 = s * RPT
    pltpu.sync_copy(zbuf.at[pl.ds(0, RPT)], acc_o.at[pl.ds(r0, RPT)])
    pltpu.sync_copy(zbuf.at[pl.ds(0, RPT)], acc_i.at[pl.ds(r0, RPT)])
    pltpu.sync_copy(src_hbm.at[pl.ds(wid * G, G)], sidx)
    pltpu.sync_copy(dst_hbm.at[pl.ds(wid * G, G)], didx)
    plsc.subcore_barrier()

    pltpu.async_copy(ones, acc_o.at[sidx.at[0]], sema, add=True)
    pltpu.async_copy(ones, acc_i.at[didx.at[0]], semb, add=True)

    def body(g, _):
        pltpu.async_copy(ones, acc_o.at[sidx.at[g]], sema, add=True)
        pltpu.async_copy(ones, acc_i.at[didx.at[g]], semb, add=True)
        pltpu.make_async_copy(ones, acc_o.at[sidx.at[g]], sema).wait()
        pltpu.make_async_copy(ones, acc_i.at[didx.at[g]], semb).wait()
        return 0

    lax.fori_loop(1, G, body, 0)
    pltpu.make_async_copy(ones, acc_o.at[sidx.at[0]], sema).wait()
    pltpu.make_async_copy(ones, acc_i.at[didx.at[0]], semb).wait()
    plsc.subcore_barrier()

    pltpu.sync_copy(acc_o.at[pl.ds(r0, RPT)], zbuf.at[pl.ds(0, RPT)])
    pltpu.sync_copy(zbuf.at[pl.ds(0, RPT)],
                    out_hbm.at[pl.ds((c * 2) * ROWS + r0, RPT)])
    pltpu.sync_copy(acc_i.at[pl.ds(r0, RPT)], zbuf.at[pl.ds(0, RPT)])
    pltpu.sync_copy(zbuf.at[pl.ds(0, RPT)],
                    out_hbm.at[pl.ds((c * 2 + 1) * ROWS + r0, RPT)])


@functools.partial(
    pl.kernel,
    out_type=jax.ShapeDtypeStruct((NC, ROWS, D), jnp.float32),
    mesh=_sc_mesh,
    scratch_types=[
        pltpu.VMEM((GH, B), jnp.int32),
        pltpu.VMEM((GH, B), jnp.int32),
        pltpu.VMEM((B, D), jnp.float32),
        pltpu.VMEM((B, D), jnp.float32),
        pltpu.SemaphoreType.DMA,
        pltpu.SemaphoreType.DMA,
        pltpu.VMEM_SHARED((ROWS, D), jnp.float32),
    ],
)
def _agg_kernel(h_hbm, src_hbm, dst_hbm, z_hbm, out_hbm,
                sidx, didx, rows0, rows1, sem0, sem1, acc):
    c = lax.axis_index("c")
    s = lax.axis_index("s")
    wid = s * NC + c

    r0 = s * RPT
    pltpu.sync_copy(z_hbm, rows0)
    for p in range(RPT // B):
        pltpu.sync_copy(rows0, acc.at[pl.ds(r0 + p * B, B)])
    rem = RPT % B
    if rem:
        pltpu.sync_copy(rows0.at[pl.ds(0, rem)],
                        acc.at[pl.ds(r0 + (RPT // B) * B, rem)])
    plsc.subcore_barrier()

    for half in range(2):
        pltpu.sync_copy(src_hbm.at[pl.ds(wid * G + half * GH, GH)], sidx)
        pltpu.sync_copy(dst_hbm.at[pl.ds(wid * G + half * GH, GH)], didx)

        pltpu.async_copy(h_hbm.at[sidx.at[0]], rows0, sem0)

        def body(k, _):
            g = 2 * k
            pltpu.async_copy(h_hbm.at[sidx.at[g + 1]], rows1, sem1)
            pltpu.make_async_copy(h_hbm.at[sidx.at[g]], rows0, sem0).wait()
            pltpu.sync_copy(rows0, acc.at[didx.at[g]], add=True)
            pltpu.async_copy(h_hbm.at[sidx.at[g + 2]], rows0, sem0)
            pltpu.make_async_copy(h_hbm.at[sidx.at[g + 1]], rows1, sem1).wait()
            pltpu.sync_copy(rows1, acc.at[didx.at[g + 1]], add=True)
            return 0

        lax.fori_loop(0, GH // 2 - 1, body, 0)
        pltpu.async_copy(h_hbm.at[sidx.at[GH - 1]], rows1, sem1)
        pltpu.make_async_copy(h_hbm.at[sidx.at[GH - 2]], rows0, sem0).wait()
        pltpu.sync_copy(rows0, acc.at[didx.at[GH - 2]], add=True)
        pltpu.make_async_copy(h_hbm.at[sidx.at[GH - 1]], rows1, sem1).wait()
        pltpu.sync_copy(rows1, acc.at[didx.at[GH - 1]], add=True)

    plsc.subcore_barrier()
    for p in range(RPT // B):
        pltpu.sync_copy(acc.at[pl.ds(r0 + p * B, B)], rows0)
        pltpu.sync_copy(rows0, out_hbm.at[c, pl.ds(r0 + p * B, B)])
    if RPT % B:
        q = (RPT // B) * B
        pltpu.sync_copy(acc.at[pl.ds(r0 + q, RPT % B)],
                        rows0.at[pl.ds(0, RPT % B)])
        pltpu.sync_copy(rows0.at[pl.ds(0, RPT % B)],
                        out_hbm.at[c, pl.ds(r0 + q, RPT % B)])


BR = 1264
GRID = ROWS // BR


def _prep_body(degp_ref, x_ref, h1s_ref, nin_ref, nout_ref):
    dt = jnp.transpose(degp_ref[...], (1, 0))
    deg_out = dt[:, 0:1] + dt[:, 2:3] + 1.0
    deg_in = dt[:, 1:2] + dt[:, 3:4] + 1.0
    nout = lax.rsqrt(deg_out)
    nin = lax.rsqrt(deg_in)
    h1s_ref[...] = x_ref[...] * nout
    nin_ref[...] = jnp.broadcast_to(nin, (ROWS, D))
    nout_ref[...] = jnp.broadcast_to(nout, (ROWS, D))


def _tc_prep(degp2, xp):
    return pl.pallas_call(
        _prep_body,
        out_shape=[
            jax.ShapeDtypeStruct((ROWS, D), jnp.float32),
            jax.ShapeDtypeStruct((ROWS, D), jnp.float32),
            jax.ShapeDtypeStruct((ROWS, D), jnp.float32),
        ],
    )(degp2, xp)


def _combine_body(accp_ref, selfh_ref, nin_ref, nout_ref, w_ref, b_ref,
                  out_ref, *, last, br):
    agg = accp_ref[0] + accp_ref[1] + selfh_ref[...]
    t = agg * nin_ref[...]
    y = jnp.dot(t, w_ref[...], preferred_element_type=jnp.float32) + b_ref[...]
    if last:
        out_ref[...] = y
    else:
        out_ref[...] = jnp.maximum(y, 0.0) * nout_ref[...]


def _tc_combine(accp, selfh, nin, nout, w, b2d, last):
    nrows, br = (N, 1000) if last else (ROWS, BR)
    return pl.pallas_call(
        functools.partial(_combine_body, last=last, br=br),
        grid=(nrows // br,),
        in_specs=[
            pl.BlockSpec((NC, br, D), lambda i: (0, i, 0)),
            pl.BlockSpec((br, D), lambda i: (i, 0)),
            pl.BlockSpec((br, D), lambda i: (i, 0)),
            pl.BlockSpec((br, D), lambda i: (i, 0)),
            pl.BlockSpec((D, D), lambda i: (0, 0)),
            pl.BlockSpec((1, D), lambda i: (0, 0)),
        ],
        out_specs=pl.BlockSpec((br, D), lambda i: (i, 0)),
        out_shape=jax.ShapeDtypeStruct((nrows, D), jnp.float32),
    )(accp, selfh, nin, nout, w, b2d)


def kernel(x, edge_index, W1, b1, W2, b2):
    src = edge_index[0]
    dst = edge_index[1]
    pad = EP - E
    padidx = N + (jnp.arange(pad, dtype=jnp.int32) % (ROWS - N))
    src2d = jnp.concatenate([src, padidx]).reshape(EP // B, B)
    dst2d = jnp.concatenate([dst, padidx]).reshape(EP // B, B)
    xp = jnp.concatenate([x, jnp.zeros((ROWS - N, D), jnp.float32)])
    zrows = jnp.zeros((B, D), jnp.float32)

    degp = _deg_kernel(src2d, dst2d)
    degp2 = degp.reshape(4, ROWS)
    h1s, nin, nout = _tc_prep(degp2, xp)

    acc1 = _agg_kernel(h1s, src2d, dst2d, zrows)
    h2s = _tc_combine(acc1, h1s, nin, nout, W1, b1.reshape(1, D), last=False)

    acc2 = _agg_kernel(h2s, src2d, dst2d, zrows)
    out = _tc_combine(acc2, h2s, nin, nout, W2, b2.reshape(1, D), last=True)
    return out

# --- scband reference (transcript-rebuilt; emitter-appended) ---
"""Pipeline reference for scband-gcn-24773371363585 (READ-ONLY COPY).

The authoritative reference and input builder live on the scoring server;
editing this copy changes nothing except your own understanding.
"""

import jax, jax.numpy as jnp
import numpy as np

N = 10000
E = 320000
D_IN = 128
D_HID = 128
D_OUT = 128


def setup_inputs(seed: int = 0) -> dict:
    key = jax.random.key(seed)
    k1, k2, k3, k4, k5, k6 = jax.random.split(key, 6)
    x = jax.random.normal(k1, (N, D_IN), dtype=jnp.float32)
    edge_index = jax.random.randint(k2, (2, E), 0, N, dtype=jnp.int32)
    # GraphConv layer 1 params (glorot-style init)
    W1 = jax.random.normal(k3, (D_IN, D_HID), dtype=jnp.float32) * (1.0 / np.sqrt(D_IN))
    b1 = jnp.zeros((D_HID,), dtype=jnp.float32)
    # GraphConv layer 2 params
    W2 = jax.random.normal(k4, (D_HID, D_OUT), dtype=jnp.float32) * (1.0 / np.sqrt(D_HID))
    b2 = jnp.zeros((D_OUT,), dtype=jnp.float32)
    return {"x": x, "edge_index": edge_index, "W1": W1, "b1": b1, "W2": W2, "b2": b2}


def reference(x, edge_index, W1, b1, W2, b2):
    # dgl.add_self_loop: append one self-edge per node
    self_idx = jnp.arange(N, dtype=edge_index.dtype)
    src = jnp.concatenate([edge_index[0], self_idx])
    dst = jnp.concatenate([edge_index[1], self_idx])
    # degrees after self-loops
    deg_out = jnp.bincount(src, length=N).astype(x.dtype)
    deg_in = jnp.bincount(dst, length=N).astype(x.dtype)
    norm_out = jnp.where(deg_out > 0, jax.lax.rsqrt(jnp.maximum(deg_out, 1e-12)), 0.0)
    norm_in = jnp.where(deg_in > 0, jax.lax.rsqrt(jnp.maximum(deg_in, 1e-12)), 0.0)

    def graph_conv(h, W, b):
        # dgl GraphConv, norm='both': D_out^{-1/2} pre-scale, copy-src + sum, D_in^{-1/2} post-scale, linear
        h = h * norm_out[:, None]
        m = h[src]  # gather messages from source nodes
        agg = jax.ops.segment_sum(m, dst, num_segments=N)  # scatter-add to destination nodes
        agg = agg * norm_in[:, None]
        return agg @ W + b

    h = graph_conv(x, W1, b1)
    h = jax.nn.relu(h)
    out = graph_conv(h, W2, b2)
    return out

if __name__ == "__main__":
    import jax
    _d = setup_inputs()
    print(jax.jit(kernel)(*tuple(_d.values())))

</pallas_src>

<mosaic_0001>
#map = affine_map<(d0, d1) -> (0, 0)>
#map1 = affine_map<(d0, d1) -> (0, 0, 0)>
module attributes {stable_mosaic.version = 14 : i64} {
  func.func @_agg_kernel(%arg0: i32, %arg1: i32, %arg2: memref<10112x128xf32, #tpu.memory_space<hbm>>, %arg3: memref<2560x128xi32, #tpu.memory_space<hbm>>, %arg4: memref<2560x128xi32, #tpu.memory_space<hbm>>, %arg5: memref<128x128xf32, #tpu.memory_space<hbm>>, %arg6: memref<2x10112x128xf32, #tpu.memory_space<hbm>>, %arg7: memref<40x128xi32, #tpu.memory_space<vmem>>, %arg8: memref<40x128xi32, #tpu.memory_space<vmem>>, %arg9: memref<128x128xf32, #tpu.memory_space<vmem>>, %arg10: memref<128x128xf32, #tpu.memory_space<vmem>>, %arg11: memref<!tpu.dma_semaphore, #tpu.memory_space<semaphore_mem>>, %arg12: memref<!tpu.dma_semaphore, #tpu.memory_space<semaphore_mem>>, %arg13: memref<10112x128xf32, #tpu.memory_space<vmem_shared>>) attributes {dimension_semantics = [#tpu.dimension_semantics<core_parallel>, #tpu.dimension_semantics<subcore_parallel>], iteration_bounds = array<i64: 2, 16>, scalar_prefetch = 0 : i64, scratch_operands = 7 : i64, tpu.core_type = #tpu.core_type<sc_vector_subcore>, window_params = [{transform_indices = #map}, {transform_indices = #map}, {transform_indices = #map}, {transform_indices = #map}, {transform_indices = #map1}]} {
    %mul3A = arith.constant 2 : i32
    %mul3A_0 = arith.muli %arg1, %mul3A : i32
    %add3A = arith.addi %mul3A_0, %arg0 : i32
    %mul3A_1 = arith.constant 632 : i32
    %mul3A_2 = arith.muli %arg1, %mul3A_1 : i32
    "tpu.region"() ({
      %run_scoped3A_120 = tpu.sem_alloc : memref<!tpu.dma_semaphore, #tpu.memory_space<semaphore_mem>>
      tpu.enqueue_dma source(%arg5 : memref<128x128xf32, #tpu.memory_space<hbm>>) target(%arg9 : memref<128x128xf32, #tpu.memory_space<vmem>>) target_semaphore(%run_scoped3A_120 : memref<!tpu.dma_semaphore, #tpu.memory_space<semaphore_mem>>)
      tpu.wait_dma2 semaphore(%run_scoped3A_120 : memref<!tpu.dma_semaphore, #tpu.memory_space<semaphore_mem>>) src(%arg5 : memref<128x128xf32, #tpu.memory_space<hbm>>) dst(%arg9 : memref<128x128xf32, #tpu.memory_space<vmem>>)
      tpu.yield
    }) : () -> ()
    %add3A_3 = arith.constant 0 : i32
    %add3A_4 = arith.addi %mul3A_2, %add3A_3 : i32
    "tpu.region"() ({
      %run_scoped3A_120 = tpu.sem_alloc : memref<!tpu.dma_semaphore, #tpu.memory_space<semaphore_mem>>
      %dma_start3A_121 = arith.constant 0 : i32
      %dma_start3A_122 = tpu.memref_slice %arg13[%add3A_4, %dma_start3A_121] : memref<10112x128xf32, #tpu.memory_space<vmem_shared>> -> memref<128x128xf32, #tpu.memory_space<vmem_shared>>
      %dma_start3A_123 = arith.constant 0 : i32
      %dma_start3A_124 = tpu.memref_slice %arg13[%add3A_4, %dma_start3A_123] : memref<10112x128xf32, #tpu.memory_space<vmem_shared>> -> memref<128x128xf32, #tpu.memory_space<vmem_shared>>
      tpu.enqueue_dma source(%arg9 : memref<128x128xf32, #tpu.memory_space<vmem>>) target(%dma_start3A_124 : memref<128x128xf32, #tpu.memory_space<vmem_shared>>) target_semaphore(%run_scoped3A_120 : memref<!tpu.dma_semaphore, #tpu.memory_space<semaphore_mem>>)
      %dma_wait3A_125 = arith.constant 0 : i32
      %dma_wait3A_126 = tpu.memref_slice %arg13[%add3A_4, %dma_wait3A_125] : memref<10112x128xf32, #tpu.memory_space<vmem_shared>> -> memref<128x128xf32, #tpu.memory_space<vmem_shared>>
      %dma_wait3A_127 = arith.constant 0 : i32
      %dma_wait3A_128 = tpu.memref_slice %arg13[%add3A_4, %dma_wait3A_127] : memref<10112x128xf32, #tpu.memory_space<vmem_shared>> -> memref<128x128xf32, #tpu.memory_space<vmem_shared>>
      tpu.wait_dma2 semaphore(%run_scoped3A_120 : memref<!tpu.dma_semaphore, #tpu.memory_space<semaphore_mem>>) src(%arg9 : memref<128x128xf32, #tpu.memory_space<vmem>>) dst(%dma_wait3A_128 : memref<128x128xf32, #tpu.memory_space<vmem_shared>>)
      tpu.yield
    }) : () -> ()
    %add3A_5 = arith.constant 128 : i32
    %add3A_6 = arith.addi %mul3A_2, %add3A_5 : i32
    "tpu.region"() ({
      %run_scoped3A_120 = tpu.sem_alloc : memref<!tpu.dma_semaphore, #tpu.memory_space<semaphore_mem>>
      %dma_start3A_121 = arith.constant 0 : i32
      %dma_start3A_122 = tpu.memref_slice %arg13[%add3A_6, %dma_start3A_121] : memref<10112x128xf32, #tpu.memory_space<vmem_shared>> -> memref<128x128xf32, #tpu.memory_space<vmem_shared>>
      %dma_start3A_123 = arith.constant 0 : i32
      %dma_start3A_124 = tpu.memref_slice %arg13[%add3A_6, %dma_start3A_123] : memref<10112x128xf32, #tpu.memory_space<vmem_shared>> -> memref<128x128xf32, #tpu.memory_space<vmem_shared>>
      tpu.enqueue_dma source(%arg9 : memref<128x128xf32, #tpu.memory_space<vmem>>) target(%dma_start3A_124 : memref<128x128xf32, #tpu.memory_space<vmem_shared>>) target_semaphore(%run_scoped3A_120 : memref<!tpu.dma_semaphore, #tpu.memory_space<semaphore_mem>>)
      %dma_wait3A_125 = arith.constant 0 : i32
      %dma_wait3A_126 = tpu.memref_slice %arg13[%add3A_6, %dma_wait3A_125] : memref<10112x128xf32, #tpu.memory_space<vmem_shared>> -> memref<128x128xf32, #tpu.memory_space<vmem_shared>>
      %dma_wait3A_127 = arith.constant 0 : i32
      %dma_wait3A_128 = tpu.memref_slice %arg13[%add3A_6, %dma_wait3A_127] : memref<10112x128xf32, #tpu.memory_space<vmem_shared>> -> memref<128x128xf32, #tpu.memory_space<vmem_shared>>
      tpu.wait_dma2 semaphore(%run_scoped3A_120 : memref<!tpu.dma_semaphore, #tpu.memory_space<semaphore_mem>>) src(%arg9 : memref<128x128xf32, #tpu.memory_space<vmem>>) dst(%dma_wait3A_128 : memref<128x128xf32, #tpu.memory_space<vmem_shared>>)
      tpu.yield
    }) : () -> ()
    %add3A_7 = arith.constant 256 : i32
    %add3A_8 = arith.addi %mul3A_2, %add3A_7 : i32
    "tpu.region"() ({
      %run_scoped3A_120 = tpu.sem_alloc : memref<!tpu.dma_semaphore, #tpu.memory_space<semaphore_mem>>
      %dma_start3A_121 = arith.constant 0 : i32
      %dma_start3A_122 = tpu.memref_slice %arg13[%add3A_8, %dma_start3A_121] : memref<10112x128xf32, #tpu.memory_space<vmem_shared>> -> memref<128x128xf32, #tpu.memory_space<vmem_shared>>
      %dma_start3A_123 = arith.constant 0 : i32
      %dma_start3A_124 = tpu.memref_slice %arg13[%add3A_8, %dma_start3A_123] : memref<10112x128xf32, #tpu.memory_space<vmem_shared>> -> memref<128x128xf32, #tpu.memory_space<vmem_shared>>
      tpu.enqueue_dma source(%arg9 : memref<128x128xf32, #tpu.memory_space<vmem>>) target(%dma_start3A_124 : memref<128x128xf32, #tpu.memory_space<vmem_shared>>) target_semaphore(%run_scoped3A_120 : memref<!tpu.dma_semaphore, #tpu.memory_space<semaphore_mem>>)
      %dma_wait3A_125 = arith.constant 0 : i32
      %dma_wait3A_126 = tpu.memref_slice %arg13[%add3A_8, %dma_wait3A_125] : memref<10112x128xf32, #tpu.memory_space<vmem_shared>> -> memref<128x128xf32, #tpu.memory_space<vmem_shared>>
      %dma_wait3A_127 = arith.constant 0 : i32
      %dma_wait3A_128 = tpu.memref_slice %arg13[%add3A_8, %dma_wait3A_127] : memref<10112x128xf32, #tpu.memory_space<vmem_shared>> -> memref<128x128xf32, #tpu.memory_space<vmem_shared>>
      tpu.wait_dma2 semaphore(%run_scoped3A_120 : memref<!tpu.dma_semaphore, #tpu.memory_space<semaphore_mem>>) src(%arg9 : memref<128x128xf32, #tpu.memory_space<vmem>>) dst(%dma_wait3A_128 : memref<128x128xf32, #tpu.memory_space<vmem_shared>>)
      tpu.yield
    }) : () -> ()
    %add3A_9 = arith.constant 384 : i32
    %add3A_10 = arith.addi %mul3A_2, %add3A_9 : i32
    "tpu.region"() ({
      %run_scoped3A_120 = tpu.sem_alloc : memref<!tpu.dma_semaphore, #tpu.memory_space<semaphore_mem>>
      %dma_start3A_121 = arith.constant 0 : i32
      %dma_start3A_122 = tpu.memref_slice %arg13[%add3A_10, %dma_start3A_121] : memref<10112x128xf32, #tpu.memory_space<vmem_shared>> -> memref<128x128xf32, #tpu.memory_space<vmem_shared>>
      %dma_start3A_123 = arith.constant 0 : i32
      %dma_start3A_124 = tpu.memref_slice %arg13[%add3A_10, %dma_start3A_123] : memref<10112x128xf32, #tpu.memory_space<vmem_shared>> -> memref<128x128xf32, #tpu.memory_space<vmem_shared>>
      tpu.enqueue_dma source(%arg9 : memref<128x128xf32, #tpu.memory_space<vmem>>) target(%dma_start3A_124 : memref<128x128xf32, #tpu.memory_space<vmem_shared>>) target_semaphore(%run_scoped3A_120 : memref<!tpu.dma_semaphore, #tpu.memory_space<semaphore_mem>>)
      %dma_wait3A_125 = arith.constant 0 : i32
      %dma_wait3A_126 = tpu.memref_slice %arg13[%add3A_10, %dma_wait3A_125] : memref<10112x128xf32, #tpu.memory_space<vmem_shared>> -> memref<128x128xf32, #tpu.memory_space<vmem_shared>>
      %dma_wait3A_127 = arith.constant 0 : i32
      %dma_wait3A_128 = tpu.memref_slice %arg13[%add3A_10, %dma_wait3A_127] : memref<10112x128xf32, #tpu.memory_space<vmem_shared>> -> memref<128x128xf32, #tpu.memory_space<vmem_shared>>
      tpu.wait_dma2 semaphore(%run_scoped3A_120 : memref<!tpu.dma_semaphore, #tpu.memory_space<semaphore_mem>>) src(%arg9 : memref<128x128xf32, #tpu.memory_space<vmem>>) dst(%dma_wait3A_128 : memref<128x128xf32, #tpu.memory_space<vmem_shared>>)
      tpu.yield
    }) : () -> ()
    %add3A_11 = arith.constant 512 : i32
    %add3A_12 = arith.addi %mul3A_2, %add3A_11 : i32
    "tpu.region"() ({
      %run_scoped3A_120 = tpu.sem_alloc : memref<!tpu.dma_semaphore, #tpu.memory_space<semaphore_mem>>
      %dma_start3A_121 = arith.constant 0 : i32
      %dma_start3A_122 = arith.constant 0 : i32
      %dma_start3A_123 = tpu.memref_slice %arg9[%dma_start3A_121, %dma_start3A_122] : memref<128x128xf32, #tpu.memory_space<vmem>> -> memref<120x128xf32, #tpu.memory_space<vmem>>
      %dma_start3A_124 = arith.constant 0 : i32
      %dma_start3A_125 = tpu.memref_slice %arg13[%add3A_12, %dma_start3A_124] : memref<10112x128xf32, #tpu.memory_space<vmem_shared>> -> memref<120x128xf32, #tpu.memory_space<vmem_shared>>
      %dma_start3A_126 = arith.constant 0 : i32
      %dma_start3A_127 = tpu.memref_slice %arg13[%add3A_12, %dma_start3A_126] : memref<10112x128xf32, #tpu.memory_space<vmem_shared>> -> memref<120x128xf32, #tpu.memory_space<vmem_shared>>
      %dma_start3A_128 = arith.constant 0 : i32
      %dma_start3A_129 = arith.constant 0 : i32
      %dma_start3A_130 = tpu.memref_slice %arg9[%dma_start3A_128, %dma_start3A_129] : memref<128x128xf32, #tpu.memory_space<vmem>> -> memref<120x128xf32, #tpu.memory_space<vmem>>
      tpu.enqueue_dma source(%dma_start3A_130 : memref<120x128xf32, #tpu.memory_space<vmem>>) target(%dma_start3A_127 : memref<120x128xf32, #tpu.memory_space<vmem_shared>>) target_semaphore(%run_scoped3A_120 : memref<!tpu.dma_semaphore, #tpu.memory_space<semaphore_mem>>)
      %dma_wait3A_131 = arith.constant 0 : i32
      %dma_wait3A_132 = arith.constant 0 : i32
      %dma_wait3A_133 = tpu.memref_slice %arg9[%dma_wait3A_131, %dma_wait3A_132] : memref<128x128xf32, #tpu.memory_space<vmem>> -> memref<120x128xf32, #tpu.memory_space<vmem>>
      %dma_wait3A_134 = arith.constant 0 : i32
      %dma_wait3A_135 = tpu.memref_slice %arg13[%add3A_12, %dma_wait3A_134] : memref<10112x128xf32, #tpu.memory_space<vmem_shared>> -> memref<120x128xf32, #tpu.memory_space<vmem_shared>>
      %dma_wait3A_136 = arith.constant 0 : i32
      %dma_wait3A_137 = tpu.memref_slice %arg13[%add3A_12, %dma_wait3A_136] : memref<10112x128xf32, #tpu.memory_space<vmem_shared>> -> memref<120x128xf32, #tpu.memory_space<vmem_shared>>
      %dma_wait3A_138 = arith.constant 0 : i32
      %dma_wait3A_139 = arith.constant 0 : i32
      %dma_wait3A_140 = tpu.memref_slice %arg9[%dma_wait3A_138, %dma_wait3A_139] : memref<128x128xf32, #tpu.memory_space<vmem>> -> memref<120x128xf32, #tpu.memory_space<vmem>>
      tpu.wait_dma2 semaphore(%run_scoped3A_120 : memref<!tpu.dma_semaphore, #tpu.memory_space<semaphore_mem>>) src(%dma_wait3A_140 : memref<120x128xf32, #tpu.memory_space<vmem>>) dst(%dma_wait3A_137 : memref<120x128xf32, #tpu.memory_space<vmem_shared>>)
      tpu.yield
    }) : () -> ()
    %barrier3A = arith.constant 0 : index
    tpu.barrier barrier_id(%barrier3A)
    %mul3A_13 = arith.constant 80 : i32
    %mul3A_14 = arith.muli %add3A, %mul3A_13 : i32
    %add3A_15 = arith.constant 0 : i32
    %add3A_16 = arith.addi %mul3A_14, %add3A_15 : i32
    "tpu.region"() ({
      %run_scoped3A_120 = tpu.sem_alloc : memref<!tpu.dma_semaphore, #tpu.memory_space<semaphore_mem>>
      %dma_start3A_121 = arith.constant 0 : i32
      %dma_start3A_122 = tpu.memref_slice %arg3[%add3A_16, %dma_start3A_121] : memref<2560x128xi32, #tpu.memory_space<hbm>> -> memref<40x128xi32, #tpu.memory_space<hbm>>
      %dma_start3A_123 = arith.constant 0 : i32
      %dma_start3A_124 = tpu.memref_slice %arg3[%add3A_16, %dma_start3A_123] : memref<2560x128xi32, #tpu.memory_space<hbm>> -> memref<40x128xi32, #tpu.memory_space<hbm>>
      tpu.enqueue_dma source(%dma_start3A_124 : memref<40x128xi32, #tpu.memory_space<hbm>>) target(%arg7 : memref<40x128xi32, #tpu.memory_space<vmem>>) target_semaphore(%run_scoped3A_120 : memref<!tpu.dma_semaphore, #tpu.memory_space<semaphore_mem>>)
      %dma_wait3A_125 = arith.constant 0 : i32
      %dma_wait3A_126 = tpu.memref_slice %arg3[%add3A_16, %dma_wait3A_125] : memref<2560x128xi32, #tpu.memory_space<hbm>> -> memref<40x128xi32, #tpu.memory_space<hbm>>
      %dma_wait3A_127 = arith.constant 0 : i32
      %dma_wait3A_128 = tpu.memref_slice %arg3[%add3A_16, %dma_wait3A_127] : memref<2560x128xi32, #tpu.memory_space<hbm>> -> memref<40x128xi32, #tpu.memory_space<hbm>>
      tpu.wait_dma2 semaphore(%run_scoped3A_120 : memref<!tpu.dma_semaphore, #tpu.memory_space<semaphore_mem>>) src(%dma_wait3A_128 : memref<40x128xi32, #tpu.memory_space<hbm>>) dst(%arg7 : memref<40x128xi32, #tpu.memory_space<vmem>>)
      tpu.yield
    }) : () -> ()
    %mul3A_17 = arith.constant 80 : i32
    %mul3A_18 = arith.muli %add3A, %mul3A_17 : i32
    %add3A_19 = arith.constant 0 : i32
    %add3A_20 = arith.addi %mul3A_18, %add3A_19 : i32
    "tpu.region"() ({
      %run_scoped3A_120 = tpu.sem_alloc : memref<!tpu.dma_semaphore, #tpu.memory_space<semaphore_mem>>
      %dma_start3A_121 = arith.constant 0 : i32
      %dma_start3A_122 = tpu.memref_slice %arg4[%add3A_20, %dma_start3A_121] : memref<2560x128xi32, #tpu.memory_space<hbm>> -> memref<40x128xi32, #tpu.memory_space<hbm>>
      %dma_start3A_123 = arith.constant 0 : i32
      %dma_start3A_124 = tpu.memref_slice %arg4[%add3A_20, %dma_start3A_123] : memref<2560x128xi32, #tpu.memory_space<hbm>> -> memref<40x128xi32, #tpu.memory_space<hbm>>
      tpu.enqueue_dma source(%dma_start3A_124 : memref<40x128xi32, #tpu.memory_space<hbm>>) target(%arg8 : memref<40x128xi32, #tpu.memory_space<vmem>>) target_semaphore(%run_scoped3A_120 : memref<!tpu.dma_semaphore, #tpu.memory_space<semaphore_mem>>)
      %dma_wait3A_125 = arith.constant 0 : i32
      %dma_wait3A_126 = tpu.memref_slice %arg4[%add3A_20, %dma_wait3A_125] : memref<2560x128xi32, #tpu.memory_space<hbm>> -> memref<40x128xi32, #tpu.memory_space<hbm>>
      %dma_wait3A_127 = arith.constant 0 : i32
      %dma_wait3A_128 = tpu.memref_slice %arg4[%add3A_20, %dma_wait3A_127] : memref<2560x128xi32, #tpu.memory_space<hbm>> -> memref<40x128xi32, #tpu.memory_space<hbm>>
      tpu.wait_dma2 semaphore(%run_scoped3A_120 : memref<!tpu.dma_semaphore, #tpu.memory_space<semaphore_mem>>) src(%dma_wait3A_128 : memref<40x128xi32, #tpu.memory_space<hbm>>) dst(%arg8 : memref<40x128xi32, #tpu.memory_space<vmem>>)
      tpu.yield
    }) : () -> ()
    %dma_start3A = arith.constant 0 : i32
    %dma_start3A_21 = arith.constant 0 : i32
    %dma_start3A_22 = tpu.memref_slice %arg7[%dma_start3A, %dma_start3A_21] : memref<40x128xi32, #tpu.memory_space<vmem>> -> memref<1x128xi32, #tpu.memory_space<vmem>>
    %dma_start3A_23 = tpu.memref_squeeze %dma_start3A_22 : memref<1x128xi32, #tpu.memory_space<vmem>> -> memref<128xi32, #tpu.memory_space<vmem>>
    %dma_start3A_24 = arith.constant 0 : i32
    %dma_start3A_25 = arith.constant 0 : i32
    %dma_start3A_26 = tpu.memref_slice %arg2[%dma_start3A_24, %dma_start3A_25] : memref<10112x128xf32, #tpu.memory_space<hbm>> -> memref<10112x128xf32, #tpu.memory_space<hbm>>
    tpu.enqueue_indirect_dma source(%dma_start3A_26 : memref<10112x128xf32, #tpu.memory_space<hbm>>) target(%arg9 : memref<128x128xf32, #tpu.memory_space<vmem>>) offsets(%dma_start3A_23 : memref<128xi32, #tpu.memory_space<vmem>>) semaphore(%arg11 : memref<!tpu.dma_semaphore, #tpu.memory_space<semaphore_mem>>)
    %scan3A = arith.constant 0 : i32
    %scan3A_27 = arith.constant 0 : i32
    %scan3A_28 = arith.constant 19 : i32
    %scan3A_29 = arith.addi %scan3A_27, %scan3A_28 : i32
    %scan3A_30 = arith.constant 1 : i32
    %scan3A_31 = scf.for %scan3A_120 = %scan3A_27 to %scan3A_29 step %scan3A_30 iter_args(%scan3A_121 = %scan3A) -> (i32)  : i32 {
      %mul3A_122 = arith.constant 2 : i32
      %mul3A_123 = arith.muli %mul3A_122, %scan3A_120 : i32
      %add3A_124 = arith.constant 1 : i32
      %add3A_125 = arith.addi %mul3A_123, %add3A_124 : i32
      %dma_start3A_126 = arith.constant 0 : i32
      %dma_start3A_127 = tpu.memref_slice %arg7[%add3A_125, %dma_start3A_126] : memref<40x128xi32, #tpu.memory_space<vmem>> -> memref<1x128xi32, #tpu.memory_space<vmem>>
      %dma_start3A_128 = tpu.memref_squeeze %dma_start3A_127 : memref<1x128xi32, #tpu.memory_space<vmem>> -> memref<128xi32, #tpu.memory_space<vmem>>
      %dma_start3A_129 = arith.constant 0 : i32
      %dma_start3A_130 = arith.constant 0 : i32
      %dma_start3A_131 = tpu.memref_slice %arg2[%dma_start3A_129, %dma_start3A_130] : memref<10112x128xf32, #tpu.memory_space<hbm>> -> memref<10112x128xf32, #tpu.memory_space<hbm>>
      tpu.enqueue_indirect_dma source(%dma_start3A_131 : memref<10112x128xf32, #tpu.memory_space<hbm>>) target(%arg10 : memref<128x128xf32, #tpu.memory_space<vmem>>) offsets(%dma_start3A_128 : memref<128xi32, #tpu.memory_space<vmem>>) semaphore(%arg12 : memref<!tpu.dma_semaphore, #tpu.memory_space<semaphore_mem>>)
      %dma_wait3A_132 = arith.constant 0 : i32
      %dma_wait3A_133 = tpu.memref_slice %arg7[%mul3A_123, %dma_wait3A_132] : memref<40x128xi32, #tpu.memory_space<vmem>> -> memref<1x128xi32, #tpu.memory_space<vmem>>
      %dma_wait3A_134 = tpu.memref_squeeze %dma_wait3A_133 : memref<1x128xi32, #tpu.memory_space<vmem>> -> memref<128xi32, #tpu.memory_space<vmem>>
      %dma_wait3A_135 = arith.constant 0 : i32
      %dma_wait3A_136 = arith.constant 0 : i32
      %dma_wait3A_137 = tpu.memref_slice %arg2[%dma_wait3A_135, %dma_wait3A_136] : memref<10112x128xf32, #tpu.memory_space<hbm>> -> memref<10112x128xf32, #tpu.memory_space<hbm>>
      tpu.wait_indirect_dma semaphore(%arg11 : memref<!tpu.dma_semaphore, #tpu.memory_space<semaphore_mem>>) src(%dma_wait3A_137 : memref<10112x128xf32, #tpu.memory_space<hbm>>) dst(%arg9 : memref<128x128xf32, #tpu.memory_space<vmem>>)
      "tpu.region"() ({
        %run_scoped3A_157 = tpu.sem_alloc : memref<!tpu.dma_semaphore, #tpu.memory_space<semaphore_mem>>
        %dma_start3A_158 = arith.constant 0 : i32
        %dma_start3A_159 = tpu.memref_slice %arg8[%mul3A_123, %dma_start3A_158] : memref<40x128xi32, #tpu.memory_space<vmem>> -> memref<1x128xi32, #tpu.memory_space<vmem>>
        %dma_start3A_160 = tpu.memref_squeeze %dma_start3A_159 : memref<1x128xi32, #tpu.memory_space<vmem>> -> memref<128xi32, #tpu.memory_space<vmem>>
        %dma_start3A_161 = arith.constant 0 : i32
        %dma_start3A_162 = arith.constant 0 : i32
        %dma_start3A_163 = tpu.memref_slice %arg13[%dma_start3A_161, %dma_start3A_162] : memref<10112x128xf32, #tpu.memory_space<vmem_shared>> -> memref<10112x128xf32, #tpu.memory_space<vmem_shared>>
        tpu.enqueue_indirect_dma source(%arg9 : memref<128x128xf32, #tpu.memory_space<vmem>>) target(%dma_start3A_163 : memref<10112x128xf32, #tpu.memory_space<vmem_shared>>) offsets(%dma_start3A_160 : memref<128xi32, #tpu.memory_space<vmem>>) semaphore(%run_scoped3A_157 : memref<!tpu.dma_semaphore, #tpu.memory_space<semaphore_mem>>) {add = true}
        %dma_wait3A_164 = arith.constant 0 : i32
        %dma_wait3A_165 = tpu.memref_slice %arg8[%mul3A_123, %dma_wait3A_164] : memref<40x128xi32, #tpu.memory_space<vmem>> -> memref<1x128xi32, #tpu.memory_space<vmem>>
        %dma_wait3A_166 = tpu.memref_squeeze %dma_wait3A_165 : memref<1x128xi32, #tpu.memory_space<vmem>> -> memref<128xi32, #tpu.memory_space<vmem>>
        %dma_wait3A_167 = arith.constant 0 : i32
        %dma_wait3A_168 = arith.constant 0 : i32
        %dma_wait3A_169 = tpu.memref_slice %arg13[%dma_wait3A_167, %dma_wait3A_168] : memref<10112x128xf32, #tpu.memory_space<vmem_shared>> -> memref<10112x128xf32, #tpu.memory_space<vmem_shared>>
        tpu.wait_indirect_dma semaphore(%run_scoped3A_157 : memref<!tpu.dma_semaphore, #tpu.memory_space<semaphore_mem>>) src(%arg9 : memref<128x128xf32, #tpu.memory_space<vmem>>) dst(%dma_wait3A_169 : memref<10112x128xf32, #tpu.memory_space<vmem_shared>>)
        tpu.yield
      }) : () -> ()
      %add3A_138 = arith.constant 2 : i32
      %add3A_139 = arith.addi %mul3A_123, %add3A_138 : i32
      %dma_start3A_140 = arith.constant 0 : i32
      %dma_start3A_141 = tpu.memref_slice %arg7[%add3A_139, %dma_start3A_140] : memref<40x128xi32, #tpu.memory_space<vmem>> -> memref<1x128xi32, #tpu.memory_space<vmem>>
      %dma_start3A_142 = tpu.memref_squeeze %dma_start3A_141 : memref<1x128xi32, #tpu.memory_space<vmem>> -> memref<128xi32, #tpu.memory_space<vmem>>
      %dma_start3A_143 = arith.constant 0 : i32
      %dma_start3A_144 = arith.constant 0 : i32
      %dma_start3A_145 = tpu.memref_slice %arg2[%dma_start3A_143, %dma_start3A_144] : memref<10112x128xf32, #tpu.memory_space<hbm>> -> memref<10112x128xf32, #tpu.memory_space<hbm>>
      tpu.enqueue_indirect_dma source(%dma_start3A_145 : memref<10112x128xf32, #tpu.memory_space<hbm>>) target(%arg9 : memref<128x128xf32, #tpu.memory_space<vmem>>) offsets(%dma_start3A_142 : memref<128xi32, #tpu.memory_space<vmem>>) semaphore(%arg11 : memref<!tpu.dma_semaphore, #tpu.memory_space<semaphore_mem>>)
      %add3A_146 = arith.constant 1 : i32
      %add3A_147 = arith.addi %mul3A_123, %add3A_146 : i32
      %dma_wait3A_148 = arith.constant 0 : i32
      %dma_wait3A_149 = tpu.memref_slice %arg7[%add3A_147, %dma_wait3A_148] : memref<40x128xi32, #tpu.memory_space<vmem>> -> memref<1x128xi32, #tpu.memory_space<vmem>>
      %dma_wait3A_150 = tpu.memref_squeeze %dma_wait3A_149 : memref<1x128xi32, #tpu.memory_space<vmem>> -> memref<128xi32, #tpu.memory_space<vmem>>
      %dma_wait3A_151 = arith.constant 0 : i32
      %dma_wait3A_152 = arith.constant 0 : i32
      %dma_wait3A_153 = tpu.memref_slice %arg2[%dma_wait3A_151, %dma_wait3A_152] : memref<10112x128xf32, #tpu.memory_space<hbm>> -> memref<10112x128xf32, #tpu.memory_space<hbm>>
      tpu.wait_indirect_dma semaphore(%arg12 : memref<!tpu.dma_semaphore, #tpu.memory_space<semaphore_mem>>) src(%dma_wait3A_153 : memref<10112x128xf32, #tpu.memory_space<hbm>>) dst(%arg10 : memref<128x128xf32, #tpu.memory_space<vmem>>)
      %add3A_154 = arith.constant 1 : i32
      %add3A_155 = arith.addi %mul3A_123, %add3A_154 : i32
      "tpu.region"() ({
        %run_scoped3A_157 = tpu.sem_alloc : memref<!tpu.dma_semaphore, #tpu.memory_space<semaphore_mem>>
        %dma_start3A_158 = arith.constant 0 : i32
        %dma_start3A_159 = tpu.memref_slice %arg8[%add3A_155, %dma_start3A_158] : memref<40x128xi32, #tpu.memory_space<vmem>> -> memref<1x128xi32, #tpu.memory_space<vmem>>
        %dma_start3A_160 = tpu.memref_squeeze %dma_start3A_159 : memref<1x128xi32, #tpu.memory_space<vmem>> -> memref<128xi32, #tpu.memory_space<vmem>>
        %dma_start3A_161 = arith.constant 0 : i32
        %dma_start3A_162 = arith.constant 0 : i32
        %dma_start3A_163 = tpu.memref_slice %arg13[%dma_start3A_161, %dma_start3A_162] : memref<10112x128xf32, #tpu.memory_space<vmem_shared>> -> memref<10112x128xf32, #tpu.memory_space<vmem_shared>>
        tpu.enqueue_indirect_dma source(%arg10 : memref<128x128xf32, #tpu.memory_space<vmem>>) target(%dma_start3A_163 : memref<10112x128xf32, #tpu.memory_space<vmem_shared>>) offsets(%dma_start3A_160 : memref<128xi32, #tpu.memory_space<vmem>>) semaphore(%run_scoped3A_157 : memref<!tpu.dma_semaphore, #tpu.memory_space<semaphore_mem>>) {add = true}
        %dma_wait3A_164 = arith.constant 0 : i32
        %dma_wait3A_165 = tpu.memref_slice %arg8[%add3A_155, %dma_wait3A_164] : memref<40x128xi32, #tpu.memory_space<vmem>> -> memref<1x128xi32, #tpu.memory_space<vmem>>
        %dma_wait3A_166 = tpu.memref_squeeze %dma_wait3A_165 : memref<1x128xi32, #tpu.memory_space<vmem>> -> memref<128xi32, #tpu.memory_space<vmem>>
        %dma_wait3A_167 = arith.constant 0 : i32
        %dma_wait3A_168 = arith.constant 0 : i32
        %dma_wait3A_169 = tpu.memref_slice %arg13[%dma_wait3A_167, %dma_wait3A_168] : memref<10112x128xf32, #tpu.memory_space<vmem_shared>> -> memref<10112x128xf32, #tpu.memory_space<vmem_shared>>
        tpu.wait_indirect_dma semaphore(%run_scoped3A_157 : memref<!tpu.dma_semaphore, #tpu.memory_space<semaphore_mem>>) src(%arg10 : memref<128x128xf32, #tpu.memory_space<vmem>>) dst(%dma_wait3A_169 : memref<10112x128xf32, #tpu.memory_space<vmem_shared>>)
        tpu.yield
      }) : () -> ()
      %scan3A_156 = arith.constant 0 : i32
      scf.yield %scan3A_156 : i32
    }
    %scan3A_32 = arith.constant 19 : i32
    %dma_start3A_33 = arith.constant 39 : i32
    %dma_start3A_34 = arith.constant 0 : i32
    %dma_start3A_35 = tpu.memref_slice %arg7[%dma_start3A_33, %dma_start3A_34] : memref<40x128xi32, #tpu.memory_space<vmem>> -> memref<1x128xi32, #tpu.memory_space<vmem>>
    %dma_start3A_36 = tpu.memref_squeeze %dma_start3A_35 : memref<1x128xi32, #tpu.memory_space<vmem>> -> memref<128xi32, #tpu.memory_space<vmem>>
    %dma_start3A_37 = arith.constant 0 : i32
    %dma_start3A_38 = arith.constant 0 : i32
    %dma_start3A_39 = tpu.memref_slice %arg2[%dma_start3A_37, %dma_start3A_38] : memref<10112x128xf32, #tpu.memory_space<hbm>> -> memref<10112x128xf32, #tpu.memory_space<hbm>>
    tpu.enqueue_indirect_dma source(%dma_start3A_39 : memref<10112x128xf32, #tpu.memory_space<hbm>>) target(%arg10 : memref<128x128xf32, #tpu.memory_space<vmem>>) offsets(%dma_start3A_36 : memref<128xi32, #tpu.memory_space<vmem>>) semaphore(%arg12 : memref<!tpu.dma_semaphore, #tpu.memory_space<semaphore_mem>>)
    %dma_wait3A = arith.constant 38 : i32
    %dma_wait3A_40 = arith.constant 0 : i32
    %dma_wait3A_41 = tpu.memref_slice %arg7[%dma_wait3A, %dma_wait3A_40] : memref<40x128xi32, #tpu.memory_space<vmem>> -> memref<1x128xi32, #tpu.memory_space<vmem>>
    %dma_wait3A_42 = tpu.memref_squeeze %dma_wait3A_41 : memref<1x128xi32, #tpu.memory_space<vmem>> -> memref<128xi32, #tpu.memory_space<vmem>>
    %dma_wait3A_43 = arith.constant 0 : i32
    %dma_wait3A_44 = arith.constant 0 : i32
    %dma_wait3A_45 = tpu.memref_slice %arg2[%dma_wait3A_43, %dma_wait3A_44] : memref<10112x128xf32, #tpu.memory_space<hbm>> -> memref<10112x128xf32, #tpu.memory_space<hbm>>
    tpu.wait_indirect_dma semaphore(%arg11 : memref<!tpu.dma_semaphore, #tpu.memory_space<semaphore_mem>>) src(%dma_wait3A_45 : memref<10112x128xf32, #tpu.memory_space<hbm>>) dst(%arg9 : memref<128x128xf32, #tpu.memory_space<vmem>>)
    %run_scoped3A = arith.constant 38 : i32
    "tpu.region"() ({
      %run_scoped3A_120 = tpu.sem_alloc : memref<!tpu.dma_semaphore, #tpu.memory_space<semaphore_mem>>
      %dma_start3A_121 = arith.constant 0 : i32
      %dma_start3A_122 = tpu.memref_slice %arg8[%run_scoped3A, %dma_start3A_121] : memref<40x128xi32, #tpu.memory_space<vmem>> -> memref<1x128xi32, #tpu.memory_space<vmem>>
      %dma_start3A_123 = tpu.memref_squeeze %dma_start3A_122 : memref<1x128xi32, #tpu.memory_space<vmem>> -> memref<128xi32, #tpu.memory_space<vmem>>
      %dma_start3A_124 = arith.constant 0 : i32
      %dma_start3A_125 = arith.constant 0 : i32
      %dma_start3A_126 = tpu.memref_slice %arg13[%dma_start3A_124, %dma_start3A_125] : memref<10112x128xf32, #tpu.memory_space<vmem_shared>> -> memref<10112x128xf32, #tpu.memory_space<vmem_shared>>
      tpu.enqueue_indirect_dma source(%arg9 : memref<128x128xf32, #tpu.memory_space<vmem>>) target(%dma_start3A_126 : memref<10112x128xf32, #tpu.memory_space<vmem_shared>>) offsets(%dma_start3A_123 : memref<128xi32, #tpu.memory_space<vmem>>) semaphore(%run_scoped3A_120 : memref<!tpu.dma_semaphore, #tpu.memory_space<semaphore_mem>>) {add = true}
      %dma_wait3A_127 = arith.constant 0 : i32
      %dma_wait3A_128 = tpu.memref_slice %arg8[%run_scoped3A, %dma_wait3A_127] : memref<40x128xi32, #tpu.memory_space<vmem>> -> memref<1x128xi32, #tpu.memory_space<vmem>>
      %dma_wait3A_129 = tpu.memref_squeeze %dma_wait3A_128 : memref<1x128xi32, #tpu.memory_space<vmem>> -> memref<128xi32, #tpu.memory_space<vmem>>
      %dma_wait3A_130 = arith.constant 0 : i32
      %dma_wait3A_131 = arith.constant 0 : i32
      %dma_wait3A_132 = tpu.memref_slice %arg13[%dma_wait3A_130, %dma_wait3A_131] : memref<10112x128xf32, #tpu.memory_space<vmem_shared>> -> memref<10112x128xf32, #tpu.memory_space<vmem_shared>>
      tpu.wait_indirect_dma semaphore(%run_scoped3A_120 : memref<!tpu.dma_semaphore, #tpu.memory_space<semaphore_mem>>) src(%arg9 : memref<128x128xf32, #tpu.memory_space<vmem>>) dst(%dma_wait3A_132 : memref<10112x128xf32, #tpu.memory_space<vmem_shared>>)
      tpu.yield
    }) : () -> ()
    %dma_wait3A_46 = arith.constant 39 : i32
    %dma_wait3A_47 = arith.constant 0 : i32
    %dma_wait3A_48 = tpu.memref_slice %arg7[%dma_wait3A_46, %dma_wait3A_47] : memref<40x128xi32, #tpu.memory_space<vmem>> -> memref<1x128xi32, #tpu.memory_space<vmem>>
    %dma_wait3A_49 = tpu.memref_squeeze %dma_wait3A_48 : memref<1x128xi32, #tpu.memory_space<vmem>> -> memref<128xi32, #tpu.memory_space<vmem>>
    %dma_wait3A_50 = arith.constant 0 : i32
    %dma_wait3A_51 = arith.constant 0 : i32
    %dma_wait3A_52 = tpu.memref_slice %arg2[%dma_wait3A_50, %dma_wait3A_51] : memref<10112x128xf32, #tpu.memory_space<hbm>> -> memref<10112x128xf32, #tpu.memory_space<hbm>>
    tpu.wait_indirect_dma semaphore(%arg12 : memref<!tpu.dma_semaphore, #tpu.memory_space<semaphore_mem>>) src(%dma_wait3A_52 : memref<10112x128xf32, #tpu.memory_space<hbm>>) dst(%arg10 : memref<128x128xf32, #tpu.memory_space<vmem>>)
    %run_scoped3A_53 = arith.constant 39 : i32
    "tpu.region"() ({
      %run_scoped3A_120 = tpu.sem_alloc : memref<!tpu.dma_semaphore, #tpu.memory_space<semaphore_mem>>
      %dma_start3A_121 = arith.constant 0 : i32
      %dma_start3A_122 = tpu.memref_slice %arg8[%run_scoped3A_53, %dma_start3A_121] : memref<40x128xi32, #tpu.memory_space<vmem>> -> memref<1x128xi32, #tpu.memory_space<vmem>>
      %dma_start3A_123 = tpu.memref_squeeze %dma_start3A_122 : memref<1x128xi32, #tpu.memory_space<vmem>> -> memref<128xi32, #tpu.memory_space<vmem>>
      %dma_start3A_124 = arith.constant 0 : i32
      %dma_start3A_125 = arith.constant 0 : i32
      %dma_start3A_126 = tpu.memref_slice %arg13[%dma_start3A_124, %dma_start3A_125] : memref<10112x128xf32, #tpu.memory_space<vmem_shared>> -> memref<10112x128xf32, #tpu.memory_space<vmem_shared>>
      tpu.enqueue_indirect_dma source(%arg10 : memref<128x128xf32, #tpu.memory_space<vmem>>) target(%dma_start3A_126 : memref<10112x128xf32, #tpu.memory_space<vmem_shared>>) offsets(%dma_start3A_123 : memref<128xi32, #tpu.memory_space<vmem>>) semaphore(%run_scoped3A_120 : memref<!tpu.dma_semaphore, #tpu.memory_space<semaphore_mem>>) {add = true}
      %dma_wait3A_127 = arith.constant 0 : i32
      %dma_wait3A_128 = tpu.memref_slice %arg8[%run_scoped3A_53, %dma_wait3A_127] : memref<40x128xi32, #tpu.memory_space<vmem>> -> memref<1x128xi32, #tpu.memory_space<vmem>>
      %dma_wait3A_129 = tpu.memref_squeeze %dma_wait3A_128 : memref<1x128xi32, #tpu.memory_space<vmem>> -> memref<128xi32, #tpu.memory_space<vmem>>
      %dma_wait3A_130 = arith.constant 0 : i32
      %dma_wait3A_131 = arith.constant 0 : i32
      %dma_wait3A_132 = tpu.memref_slice %arg13[%dma_wait3A_130, %dma_wait3A_131] : memref<10112x128xf32, #tpu.memory_space<vmem_shared>> -> memref<10112x128xf32, #tpu.memory_space<vmem_shared>>
      tpu.wait_indirect_dma semaphore(%run_scoped3A_120 : memref<!tpu.dma_semaphore, #tpu.memory_space<semaphore_mem>>) src(%arg10 : memref<128x128xf32, #tpu.memory_space<vmem>>) dst(%dma_wait3A_132 : memref<10112x128xf32, #tpu.memory_space<vmem_shared>>)
      tpu.yield
    }) : () -> ()
    %mul3A_54 = arith.constant 80 : i32
    %mul3A_55 = arith.muli %add3A, %mul3A_54 : i32
    %add3A_56 = arith.constant 40 : i32
    %add3A_57 = arith.addi %mul3A_55, %add3A_56 : i32
    "tpu.region"() ({
      %run_scoped3A_120 = tpu.sem_alloc : memref<!tpu.dma_semaphore, #tpu.memory_space<semaphore_mem>>
      %dma_start3A_121 = arith.constant 0 : i32
      %dma_start3A_122 = tpu.memref_slice %arg3[%add3A_57, %dma_start3A_121] : memref<2560x128xi32, #tpu.memory_space<hbm>> -> memref<40x128xi32, #tpu.memory_space<hbm>>
      %dma_start3A_123 = arith.constant 0 : i32
      %dma_start3A_124 = tpu.memref_slice %arg3[%add3A_57, %dma_start3A_123] : memref<2560x128xi32, #tpu.memory_space<hbm>> -> memref<40x128xi32, #tpu.memory_space<hbm>>
      tpu.enqueue_dma source(%dma_start3A_124 : memref<40x128xi32, #tpu.memory_space<hbm>>) target(%arg7 : memref<40x128xi32, #tpu.memory_space<vmem>>) target_semaphore(%run_scoped3A_120 : memref<!tpu.dma_semaphore, #tpu.memory_space<semaphore_mem>>)
      %dma_wait3A_125 = arith.constant 0 : i32
      %dma_wait3A_126 = tpu.memref_slice %arg3[%add3A_57, %dma_wait3A_125] : memref<2560x128xi32, #tpu.memory_space<hbm>> -> memref<40x128xi32, #tpu.memory_space<hbm>>
      %dma_wait3A_127 = arith.constant 0 : i32
      %dma_wait3A_128 = tpu.memref_slice %arg3[%add3A_57, %dma_wait3A_127] : memref<2560x128xi32, #tpu.memory_space<hbm>> -> memref<40x128xi32, #tpu.memory_space<hbm>>
      tpu.wait_dma2 semaphore(%run_scoped3A_120 : memref<!tpu.dma_semaphore, #tpu.memory_space<semaphore_mem>>) src(%dma_wait3A_128 : memref<40x128xi32, #tpu.memory_space<hbm>>) dst(%arg7 : memref<40x128xi32, #tpu.memory_space<vmem>>)
      tpu.yield
    }) : () -> ()
    %mul3A_58 = arith.constant 80 : i32
    %mul3A_59 = arith.muli %add3A, %mul3A_58 : i32
    %add3A_60 = arith.constant 40 : i32
    %add3A_61 = arith.addi %mul3A_59, %add3A_60 : i32
    "tpu.region"() ({
      %run_scoped3A_120 = tpu.sem_alloc : memref<!tpu.dma_semaphore, #tpu.memory_space<semaphore_mem>>
      %dma_start3A_121 = arith.constant 0 : i32
      %dma_start3A_122 = tpu.memref_slice %arg4[%add3A_61, %dma_start3A_121] : memref<2560x128xi32, #tpu.memory_space<hbm>> -> memref<40x128xi32, #tpu.memory_space<hbm>>
      %dma_start3A_123 = arith.constant 0 : i32
      %dma_start3A_124 = tpu.memref_slice %arg4[%add3A_61, %dma_start3A_123] : memref<2560x128xi32, #tpu.memory_space<hbm>> -> memref<40x128xi32, #tpu.memory_space<hbm>>
      tpu.enqueue_dma source(%dma_start3A_124 : memref<40x128xi32, #tpu.memory_space<hbm>>) target(%arg8 : memref<40x128xi32, #tpu.memory_space<vmem>>) target_semaphore(%run_scoped3A_120 : memref<!tpu.dma_semaphore, #tpu.memory_space<semaphore_mem>>)
      %dma_wait3A_125 = arith.constant 0 : i32
      %dma_wait3A_126 = tpu.memref_slice %arg4[%add3A_61, %dma_wait3A_125] : memref<2560x128xi32, #tpu.memory_space<hbm>> -> memref<40x128xi32, #tpu.memory_space<hbm>>
      %dma_wait3A_127 = arith.constant 0 : i32
      %dma_wait3A_128 = tpu.memref_slice %arg4[%add3A_61, %dma_wait3A_127] : memref<2560x128xi32, #tpu.memory_space<hbm>> -> memref<40x128xi32, #tpu.memory_space<hbm>>
      tpu.wait_dma2 semaphore(%run_scoped3A_120 : memref<!tpu.dma_semaphore, #tpu.memory_space<semaphore_mem>>) src(%dma_wait3A_128 : memref<40x128xi32, #tpu.memory_space<hbm>>) dst(%arg8 : memref<40x128xi32, #tpu.memory_space<vmem>>)
      tpu.yield
    }) : () -> ()
    %dma_start3A_62 = arith.constant 0 : i32
    %dma_start3A_63 = arith.constant 0 : i32
    %dma_start3A_64 = tpu.memref_slice %arg7[%dma_start3A_62, %dma_start3A_63] : memref<40x128xi32, #tpu.memory_space<vmem>> -> memref<1x128xi32, #tpu.memory_space<vmem>>
    %dma_start3A_65 = tpu.memref_squeeze %dma_start3A_64 : memref<1x128xi32, #tpu.memory_space<vmem>> -> memref<128xi32, #tpu.memory_space<vmem>>
    %dma_start3A_66 = arith.constant 0 : i32
    %dma_start3A_67 = arith.constant 0 : i32
    %dma_start3A_68 = tpu.memref_slice %arg2[%dma_start3A_66, %dma_start3A_67] : memref<10112x128xf32, #tpu.memory_space<hbm>> -> memref<10112x128xf32, #tpu.memory_space<hbm>>
    tpu.enqueue_indirect_dma source(%dma_start3A_68 : memref<10112x128xf32, #tpu.memory_space<hbm>>) target(%arg9 : memref<128x128xf32, #tpu.memory_space<vmem>>) offsets(%dma_start3A_65 : memref<128xi32, #tpu.memory_space<vmem>>) semaphore(%arg11 : memref<!tpu.dma_semaphore, #tpu.memory_space<semaphore_mem>>)
    %scan3A_69 = arith.constant 0 : i32
    %scan3A_70 = arith.constant 0 : i32
    %scan3A_71 = arith.constant 19 : i32
    %scan3A_72 = arith.addi %scan3A_70, %scan3A_71 : i32
    %scan3A_73 = arith.constant 1 : i32
    %scan3A_74 = scf.for %scan3A_120 = %scan3A_70 to %scan3A_72 step %scan3A_73 iter_args(%scan3A_121 = %scan3A_69) -> (i32)  : i32 {
      %mul3A_122 = arith.constant 2 : i32
      %mul3A_123 = arith.muli %mul3A_122, %scan3A_120 : i32
      %add3A_124 = arith.constant 1 : i32
      %add3A_125 = arith.addi %mul3A_123, %add3A_124 : i32
      %dma_start3A_126 = arith.constant 0 : i32
      %dma_start3A_127 = tpu.memref_slice %arg7[%add3A_125, %dma_start3A_126] : memref<40x128xi32, #tpu.memory_space<vmem>> -> memref<1x128xi32, #tpu.memory_space<vmem>>
      %dma_start3A_128 = tpu.memref_squeeze %dma_start3A_127 : memref<1x128xi32, #tpu.memory_space<vmem>> -> memref<128xi32, #tpu.memory_space<vmem>>
      %dma_start3A_129 = arith.constant 0 : i32
      %dma_start3A_130 = arith.constant 0 : i32
      %dma_start3A_131 = tpu.memref_slice %arg2[%dma_start3A_129, %dma_start3A_130] : memref<10112x128xf32, #tpu.memory_space<hbm>> -> memref<10112x128xf32, #tpu.memory_space<hbm>>
      tpu.enqueue_indirect_dma source(%dma_start3A_131 : memref<10112x128xf32, #tpu.memory_space<hbm>>) target(%arg10 : memref<128x128xf32, #tpu.memory_space<vmem>>) offsets(%dma_start3A_128 : memref<128xi32, #tpu.memory_space<vmem>>) semaphore(%arg12 : memref<!tpu.dma_semaphore, #tpu.memory_space<semaphore_mem>>)
      %dma_wait3A_132 = arith.constant 0 : i32
      %dma_wait3A_133 = tpu.memref_slice %arg7[%mul3A_123, %dma_wait3A_132] : memref<40x128xi32, #tpu.memory_space<vmem>> -> memref<1x128xi32, #tpu.memory_space<vmem>>
      %dma_wait3A_134 = tpu.memref_squeeze %dma_wait3A_133 : memref<1x128xi32, #tpu.memory_space<vmem>> -> memref<128xi32, #tpu.memory_space<vmem>>
      %dma_wait3A_135 = arith.constant 0 : i32
      %dma_wait3A_136 = arith.constant 0 : i32
      %dma_wait3A_137 = tpu.memref_slice %arg2[%dma_wait3A_135, %dma_wait3A_136] : memref<10112x128xf32, #tpu.memory_space<hbm>> -> memref<10112x128xf32, #tpu.memory_space<hbm>>
      tpu.wait_indirect_dma semaphore(%arg11 : memref<!tpu.dma_semaphore, #tpu.memory_space<semaphore_mem>>) src(%dma_wait3A_137 : memref<10112x128xf32, #tpu.memory_space<hbm>>) dst(%arg9 : memref<128x128xf32, #tpu.memory_space<vmem>>)
      "tpu.region"() ({
        %run_scoped3A_157 = tpu.sem_alloc : memref<!tpu.dma_semaphore, #tpu.memory_space<semaphore_mem>>
        %dma_start3A_158 = arith.constant 0 : i32
        %dma_start3A_159 = tpu.memref_slice %arg8[%mul3A_123, %dma_start3A_158] : memref<40x128xi32, #tpu.memory_space<vmem>> -> memref<1x128xi32, #tpu.memory_space<vmem>>
        %dma_start3A_160 = tpu.memref_squeeze %dma_start3A_159 : memref<1x128xi32, #tpu.memory_space<vmem>> -> memref<128xi32, #tpu.memory_space<vmem>>
        %dma_start3A_161 = arith.constant 0 : i32
        %dma_start3A_162 = arith.constant 0 : i32
        %dma_start3A_163 = tpu.memref_slice %arg13[%dma_start3A_161, %dma_start3A_162] : memref<10112x128xf32, #tpu.memory_space<vmem_shared>> -> memref<10112x128xf32, #tpu.memory_space<vmem_shared>>
        tpu.enqueue_indirect_dma source(%arg9 : memref<128x128xf32, #tpu.memory_space<vmem>>) target(%dma_start3A_163 : memref<10112x128xf32, #tpu.memory_space<vmem_shared>>) offsets(%dma_start3A_160 : memref<128xi32, #tpu.memory_space<vmem>>) semaphore(%run_scoped3A_157 : memref<!tpu.dma_semaphore, #tpu.memory_space<semaphore_mem>>) {add = true}
        %dma_wait3A_164 = arith.constant 0 : i32
        %dma_wait3A_165 = tpu.memref_slice %arg8[%mul3A_123, %dma_wait3A_164] : memref<40x128xi32, #tpu.memory_space<vmem>> -> memref<1x128xi32, #tpu.memory_space<vmem>>
        %dma_wait3A_166 = tpu.memref_squeeze %dma_wait3A_165 : memref<1x128xi32, #tpu.memory_space<vmem>> -> memref<128xi32, #tpu.memory_space<vmem>>
        %dma_wait3A_167 = arith.constant 0 : i32
        %dma_wait3A_168 = arith.constant 0 : i32
        %dma_wait3A_169 = tpu.memref_slice %arg13[%dma_wait3A_167, %dma_wait3A_168] : memref<10112x128xf32, #tpu.memory_space<vmem_shared>> -> memref<10112x128xf32, #tpu.memory_space<vmem_shared>>
        tpu.wait_indirect_dma semaphore(%run_scoped3A_157 : memref<!tpu.dma_semaphore, #tpu.memory_space<semaphore_mem>>) src(%arg9 : memref<128x128xf32, #tpu.memory_space<vmem>>) dst(%dma_wait3A_169 : memref<10112x128xf32, #tpu.memory_space<vmem_shared>>)
        tpu.yield
      }) : () -> ()
      %add3A_138 = arith.constant 2 : i32
      %add3A_139 = arith.addi %mul3A_123, %add3A_138 : i32
      %dma_start3A_140 = arith.constant 0 : i32
      %dma_start3A_141 = tpu.memref_slice %arg7[%add3A_139, %dma_start3A_140] : memref<40x128xi32, #tpu.memory_space<vmem>> -> memref<1x128xi32, #tpu.memory_space<vmem>>
      %dma_start3A_142 = tpu.memref_squeeze %dma_start3A_141 : memref<1x128xi32, #tpu.memory_space<vmem>> -> memref<128xi32, #tpu.memory_space<vmem>>
      %dma_start3A_143 = arith.constant 0 : i32
      %dma_start3A_144 = arith.constant 0 : i32
      %dma_start3A_145 = tpu.memref_slice %arg2[%dma_start3A_143, %dma_start3A_144] : memref<10112x128xf32, #tpu.memory_space<hbm>> -> memref<10112x128xf32, #tpu.memory_space<hbm>>
      tpu.enqueue_indirect_dma source(%dma_start3A_145 : memref<10112x128xf32, #tpu.memory_space<hbm>>) target(%arg9 : memref<128x128xf32, #tpu.memory_space<vmem>>) offsets(%dma_start3A_142 : memref<128xi32, #tpu.memory_space<vmem>>) semaphore(%arg11 : memref<!tpu.dma_semaphore, #tpu.memory_space<semaphore_mem>>)
      %add3A_146 = arith.constant 1 : i32
      %add3A_147 = arith.addi %mul3A_123, %add3A_146 : i32
      %dma_wait3A_148 = arith.constant 0 : i32
      %dma_wait3A_149 = tpu.memref_slice %arg7[%add3A_147, %dma_wait3A_148] : memref<40x128xi32, #tpu.memory_space<vmem>> -> memref<1x128xi32, #tpu.memory_space<vmem>>
      %dma_wait3A_150 = tpu.memref_squeeze %dma_wait3A_149 : memref<1x128xi32, #tpu.memory_space<vmem>> -> memref<128xi32, #tpu.memory_space<vmem>>
      %dma_wait3A_151 = arith.constant 0 : i32
      %dma_wait3A_152 = arith.constant 0 : i32
      %dma_wait3A_153 = tpu.memref_slice %arg2[%dma_wait3A_151, %dma_wait3A_152] : memref<10112x128xf32, #tpu.memory_space<hbm>> -> memref<10112x128xf32, #tpu.memory_space<hbm>>
      tpu.wait_indirect_dma semaphore(%arg12 : memref<!tpu.dma_semaphore, #tpu.memory_space<semaphore_mem>>) src(%dma_wait3A_153 : memref<10112x128xf32, #tpu.memory_space<hbm>>) dst(%arg10 : memref<128x128xf32, #tpu.memory_space<vmem>>)
      %add3A_154 = arith.constant 1 : i32
      %add3A_155 = arith.addi %mul3A_123, %add3A_154 : i32
      "tpu.region"() ({
        %run_scoped3A_157 = tpu.sem_alloc : memref<!tpu.dma_semaphore, #tpu.memory_space<semaphore_mem>>
        %dma_start3A_158 = arith.constant 0 : i32
        %dma_start3A_159 = tpu.memref_slice %arg8[%add3A_155, %dma_start3A_158] : memref<40x128xi32, #tpu.memory_space<vmem>> -> memref<1x128xi32, #tpu.memory_space<vmem>>
        %dma_start3A_160 = tpu.memref_squeeze %dma_start3A_159 : memref<1x128xi32, #tpu.memory_space<vmem>> -> memref<128xi32, #tpu.memory_space<vmem>>
        %dma_start3A_161 = arith.constant 0 : i32
        %dma_start3A_162 = arith.constant 0 : i32
        %dma_start3A_163 = tpu.memref_slice %arg13[%dma_start3A_161, %dma_start3A_162] : memref<10112x128xf32, #tpu.memory_space<vmem_shared>> -> memref<10112x128xf32, #tpu.memory_space<vmem_shared>>
        tpu.enqueue_indirect_dma source(%arg10 : memref<128x128xf32, #tpu.memory_space<vmem>>) target(%dma_start3A_163 : memref<10112x128xf32, #tpu.memory_space<vmem_shared>>) offsets(%dma_start3A_160 : memref<128xi32, #tpu.memory_space<vmem>>) semaphore(%run_scoped3A_157 : memref<!tpu.dma_semaphore, #tpu.memory_space<semaphore_mem>>) {add = true}
        %dma_wait3A_164 = arith.constant 0 : i32
        %dma_wait3A_165 = tpu.memref_slice %arg8[%add3A_155, %dma_wait3A_164] : memref<40x128xi32, #tpu.memory_space<vmem>> -> memref<1x128xi32, #tpu.memory_space<vmem>>
        %dma_wait3A_166 = tpu.memref_squeeze %dma_wait3A_165 : memref<1x128xi32, #tpu.memory_space<vmem>> -> memref<128xi32, #tpu.memory_space<vmem>>
        %dma_wait3A_167 = arith.constant 0 : i32
        %dma_wait3A_168 = arith.constant 0 : i32
        %dma_wait3A_169 = tpu.memref_slice %arg13[%dma_wait3A_167, %dma_wait3A_168] : memref<10112x128xf32, #tpu.memory_space<vmem_shared>> -> memref<10112x128xf32, #tpu.memory_space<vmem_shared>>
        tpu.wait_indirect_dma semaphore(%run_scoped3A_157 : memref<!tpu.dma_semaphore, #tpu.memory_space<semaphore_mem>>) src(%arg10 : memref<128x128xf32, #tpu.memory_space<vmem>>) dst(%dma_wait3A_169 : memref<10112x128xf32, #tpu.memory_space<vmem_shared>>)
        tpu.yield
      }) : () -> ()
      %scan3A_156 = arith.constant 0 : i32
      scf.yield %scan3A_156 : i32
    }
    %scan3A_75 = arith.constant 19 : i32
    %dma_start3A_76 = arith.constant 39 : i32
    %dma_start3A_77 = arith.constant 0 : i32
    %dma_start3A_78 = tpu.memref_slice %arg7[%dma_start3A_76, %dma_start3A_77] : memref<40x128xi32, #tpu.memory_space<vmem>> -> memref<1x128xi32, #tpu.memory_space<vmem>>
    %dma_start3A_79 = tpu.memref_squeeze %dma_start3A_78 : memref<1x128xi32, #tpu.memory_space<vmem>> -> memref<128xi32, #tpu.memory_space<vmem>>
    %dma_start3A_80 = arith.constant 0 : i32
    %dma_start3A_81 = arith.constant 0 : i32
    %dma_start3A_82 = tpu.memref_slice %arg2[%dma_start3A_80, %dma_start3A_81] : memref<10112x128xf32, #tpu.memory_space<hbm>> -> memref<10112x128xf32, #tpu.memory_space<hbm>>
    tpu.enqueue_indirect_dma source(%dma_start3A_82 : memref<10112x128xf32, #tpu.memory_space<hbm>>) target(%arg10 : memref<128x128xf32, #tpu.memory_space<vmem>>) offsets(%dma_start3A_79 : memref<128xi32, #tpu.memory_space<vmem>>) semaphore(%arg12 : memref<!tpu.dma_semaphore, #tpu.memory_space<semaphore_mem>>)
    %dma_wait3A_83 = arith.constant 38 : i32
    %dma_wait3A_84 = arith.constant 0 : i32
    %dma_wait3A_85 = tpu.memref_slice %arg7[%dma_wait3A_83, %dma_wait3A_84] : memref<40x128xi32, #tpu.memory_space<vmem>> -> memref<1x128xi32, #tpu.memory_space<vmem>>
    %dma_wait3A_86 = tpu.memref_squeeze %dma_wait3A_85 : memref<1x128xi32, #tpu.memory_space<vmem>> -> memref<128xi32, #tpu.memory_space<vmem>>
    %dma_wait3A_87 = arith.constant 0 : i32
    %dma_wait3A_88 = arith.constant 0 : i32
    %dma_wait3A_89 = tpu.memref_slice %arg2[%dma_wait3A_87, %dma_wait3A_88] : memref<10112x128xf32, #tpu.memory_space<hbm>> -> memref<10112x128xf32, #tpu.memory_space<hbm>>
    tpu.wait_indirect_dma semaphore(%arg11 : memref<!tpu.dma_semaphore, #tpu.memory_space<semaphore_mem>>) src(%dma_wait3A_89 : memref<10112x128xf32, #tpu.memory_space<hbm>>) dst(%arg9 : memref<128x128xf32, #tpu.memory_space<vmem>>)
    %run_scoped3A_90 = arith.constant 38 : i32
    "tpu.region"() ({
      %run_scoped3A_120 = tpu.sem_alloc : memref<!tpu.dma_semaphore, #tpu.memory_space<semaphore_mem>>
      %dma_start3A_121 = arith.constant 0 : i32
      %dma_start3A_122 = tpu.memref_slice %arg8[%run_scoped3A_90, %dma_start3A_121] : memref<40x128xi32, #tpu.memory_space<vmem>> -> memref<1x128xi32, #tpu.memory_space<vmem>>
      %dma_start3A_123 = tpu.memref_squeeze %dma_start3A_122 : memref<1x128xi32, #tpu.memory_space<vmem>> -> memref<128xi32, #tpu.memory_space<vmem>>
      %dma_start3A_124 = arith.constant 0 : i32
      %dma_start3A_125 = arith.constant 0 : i32
      %dma_start3A_126 = tpu.memref_slice %arg13[%dma_start3A_124, %dma_start3A_125] : memref<10112x128xf32, #tpu.memory_space<vmem_shared>> -> memref<10112x128xf32, #tpu.memory_space<vmem_shared>>
      tpu.enqueue_indirect_dma source(%arg9 : memref<128x128xf32, #tpu.memory_space<vmem>>) target(%dma_start3A_126 : memref<10112x128xf32, #tpu.memory_space<vmem_shared>>) offsets(%dma_start3A_123 : memref<128xi32, #tpu.memory_space<vmem>>) semaphore(%run_scoped3A_120 : memref<!tpu.dma_semaphore, #tpu.memory_space<semaphore_mem>>) {add = true}
      %dma_wait3A_127 = arith.constant 0 : i32
      %dma_wait3A_128 = tpu.memref_slice %arg8[%run_scoped3A_90, %dma_wait3A_127] : memref<40x128xi32, #tpu.memory_space<vmem>> -> memref<1x128xi32, #tpu.memory_space<vmem>>
      %dma_wait3A_129 = tpu.memref_squeeze %dma_wait3A_128 : memref<1x128xi32, #tpu.memory_space<vmem>> -> memref<128xi32, #tpu.memory_space<vmem>>
      %dma_wait3A_130 = arith.constant 0 : i32
      %dma_wait3A_131 = arith.constant 0 : i32
      %dma_wait3A_132 = tpu.memref_slice %arg13[%dma_wait3A_130, %dma_wait3A_131] : memref<10112x128xf32, #tpu.memory_space<vmem_shared>> -> memref<10112x128xf32, #tpu.memory_space<vmem_shared>>
      tpu.wait_indirect_dma semaphore(%run_scoped3A_120 : memref<!tpu.dma_semaphore, #tpu.memory_space<semaphore_mem>>) src(%arg9 : memref<128x128xf32, #tpu.memory_space<vmem>>) dst(%dma_wait3A_132 : memref<10112x128xf32, #tpu.memory_space<vmem_shared>>)
      tpu.yield
    }) : () -> ()
    %dma_wait3A_91 = arith.constant 39 : i32
    %dma_wait3A_92 = arith.constant 0 : i32
    %dma_wait3A_93 = tpu.memref_slice %arg7[%dma_wait3A_91, %dma_wait3A_92] : memref<40x128xi32, #tpu.memory_space<vmem>> -> memref<1x128xi32, #tpu.memory_space<vmem>>
    %dma_wait3A_94 = tpu.memref_squeeze %dma_wait3A_93 : memref<1x128xi32, #tpu.memory_space<vmem>> -> memref<128xi32, #tpu.memory_space<vmem>>
    %dma_wait3A_95 = arith.constant 0 : i32
    %dma_wait3A_96 = arith.constant 0 : i32
    %dma_wait3A_97 = tpu.memref_slice %arg2[%dma_wait3A_95, %dma_wait3A_96] : memref<10112x128xf32, #tpu.memory_space<hbm>> -> memref<10112x128xf32, #tpu.memory_space<hbm>>
    tpu.wait_indirect_dma semaphore(%arg12 : memref<!tpu.dma_semaphore, #tpu.memory_space<semaphore_mem>>) src(%dma_wait3A_97 : memref<10112x128xf32, #tpu.memory_space<hbm>>) dst(%arg10 : memref<128x128xf32, #tpu.memory_space<vmem>>)
    %run_scoped3A_98 = arith.constant 39 : i32
    "tpu.region"() ({
      %run_scoped3A_120 = tpu.sem_alloc : memref<!tpu.dma_semaphore, #tpu.memory_space<semaphore_mem>>
      %dma_start3A_121 = arith.constant 0 : i32
      %dma_start3A_122 = tpu.memref_slice %arg8[%run_scoped3A_98, %dma_start3A_121] : memref<40x128xi32, #tpu.memory_space<vmem>> -> memref<1x128xi32, #tpu.memory_space<vmem>>
      %dma_start3A_123 = tpu.memref_squeeze %dma_start3A_122 : memref<1x128xi32, #tpu.memory_space<vmem>> -> memref<128xi32, #tpu.memory_space<vmem>>
      %dma_start3A_124 = arith.constant 0 : i32
      %dma_start3A_125 = arith.constant 0 : i32
      %dma_start3A_126 = tpu.memref_slice %arg13[%dma_start3A_124, %dma_start3A_125] : memref<10112x128xf32, #tpu.memory_space<vmem_shared>> -> memref<10112x128xf32, #tpu.memory_space<vmem_shared>>
      tpu.enqueue_indirect_dma source(%arg10 : memref<128x128xf32, #tpu.memory_space<vmem>>) target(%dma_start3A_126 : memref<10112x128xf32, #tpu.memory_space<vmem_shared>>) offsets(%dma_start3A_123 : memref<128xi32, #tpu.memory_space<vmem>>) semaphore(%run_scoped3A_120 : memref<!tpu.dma_semaphore, #tpu.memory_space<semaphore_mem>>) {add = true}
      %dma_wait3A_127 = arith.constant 0 : i32
      %dma_wait3A_128 = tpu.memref_slice %arg8[%run_scoped3A_98, %dma_wait3A_127] : memref<40x128xi32, #tpu.memory_space<vmem>> -> memref<1x128xi32, #tpu.memory_space<vmem>>
      %dma_wait3A_129 = tpu.memref_squeeze %dma_wait3A_128 : memref<1x128xi32, #tpu.memory_space<vmem>> -> memref<128xi32, #tpu.memory_space<vmem>>
      %dma_wait3A_130 = arith.constant 0 : i32
      %dma_wait3A_131 = arith.constant 0 : i32
      %dma_wait3A_132 = tpu.memref_slice %arg13[%dma_wait3A_130, %dma_wait3A_131] : memref<10112x128xf32, #tpu.memory_space<vmem_shared>> -> memref<10112x128xf32, #tpu.memory_space<vmem_shared>>
      tpu.wait_indirect_dma semaphore(%run_scoped3A_120 : memref<!tpu.dma_semaphore, #tpu.memory_space<semaphore_mem>>) src(%arg10 : memref<128x128xf32, #tpu.memory_space<vmem>>) dst(%dma_wait3A_132 : memref<10112x128xf32, #tpu.memory_space<vmem_shared>>)
      tpu.yield
    }) : () -> ()
    %barrier3A_99 = arith.constant 0 : index
    tpu.barrier barrier_id(%barrier3A_99)
    %add3A_100 = arith.constant 0 : i32
    %add3A_101 = arith.addi %mul3A_2, %add3A_100 : i32
    "tpu.region"() ({
      %run_scoped3A_120 = tpu.sem_alloc : memref<!tpu.dma_semaphore, #tpu.memory_space<semaphore_mem>>
      %dma_start3A_121 = arith.constant 0 : i32
      %dma_start3A_122 = tpu.memref_slice %arg13[%add3A_101, %dma_start3A_121] : memref<10112x128xf32, #tpu.memory_space<vmem_shared>> -> memref<128x128xf32, #tpu.memory_space<vmem_shared>>
      %dma_start3A_123 = arith.constant 0 : i32
      %dma_start3A_124 = tpu.memref_slice %arg13[%add3A_101, %dma_start3A_123] : memref<10112x128xf32, #tpu.memory_space<vmem_shared>> -> memref<128x128xf32, #tpu.memory_space<vmem_shared>>
      tpu.enqueue_dma source(%dma_start3A_124 : memref<128x128xf32, #tpu.memory_space<vmem_shared>>) target(%arg9 : memref<128x128xf32, #tpu.memory_space<vmem>>) target_semaphore(%run_scoped3A_120 : memref<!tpu.dma_semaphore, #tpu.memory_space<semaphore_mem>>)
      %dma_wait3A_125 = arith.constant 0 : i32
      %dma_wait3A_126 = tpu.memref_slice %arg13[%add3A_101, %dma_wait3A_125] : memref<10112x128xf32, #tpu.memory_space<vmem_shared>> -> memref<128x128xf32, #tpu.memory_space<vmem_shared>>
      %dma_wait3A_127 = arith.constant 0 : i32
      %dma_wait3A_128 = tpu.memref_slice %arg13[%add3A_101, %dma_wait3A_127] : memref<10112x128xf32, #tpu.memory_space<vmem_shared>> -> memref<128x128xf32, #tpu.memory_space<vmem_shared>>
      tpu.wait_dma2 semaphore(%run_scoped3A_120 : memref<!tpu.dma_semaphore, #tpu.memory_space<semaphore_mem>>) src(%dma_wait3A_128 : memref<128x128xf32, #tpu.memory_space<vmem_shared>>) dst(%arg9 : memref<128x128xf32, #tpu.memory_space<vmem>>)
      tpu.yield
    }) : () -> ()
    %add3A_102 = arith.constant 0 : i32
    %add3A_103 = arith.addi %mul3A_2, %add3A_102 : i32
    "tpu.region"() ({
      %run_scoped3A_120 = tpu.sem_alloc : memref<!tpu.dma_semaphore, #tpu.memory_space<semaphore_mem>>
      %dma_start3A_121 = arith.constant 0 : i32
      %dma_start3A_122 = tpu.memref_slice %arg6[%arg0, %add3A_103, %dma_start3A_121] : memref<2x10112x128xf32, #tpu.memory_space<hbm>> -> memref<1x128x128xf32, #tpu.memory_space<hbm>>
      %dma_start3A_123 = tpu.memref_squeeze %dma_start3A_122 : memref<1x128x128xf32, #tpu.memory_space<hbm>> -> memref<128x128xf32, #tpu.memory_space<hbm>>
      %dma_start3A_124 = arith.constant 0 : i32
      %dma_start3A_125 = tpu.memref_slice %arg6[%arg0, %add3A_103, %dma_start3A_124] : memref<2x10112x128xf32, #tpu.memory_space<hbm>> -> memref<1x128x128xf32, #tpu.memory_space<hbm>>
      %dma_start3A_126 = tpu.memref_squeeze %dma_start3A_125 : memref<1x128x128xf32, #tpu.memory_space<hbm>> -> memref<128x128xf32, #tpu.memory_space<hbm>>
      tpu.enqueue_dma source(%arg9 : memref<128x128xf32, #tpu.memory_space<vmem>>) target(%dma_start3A_126 : memref<128x128xf32, #tpu.memory_space<hbm>>) target_semaphore(%run_scoped3A_120 : memref<!tpu.dma_semaphore, #tpu.memory_space<semaphore_mem>>)
      %dma_wait3A_127 = arith.constant 0 : i32
      %dma_wait3A_128 = tpu.memref_slice %arg6[%arg0, %add3A_103, %dma_wait3A_127] : memref<2x10112x128xf32, #tpu.memory_space<hbm>> -> memref<1x128x128xf32, #tpu.memory_space<hbm>>
      %dma_wait3A_129 = tpu.memref_squeeze %dma_wait3A_128 : memref<1x128x128xf32, #tpu.memory_space<hbm>> -> memref<128x128xf32, #tpu.memory_space<hbm>>
      %dma_wait3A_130 = arith.constant 0 : i32
      %dma_wait3A_131 = tpu.memref_slice %arg6[%arg0, %add3A_103, %dma_wait3A_130] : memref<2x10112x128xf32, #tpu.memory_space<hbm>> -> memref<1x128x128xf32, #tpu.memory_space<hbm>>
      %dma_wait3A_132 = tpu.memref_squeeze %dma_wait3A_131 : memref<1x128x128xf32, #tpu.memory_space<hbm>> -> memref<128x128xf32, #tpu.memory_space<hbm>>
      tpu.wait_dma2 semaphore(%run_scoped3A_120 : memref<!tpu.dma_semaphore, #tpu.memory_space<semaphore_mem>>) src(%arg9 : memref<128x128xf32, #tpu.memory_space<vmem>>) dst(%dma_wait3A_132 : memref<128x128xf32, #tpu.memory_space<hbm>>)
      tpu.yield
    }) : () -> ()
    %add3A_104 = arith.constant 128 : i32
    %add3A_105 = arith.addi %mul3A_2, %add3A_104 : i32
    "tpu.region"() ({
      %run_scoped3A_120 = tpu.sem_alloc : memref<!tpu.dma_semaphore, #tpu.memory_space<semaphore_mem>>
      %dma_start3A_121 = arith.constant 0 : i32
      %dma_start3A_122 = tpu.memref_slice %arg13[%add3A_105, %dma_start3A_121] : memref<10112x128xf32, #tpu.memory_space<vmem_shared>> -> memref<128x128xf32, #tpu.memory_space<vmem_shared>>
      %dma_start3A_123 = arith.constant 0 : i32
      %dma_start3A_124 = tpu.memref_slice %arg13[%add3A_105, %dma_start3A_123] : memref<10112x128xf32, #tpu.memory_space<vmem_shared>> -> memref<128x128xf32, #tpu.memory_space<vmem_shared>>
      tpu.enqueue_dma source(%dma_start3A_124 : memref<128x128xf32, #tpu.memory_space<vmem_shared>>) target(%arg9 : memref<128x128xf32, #tpu.memory_space<vmem>>) target_semaphore(%run_scoped3A_120 : memref<!tpu.dma_semaphore, #tpu.memory_space<semaphore_mem>>)
      %dma_wait3A_125 = arith.constant 0 : i32
      %dma_wait3A_126 = tpu.memref_slice %arg13[%add3A_105, %dma_wait3A_125] : memref<10112x128xf32, #tpu.memory_space<vmem_shared>> -> memref<128x128xf32, #tpu.memory_space<vmem_shared>>
      %dma_wait3A_127 = arith.constant 0 : i32
      %dma_wait3A_128 = tpu.memref_slice %arg13[%add3A_105, %dma_wait3A_127] : memref<10112x128xf32, #tpu.memory_space<vmem_shared>> -> memref<128x128xf32, #tpu.memory_space<vmem_shared>>
      tpu.wait_dma2 semaphore(%run_scoped3A_120 : memref<!tpu.dma_semaphore, #tpu.memory_space<semaphore_mem>>) src(%dma_wait3A_128 : memref<128x128xf32, #tpu.memory_space<vmem_shared>>) dst(%arg9 : memref<128x128xf32, #tpu.memory_space<vmem>>)
      tpu.yield
    }) : () -> ()
    %add3A_106 = arith.constant 128 : i32
    %add3A_107 = arith.addi %mul3A_2, %add3A_106 : i32
    "tpu.region"() ({
      %run_scoped3A_120 = tpu.sem_alloc : memref<!tpu.dma_semaphore, #tpu.memory_space<semaphore_mem>>
      %dma_start3A_121 = arith.constant 0 : i32
      %dma_start3A_122 = tpu.memref_slice %arg6[%arg0, %add3A_107, %dma_start3A_121] : memref<2x10112x128xf32, #tpu.memory_space<hbm>> -> memref<1x128x128xf32, #tpu.memory_space<hbm>>
      %dma_start3A_123 = tpu.memref_squeeze %dma_start3A_122 : memref<1x128x128xf32, #tpu.memory_space<hbm>> -> memref<128x128xf32, #tpu.memory_space<hbm>>
      %dma_start3A_124 = arith.constant 0 : i32
      %dma_start3A_125 = tpu.memref_slice %arg6[%arg0, %add3A_107, %dma_start3A_124] : memref<2x10112x128xf32, #tpu.memory_space<hbm>> -> memref<1x128x128xf32, #tpu.memory_space<hbm>>
      %dma_start3A_126 = tpu.memref_squeeze %dma_start3A_125 : memref<1x128x128xf32, #tpu.memory_space<hbm>> -> memref<128x128xf32, #tpu.memory_space<hbm>>
      tpu.enqueue_dma source(%arg9 : memref<128x128xf32, #tpu.memory_space<vmem>>) target(%dma_start3A_126 : memref<128x128xf32, #tpu.memory_space<hbm>>) target_semaphore(%run_scoped3A_120 : memref<!tpu.dma_semaphore, #tpu.memory_space<semaphore_mem>>)
      %dma_wait3A_127 = arith.constant 0 : i32
      %dma_wait3A_128 = tpu.memref_slice %arg6[%arg0, %add3A_107, %dma_wait3A_127] : memref<2x10112x128xf32, #tpu.memory_space<hbm>> -> memref<1x128x128xf32, #tpu.memory_space<hbm>>
      %dma_wait3A_129 = tpu.memref_squeeze %dma_wait3A_128 : memref<1x128x128xf32, #tpu.memory_space<hbm>> -> memref<128x128xf32, #tpu.memory_space<hbm>>
      %dma_wait3A_130 = arith.constant 0 : i32
      %dma_wait3A_131 = tpu.memref_slice %arg6[%arg0, %add3A_107, %dma_wait3A_130] : memref<2x10112x128xf32, #tpu.memory_space<hbm>> -> memref<1x128x128xf32, #tpu.memory_space<hbm>>
      %dma_wait3A_132 = tpu.memref_squeeze %dma_wait3A_131 : memref<1x128x128xf32, #tpu.memory_space<hbm>> -> memref<128x128xf32, #tpu.memory_space<hbm>>
      tpu.wait_dma2 semaphore(%run_scoped3A_120 : memref<!tpu.dma_semaphore, #tpu.memory_space<semaphore_mem>>) src(%arg9 : memref<128x128xf32, #tpu.memory_space<vmem>>) dst(%dma_wait3A_132 : memref<128x128xf32, #tpu.memory_space<hbm>>)
      tpu.yield
    }) : () -> ()
    %add3A_108 = arith.constant 256 : i32
    %add3A_109 = arith.addi %mul3A_2, %add3A_108 : i32
    "tpu.region"() ({
      %run_scoped3A_120 = tpu.sem_alloc : memref<!tpu.dma_semaphore, #tpu.memory_space<semaphore_mem>>
      %dma_start3A_121 = arith.constant 0 : i32
      %dma_start3A_122 = tpu.memref_slice %arg13[%add3A_109, %dma_start3A_121] : memref<10112x128xf32, #tpu.memory_space<vmem_shared>> -> memref<128x128xf32, #tpu.memory_space<vmem_shared>>
      %dma_start3A_123 = arith.constant 0 : i32
      %dma_start3A_124 = tpu.memref_slice %arg13[%add3A_109, %dma_start3A_123] : memref<10112x128xf32, #tpu.memory_space<vmem_shared>> -> memref<128x128xf32, #tpu.memory_space<vmem_shared>>
      tpu.enqueue_dma source(%dma_start3A_124 : memref<128x128xf32, #tpu.memory_space<vmem_shared>>) target(%arg9 : memref<128x128xf32, #tpu.memory_space<vmem>>) target_semaphore(%run_scoped3A_120 : memref<!tpu.dma_semaphore, #tpu.memory_space<semaphore_mem>>)
      %dma_wait3A_125 = arith.constant 0 : i32
      %dma_wait3A_126 = tpu.memref_slice %arg13[%add3A_109, %dma_wait3A_125] : memref<10112x128xf32, #tpu.memory_space<vmem_shared>> -> memref<128x128xf32, #tpu.memory_space<vmem_shared>>
      %dma_wait3A_127 = arith.constant 0 : i32
      %dma_wait3A_128 = tpu.memref_slice %arg13[%add3A_109, %dma_wait3A_127] : memref<10112x128xf32, #tpu.memory_space<vmem_shared>> -> memref<128x128xf32, #tpu.memory_space<vmem_shared>>
      tpu.wait_dma2 semaphore(%run_scoped3A_120 : memref<!tpu.dma_semaphore, #tpu.memory_space<semaphore_mem>>) src(%dma_wait3A_128 : memref<128x128xf32, #tpu.memory_space<vmem_shared>>) dst(%arg9 : memref<128x128xf32, #tpu.memory_space<vmem>>)
      tpu.yield
    }) : () -> ()
    %add3A_110 = arith.constant 256 : i32
    %add3A_111 = arith.addi %mul3A_2, %add3A_110 : i32
    "tpu.region"() ({
      %run_scoped3A_120 = tpu.sem_alloc : memref<!tpu.dma_semaphore, #tpu.memory_space<semaphore_mem>>
      %dma_start3A_121 = arith.constant 0 : i32
      %dma_start3A_122 = tpu.memref_slice %arg6[%arg0, %add3A_111, %dma_start3A_121] : memref<2x10112x128xf32, #tpu.memory_space<hbm>> -> memref<1x128x128xf32, #tpu.memory_space<hbm>>
      %dma_start3A_123 = tpu.memref_squeeze %dma_start3A_122 : memref<1x128x128xf32, #tpu.memory_space<hbm>> -> memref<128x128xf32, #tpu.memory_space<hbm>>
      %dma_start3A_124 = arith.constant 0 : i32
      %dma_start3A_125 = tpu.memref_slice %arg6[%arg0, %add3A_111, %dma_start3A_124] : memref<2x10112x128xf32, #tpu.memory_space<hbm>> -> memref<1x128x128xf32, #tpu.memory_space<hbm>>
      %dma_start3A_126 = tpu.memref_squeeze %dma_start3A_125 : memref<1x128x128xf32, #tpu.memory_space<hbm>> -> memref<128x128xf32, #tpu.memory_space<hbm>>
      tpu.enqueue_dma source(%arg9 : memref<128x128xf32, #tpu.memory_space<vmem>>) target(%dma_start3A_126 : memref<128x128xf32, #tpu.memory_space<hbm>>) target_semaphore(%run_scoped3A_120 : memref<!tpu.dma_semaphore, #tpu.memory_space<semaphore_mem>>)
      %dma_wait3A_127 = arith.constant 0 : i32
      %dma_wait3A_128 = tpu.memref_slice %arg6[%arg0, %add3A_111, %dma_wait3A_127] : memref<2x10112x128xf32, #tpu.memory_space<hbm>> -> memref<1x128x128xf32, #tpu.memory_space<hbm>>
      %dma_wait3A_129 = tpu.memref_squeeze %dma_wait3A_128 : memref<1x128x128xf32, #tpu.memory_space<hbm>> -> memref<128x128xf32, #tpu.memory_space<hbm>>
      %dma_wait3A_130 = arith.constant 0 : i32
      %dma_wait3A_131 = tpu.memref_slice %arg6[%arg0, %add3A_111, %dma_wait3A_130] : memref<2x10112x128xf32, #tpu.memory_space<hbm>> -> memref<1x128x128xf32, #tpu.memory_space<hbm>>
      %dma_wait3A_132 = tpu.memref_squeeze %dma_wait3A_131 : memref<1x128x128xf32, #tpu.memory_space<hbm>> -> memref<128x128xf32, #tpu.memory_space<hbm>>
      tpu.wait_dma2 semaphore(%run_scoped3A_120 : memref<!tpu.dma_semaphore, #tpu.memory_space<semaphore_mem>>) src(%arg9 : memref<128x128xf32, #tpu.memory_space<vmem>>) dst(%dma_wait3A_132 : memref<128x128xf32, #tpu.memory_space<hbm>>)
      tpu.yield
    }) : () -> ()
    %add3A_112 = arith.constant 384 : i32
    %add3A_113 = arith.addi %mul3A_2, %add3A_112 : i32
    "tpu.region"() ({
      %run_scoped3A_120 = tpu.sem_alloc : memref<!tpu.dma_semaphore, #tpu.memory_space<semaphore_mem>>
      %dma_start3A_121 = arith.constant 0 : i32
      %dma_start3A_122 = tpu.memref_slice %arg13[%add3A_113, %dma_start3A_121] : memref<10112x128xf32, #tpu.memory_space<vmem_shared>> -> memref<128x128xf32, #tpu.memory_space<vmem_shared>>
      %dma_start3A_123 = arith.constant 0 : i32
      %dma_start3A_124 = tpu.memref_slice %arg13[%add3A_113, %dma_start3A_123] : memref<10112x128xf32, #tpu.memory_space<vmem_shared>> -> memref<128x128xf32, #tpu.memory_space<vmem_shared>>
      tpu.enqueue_dma source(%dma_start3A_124 : memref<128x128xf32, #tpu.memory_space<vmem_shared>>) target(%arg9 : memref<128x128xf32, #tpu.memory_space<vmem>>) target_semaphore(%run_scoped3A_120 : memref<!tpu.dma_semaphore, #tpu.memory_space<semaphore_mem>>)
      %dma_wait3A_125 = arith.constant 0 : i32
      %dma_wait3A_126 = tpu.memref_slice %arg13[%add3A_113, %dma_wait3A_125] : memref<10112x128xf32, #tpu.memory_space<vmem_shared>> -> memref<128x128xf32, #tpu.memory_space<vmem_shared>>
      %dma_wait3A_127 = arith.constant 0 : i32
      %dma_wait3A_128 = tpu.memref_slice %arg13[%add3A_113, %dma_wait3A_127] : memref<10112x128xf32, #tpu.memory_space<vmem_shared>> -> memref<128x128xf32, #tpu.memory_space<vmem_shared>>
      tpu.wait_dma2 semaphore(%run_scoped3A_120 : memref<!tpu.dma_semaphore, #tpu.memory_space<semaphore_mem>>) src(%dma_wait3A_128 : memref<128x128xf32, #tpu.memory_space<vmem_shared>>) dst(%arg9 : memref<128x128xf32, #tpu.memory_space<vmem>>)
      tpu.yield
    }) : () -> ()
    %add3A_114 = arith.constant 384 : i32
    %add3A_115 = arith.addi %mul3A_2, %add3A_114 : i32
    "tpu.region"() ({
      %run_scoped3A_120 = tpu.sem_alloc : memref<!tpu.dma_semaphore, #tpu.memory_space<semaphore_mem>>
      %dma_start3A_121 = arith.constant 0 : i32
      %dma_start3A_122 = tpu.memref_slice %arg6[%arg0, %add3A_115, %dma_start3A_121] : memref<2x10112x128xf32, #tpu.memory_space<hbm>> -> memref<1x128x128xf32, #tpu.memory_space<hbm>>
      %dma_start3A_123 = tpu.memref_squeeze %dma_start3A_122 : memref<1x128x128xf32, #tpu.memory_space<hbm>> -> memref<128x128xf32, #tpu.memory_space<hbm>>
      %dma_start3A_124 = arith.constant 0 : i32
      %dma_start3A_125 = tpu.memref_slice %arg6[%arg0, %add3A_115, %dma_start3A_124] : memref<2x10112x128xf32, #tpu.memory_space<hbm>> -> memref<1x128x128xf32, #tpu.memory_space<hbm>>
      %dma_start3A_126 = tpu.memref_squeeze %dma_start3A_125 : memref<1x128x128xf32, #tpu.memory_space<hbm>> -> memref<128x128xf32, #tpu.memory_space<hbm>>
      tpu.enqueue_dma source(%arg9 : memref<128x128xf32, #tpu.memory_space<vmem>>) target(%dma_start3A_126 : memref<128x128xf32, #tpu.memory_space<hbm>>) target_semaphore(%run_scoped3A_120 : memref<!tpu.dma_semaphore, #tpu.memory_space<semaphore_mem>>)
      %dma_wait3A_127 = arith.constant 0 : i32
      %dma_wait3A_128 = tpu.memref_slice %arg6[%arg0, %add3A_115, %dma_wait3A_127] : memref<2x10112x128xf32, #tpu.memory_space<hbm>> -> memref<1x128x128xf32, #tpu.memory_space<hbm>>
      %dma_wait3A_129 = tpu.memref_squeeze %dma_wait3A_128 : memref<1x128x128xf32, #tpu.memory_space<hbm>> -> memref<128x128xf32, #tpu.memory_space<hbm>>
      %dma_wait3A_130 = arith.constant 0 : i32
      %dma_wait3A_131 = tpu.memref_slice %arg6[%arg0, %add3A_115, %dma_wait3A_130] : memref<2x10112x128xf32, #tpu.memory_space<hbm>> -> memref<1x128x128xf32, #tpu.memory_space<hbm>>
      %dma_wait3A_132 = tpu.memref_squeeze %dma_wait3A_131 : memref<1x128x128xf32, #tpu.memory_space<hbm>> -> memref<128x128xf32, #tpu.memory_space<hbm>>
      tpu.wait_dma2 semaphore(%run_scoped3A_120 : memref<!tpu.dma_semaphore, #tpu.memory_space<semaphore_mem>>) src(%arg9 : memref<128x128xf32, #tpu.memory_space<vmem>>) dst(%dma_wait3A_132 : memref<128x128xf32, #tpu.memory_space<hbm>>)
      tpu.yield
    }) : () -> ()
    %add3A_116 = arith.constant 512 : i32
    %add3A_117 = arith.addi %mul3A_2, %add3A_116 : i32
    "tpu.region"() ({
      %run_scoped3A_120 = tpu.sem_alloc : memref<!tpu.dma_semaphore, #tpu.memory_space<semaphore_mem>>
      %dma_start3A_121 = arith.constant 0 : i32
      %dma_start3A_122 = arith.constant 0 : i32
      %dma_start3A_123 = tpu.memref_slice %arg9[%dma_start3A_121, %dma_start3A_122] : memref<128x128xf32, #tpu.memory_space<vmem>> -> memref<120x128xf32, #tpu.memory_space<vmem>>
      %dma_start3A_124 = arith.constant 0 : i32
      %dma_start3A_125 = tpu.memref_slice %arg13[%add3A_117, %dma_start3A_124] : memref<10112x128xf32, #tpu.memory_space<vmem_shared>> -> memref<120x128xf32, #tpu.memory_space<vmem_shared>>
      %dma_start3A_126 = arith.constant 0 : i32
      %dma_start3A_127 = arith.constant 0 : i32
      %dma_start3A_128 = tpu.memref_slice %arg9[%dma_start3A_126, %dma_start3A_127] : memref<128x128xf32, #tpu.memory_space<vmem>> -> memref<120x128xf32, #tpu.memory_space<vmem>>
      %dma_start3A_129 = arith.constant 0 : i32
      %dma_start3A_130 = tpu.memref_slice %arg13[%add3A_117, %dma_start3A_129] : memref<10112x128xf32, #tpu.memory_space<vmem_shared>> -> memref<120x128xf32, #tpu.memory_space<vmem_shared>>
      tpu.enqueue_dma source(%dma_start3A_130 : memref<120x128xf32, #tpu.memory_space<vmem_shared>>) target(%dma_start3A_128 : memref<120x128xf32, #tpu.memory_space<vmem>>) target_semaphore(%run_scoped3A_120 : memref<!tpu.dma_semaphore, #tpu.memory_space<semaphore_mem>>)
      %dma_wait3A_131 = arith.constant 0 : i32
      %dma_wait3A_132 = arith.constant 0 : i32
      %dma_wait3A_133 = tpu.memref_slice %arg9[%dma_wait3A_131, %dma_wait3A_132] : memref<128x128xf32, #tpu.memory_space<vmem>> -> memref<120x128xf32, #tpu.memory_space<vmem>>
      %dma_wait3A_134 = arith.constant 0 : i32
      %dma_wait3A_135 = tpu.memref_slice %arg13[%add3A_117, %dma_wait3A_134] : memref<10112x128xf32, #tpu.memory_space<vmem_shared>> -> memref<120x128xf32, #tpu.memory_space<vmem_shared>>
      %dma_wait3A_136 = arith.constant 0 : i32
      %dma_wait3A_137 = arith.constant 0 : i32
      %dma_wait3A_138 = tpu.memref_slice %arg9[%dma_wait3A_136, %dma_wait3A_137] : memref<128x128xf32, #tpu.memory_space<vmem>> -> memref<120x128xf32, #tpu.memory_space<vmem>>
      %dma_wait3A_139 = arith.constant 0 : i32
      %dma_wait3A_140 = tpu.memref_slice %arg13[%add3A_117, %dma_wait3A_139] : memref<10112x128xf32, #tpu.memory_space<vmem_shared>> -> memref<120x128xf32, #tpu.memory_space<vmem_shared>>
      tpu.wait_dma2 semaphore(%run_scoped3A_120 : memref<!tpu.dma_semaphore, #tpu.memory_space<semaphore_mem>>) src(%dma_wait3A_140 : memref<120x128xf32, #tpu.memory_space<vmem_shared>>) dst(%dma_wait3A_138 : memref<120x128xf32, #tpu.memory_space<vmem>>)
      tpu.yield
    }) : () -> ()
    %add3A_118 = arith.constant 512 : i32
    %add3A_119 = arith.addi %mul3A_2, %add3A_118 : i32
    "tpu.region"() ({
      %run_scoped3A_120 = tpu.sem_alloc : memref<!tpu.dma_semaphore, #tpu.memory_space<semaphore_mem>>
      %dma_start3A_121 = arith.constant 0 : i32
      %dma_start3A_122 = arith.constant 0 : i32
      %dma_start3A_123 = tpu.memref_slice %arg9[%dma_start3A_121, %dma_start3A_122] : memref<128x128xf32, #tpu.memory_space<vmem>> -> memref<120x128xf32, #tpu.memory_space<vmem>>
      %dma_start3A_124 = arith.constant 0 : i32
      %dma_start3A_125 = tpu.memref_slice %arg6[%arg0, %add3A_119, %dma_start3A_124] : memref<2x10112x128xf32, #tpu.memory_space<hbm>> -> memref<1x120x128xf32, #tpu.memory_space<hbm>>
      %dma_start3A_126 = tpu.memref_squeeze %dma_start3A_125 : memref<1x120x128xf32, #tpu.memory_space<hbm>> -> memref<120x128xf32, #tpu.memory_space<hbm>>
      %dma_start3A_127 = arith.constant 0 : i32
      %dma_start3A_128 = tpu.memref_slice %arg6[%arg0, %add3A_119, %dma_start3A_127] : memref<2x10112x128xf32, #tpu.memory_space<hbm>> -> memref<1x120x128xf32, #tpu.memory_space<hbm>>
      %dma_start3A_129 = tpu.memref_squeeze %dma_start3A_128 : memref<1x120x128xf32, #tpu.memory_space<hbm>> -> memref<120x128xf32, #tpu.memory_space<hbm>>
      %dma_start3A_130 = arith.constant 0 : i32
      %dma_start3A_131 = arith.constant 0 : i32
      %dma_start3A_132 = tpu.memref_slice %arg9[%dma_start3A_130, %dma_start3A_131] : memref<128x128xf32, #tpu.memory_space<vmem>> -> memref<120x128xf32, #tpu.memory_space<vmem>>
      tpu.enqueue_dma source(%dma_start3A_132 : memref<120x128xf32, #tpu.memory_space<vmem>>) target(%dma_start3A_129 : memref<120x128xf32, #tpu.memory_space<hbm>>) target_semaphore(%run_scoped3A_120 : memref<!tpu.dma_semaphore, #tpu.memory_space<semaphore_mem>>)
      %dma_wait3A_133 = arith.constant 0 : i32
      %dma_wait3A_134 = arith.constant 0 : i32
      %dma_wait3A_135 = tpu.memref_slice %arg9[%dma_wait3A_133, %dma_wait3A_134] : memref<128x128xf32, #tpu.memory_space<vmem>> -> memref<120x128xf32, #tpu.memory_space<vmem>>
      %dma_wait3A_136 = arith.constant 0 : i32
      %dma_wait3A_137 = tpu.memref_slice %arg6[%arg0, %add3A_119, %dma_wait3A_136] : memref<2x10112x128xf32, #tpu.memory_space<hbm>> -> memref<1x120x128xf32, #tpu.memory_space<hbm>>
      %dma_wait3A_138 = tpu.memref_squeeze %dma_wait3A_137 : memref<1x120x128xf32, #tpu.memory_space<hbm>> -> memref<120x128xf32, #tpu.memory_space<hbm>>
      %dma_wait3A_139 = arith.constant 0 : i32
      %dma_wait3A_140 = tpu.memref_slice %arg6[%arg0, %add3A_119, %dma_wait3A_139] : memref<2x10112x128xf32, #tpu.memory_space<hbm>> -> memref<1x120x128xf32, #tpu.memory_space<hbm>>
      %dma_wait3A_141 = tpu.memref_squeeze %dma_wait3A_140 : memref<1x120x128xf32, #tpu.memory_space<hbm>> -> memref<120x128xf32, #tpu.memory_space<hbm>>
      %dma_wait3A_142 = arith.constant 0 : i32
      %dma_wait3A_143 = arith.constant 0 : i32
      %dma_wait3A_144 = tpu.memref_slice %arg9[%dma_wait3A_142, %dma_wait3A_143] : memref<128x128xf32, #tpu.memory_space<vmem>> -> memref<120x128xf32, #tpu.memory_space<vmem>>
      tpu.wait_dma2 semaphore(%run_scoped3A_120 : memref<!tpu.dma_semaphore, #tpu.memory_space<semaphore_mem>>) src(%dma_wait3A_144 : memref<120x128xf32, #tpu.memory_space<vmem>>) dst(%dma_wait3A_141 : memref<120x128xf32, #tpu.memory_space<hbm>>)
      tpu.yield
    }) : () -> ()
    return
  }
}

#map = affine_map<(d0, d1) -> (0, 0)>
#map1 = affine_map<(d0, d1) -> (0)>
module attributes {stable_mosaic.version = 14 : i64} {
  func.func @_deg_kernel(%arg0: i32, %arg1: i32, %arg2: memref<2560x128xi32, #tpu.memory_space<hbm>>, %arg3: memref<2560x128xi32, #tpu.memory_space<hbm>>, %arg4: memref<40448xf32, #tpu.memory_space<hbm>>, %arg5: memref<80x128xi32, #tpu.memory_space<vmem>>, %arg6: memref<80x128xi32, #tpu.memory_space<vmem>>, %arg7: memref<128xf32, #tpu.memory_space<vmem>>, %arg8: memref<640xf32, #tpu.memory_space<vmem>>, %arg9: memref<!tpu.dma_semaphore, #tpu.memory_space<semaphore_mem>>, %arg10: memref<!tpu.dma_semaphore, #tpu.memory_space<semaphore_mem>>, %arg11: memref<10112xf32, #tpu.memory_space<vmem_shared>>, %arg12: memref<10112xf32, #tpu.memory_space<vmem_shared>>) attributes {dimension_semantics = [#tpu.dimension_semantics<core_parallel>, #tpu.dimension_semantics<subcore_parallel>], iteration_bounds = array<i64: 2, 16>, scalar_prefetch = 0 : i64, scratch_operands = 8 : i64, tpu.core_type = #tpu.core_type<sc_vector_subcore>, window_params = [{transform_indices = #map}, {transform_indices = #map}, {transform_indices = #map1}]} {
    %mul3A = arith.constant 2 : i32
    %mul3A_0 = arith.muli %arg1, %mul3A : i32
    %add3A = arith.addi %mul3A_0, %arg0 : i32
    %broadcast_in_dim3A = arith.constant 1.000000e+00 : f32
    %broadcast_in_dim3A_1 = vector.broadcast %broadcast_in_dim3A : f32 to vector<16xf32>
    %broadcast_in_dim3A_2 = arith.constant 0.000000e+00 : f32
    %broadcast_in_dim3A_3 = vector.broadcast %broadcast_in_dim3A_2 : f32 to vector<16xf32>
    %swap3A = arith.constant 0 : index
    %swap3A_4 = tpu.vector_load %arg7[%swap3A] {strides = array<i32>} : memref<128xf32, #tpu.memory_space<vmem>>, vector<16xf32>,
    %swap3A_5 = vector.shape_cast %swap3A_4 : vector<16xf32> to vector<16xf32>
    %swap3A_6 = vector.shape_cast %broadcast_in_dim3A_1 : vector<16xf32> to vector<16xf32>
    tpu.vector_store %arg7[%swap3A], %swap3A_6 {strides = array<i32>} : memref<128xf32, #tpu.memory_space<vmem>>, vector<16xf32>,
    %swap3A_7 = arith.constant 16 : index
    %swap3A_8 = tpu.vector_load %arg7[%swap3A_7] {strides = array<i32>} : memref<128xf32, #tpu.memory_space<vmem>>, vector<16xf32>,
    %swap3A_9 = vector.shape_cast %swap3A_8 : vector<16xf32> to vector<16xf32>
    %swap3A_10 = vector.shape_cast %broadcast_in_dim3A_1 : vector<16xf32> to vector<16xf32>
    tpu.vector_store %arg7[%swap3A_7], %swap3A_10 {strides = array<i32>} : memref<128xf32, #tpu.memory_space<vmem>>, vector<16xf32>,
    %swap3A_11 = arith.constant 32 : index
    %swap3A_12 = tpu.vector_load %arg7[%swap3A_11] {strides = array<i32>} : memref<128xf32, #tpu.memory_space<vmem>>, vector<16xf32>,
    %swap3A_13 = vector.shape_cast %swap3A_12 : vector<16xf32> to vector<16xf32>
    %swap3A_14 = vector.shape_cast %broadcast_in_dim3A_1 : vector<16xf32> to vector<16xf32>
    tpu.vector_store %arg7[%swap3A_11], %swap3A_14 {strides = array<i32>} : memref<128xf32, #tpu.memory_space<vmem>>, vector<16xf32>,
    %swap3A_15 = arith.constant 48 : index
    %swap3A_16 = tpu.vector_load %arg7[%swap3A_15] {strides = array<i32>} : memref<128xf32, #tpu.memory_space<vmem>>, vector<16xf32>,
    %swap3A_17 = vector.shape_cast %swap3A_16 : vector<16xf32> to vector<16xf32>
    %swap3A_18 = vector.shape_cast %broadcast_in_dim3A_1 : vector<16xf32> to vector<16xf32>
    tpu.vector_store %arg7[%swap3A_15], %swap3A_18 {strides = array<i32>} : memref<128xf32, #tpu.memory_space<vmem>>, vector<16xf32>,
    %swap3A_19 = arith.constant 64 : index
    %swap3A_20 = tpu.vector_load %arg7[%swap3A_19] {strides = array<i32>} : memref<128xf32, #tpu.memory_space<vmem>>, vector<16xf32>,
    %swap3A_21 = vector.shape_cast %swap3A_20 : vector<16xf32> to vector<16xf32>
    %swap3A_22 = vector.shape_cast %broadcast_in_dim3A_1 : vector<16xf32> to vector<16xf32>
    tpu.vector_store %arg7[%swap3A_19], %swap3A_22 {strides = array<i32>} : memref<128xf32, #tpu.memory_space<vmem>>, vector<16xf32>,
    %swap3A_23 = arith.constant 80 : index
    %swap3A_24 = tpu.vector_load %arg7[%swap3A_23] {strides = array<i32>} : memref<128xf32, #tpu.memory_space<vmem>>, vector<16xf32>,
    %swap3A_25 = vector.shape_cast %swap3A_24 : vector<16xf32> to vector<16xf32>
    %swap3A_26 = vector.shape_cast %broadcast_in_dim3A_1 : vector<16xf32> to vector<16xf32>
    tpu.vector_store %arg7[%swap3A_23], %swap3A_26 {strides = array<i32>} : memref<128xf32, #tpu.memory_space<vmem>>, vector<16xf32>,
    %swap3A_27 = arith.constant 96 : index
    %swap3A_28 = tpu.vector_load %arg7[%swap3A_27] {strides = array<i32>} : memref<128xf32, #tpu.memory_space<vmem>>, vector<16xf32>,
    %swap3A_29 = vector.shape_cast %swap3A_28 : vector<16xf32> to vector<16xf32>
    %swap3A_30 = vector.shape_cast %broadcast_in_dim3A_1 : vector<16xf32> to vector<16xf32>
    tpu.vector_store %arg7[%swap3A_27], %swap3A_30 {strides = array<i32>} : memref<128xf32, #tpu.memory_space<vmem>>, vector<16xf32>,
    %swap3A_31 = arith.constant 112 : index
    %swap3A_32 = tpu.vector_load %arg7[%swap3A_31] {strides = array<i32>} : memref<128xf32, #tpu.memory_space<vmem>>, vector<16xf32>,
    %swap3A_33 = vector.shape_cast %swap3A_32 : vector<16xf32> to vector<16xf32>
    %swap3A_34 = vector.shape_cast %broadcast_in_dim3A_1 : vector<16xf32> to vector<16xf32>
    tpu.vector_store %arg7[%swap3A_31], %swap3A_34 {strides = array<i32>} : memref<128xf32, #tpu.memory_space<vmem>>, vector<16xf32>,
    %swap3A_35 = arith.constant 0 : index
    %swap3A_36 = tpu.vector_load %arg8[%swap3A_35] {strides = array<i32>} : memref<640xf32, #tpu.memory_space<vmem>>, vector<16xf32>,
    %swap3A_37 = vector.shape_cast %swap3A_36 : vector<16xf32> to vector<16xf32>
    %swap3A_38 = vector.shape_cast %broadcast_in_dim3A_3 : vector<16xf32> to vector<16xf32>
    tpu.vector_store %arg8[%swap3A_35], %swap3A_38 {strides = array<i32>} : memref<640xf32, #tpu.memory_space<vmem>>, vector<16xf32>,
    %swap3A_39 = arith.constant 16 : index
    %swap3A_40 = tpu.vector_load %arg8[%swap3A_39] {strides = array<i32>} : memref<640xf32, #tpu.memory_space<vmem>>, vector<16xf32>,
    %swap3A_41 = vector.shape_cast %swap3A_40 : vector<16xf32> to vector<16xf32>
    %swap3A_42 = vector.shape_cast %broadcast_in_dim3A_3 : vector<16xf32> to vector<16xf32>
    tpu.vector_store %arg8[%swap3A_39], %swap3A_42 {strides = array<i32>} : memref<640xf32, #tpu.memory_space<vmem>>, vector<16xf32>,
    %swap3A_43 = arith.constant 32 : index
    %swap3A_44 = tpu.vector_load %arg8[%swap3A_43] {strides = array<i32>} : memref<640xf32, #tpu.memory_space<vmem>>, vector<16xf32>,
    %swap3A_45 = vector.shape_cast %swap3A_44 : vector<16xf32> to vector<16xf32>
    %swap3A_46 = vector.shape_cast %broadcast_in_dim3A_3 : vector<16xf32> to vector<16xf32>
    tpu.vector_store %arg8[%swap3A_43], %swap3A_46 {strides = array<i32>} : memref<640xf32, #tpu.memory_space<vmem>>, vector<16xf32>,
    %swap3A_47 = arith.constant 48 : index
    %swap3A_48 = tpu.vector_load %arg8[%swap3A_47] {strides = array<i32>} : memref<640xf32, #tpu.memory_space<vmem>>, vector<16xf32>,
    %swap3A_49 = vector.shape_cast %swap3A_48 : vector<16xf32> to vector<16xf32>
    %swap3A_50 = vector.shape_cast %broadcast_in_dim3A_3 : vector<16xf32> to vector<16xf32>
    tpu.vector_store %arg8[%swap3A_47], %swap3A_50 {strides = array<i32>} : memref<640xf32, #tpu.memory_space<vmem>>, vector<16xf32>,
    %swap3A_51 = arith.constant 64 : index
    %swap3A_52 = tpu.vector_load %arg8[%swap3A_51] {strides = array<i32>} : memref<640xf32, #tpu.memory_space<vmem>>, vector<16xf32>,
    %swap3A_53 = vector.shape_cast %swap3A_52 : vector<16xf32> to vector<16xf32>
    %swap3A_54 = vector.shape_cast %broadcast_in_dim3A_3 : vector<16xf32> to vector<16xf32>
    tpu.vector_store %arg8[%swap3A_51], %swap3A_54 {strides = array<i32>} : memref<640xf32, #tpu.memory_space<vmem>>, vector<16xf32>,
    %swap3A_55 = arith.constant 80 : index
    %swap3A_56 = tpu.vector_load %arg8[%swap3A_55] {strides = array<i32>} : memref<640xf32, #tpu.memory_space<vmem>>, vector<16xf32>,
    %swap3A_57 = vector.shape_cast %swap3A_56 : vector<16xf32> to vector<16xf32>
    %swap3A_58 = vector.shape_cast %broadcast_in_dim3A_3 : vector<16xf32> to vector<16xf32>
    tpu.vector_store %arg8[%swap3A_55], %swap3A_58 {strides = array<i32>} : memref<640xf32, #tpu.memory_space<vmem>>, vector<16xf32>,
    %swap3A_59 = arith.constant 96 : index
    %swap3A_60 = tpu.vector_load %arg8[%swap3A_59] {strides = array<i32>} : memref<640xf32, #tpu.memory_space<vmem>>, vector<16xf32>,
    %swap3A_61 = vector.shape_cast %swap3A_60 : vector<16xf32> to vector<16xf32>
    %swap3A_62 = vector.shape_cast %broadcast_in_dim3A_3 : vector<16xf32> to vector<16xf32>
    tpu.vector_store %arg8[%swap3A_59], %swap3A_62 {strides = array<i32>} : memref<640xf32, #tpu.memory_space<vmem>>, vector<16xf32>,
    %swap3A_63 = arith.constant 112 : index
    %swap3A_64 = tpu.vector_load %arg8[%swap3A_63] {strides = array<i32>} : memref<640xf32, #tpu.memory_space<vmem>>, vector<16xf32>,
    %swap3A_65 = vector.shape_cast %swap3A_64 : vector<16xf32> to vector<16xf32>
    %swap3A_66 = vector.shape_cast %broadcast_in_dim3A_3 : vector<16xf32> to vector<16xf32>
    tpu.vector_store %arg8[%swap3A_63], %swap3A_66 {strides = array<i32>} : memref<640xf32, #tpu.memory_space<vmem>>, vector<16xf32>,
    %swap3A_67 = arith.constant 128 : index
    %swap3A_68 = tpu.vector_load %arg8[%swap3A_67] {strides = array<i32>} : memref<640xf32, #tpu.memory_space<vmem>>, vector<16xf32>,
    %swap3A_69 = vector.shape_cast %swap3A_68 : vector<16xf32> to vector<16xf32>
    %swap3A_70 = vector.shape_cast %broadcast_in_dim3A_3 : vector<16xf32> to vector<16xf32>
    tpu.vector_store %arg8[%swap3A_67], %swap3A_70 {strides = array<i32>} : memref<640xf32, #tpu.memory_space<vmem>>, vector<16xf32>,
    %swap3A_71 = arith.constant 144 : index
    %swap3A_72 = tpu.vector_load %arg8[%swap3A_71] {strides = array<i32>} : memref<640xf32, #tpu.memory_space<vmem>>, vector<16xf32>,
    %swap3A_73 = vector.shape_cast %swap3A_72 : vector<16xf32> to vector<16xf32>
    %swap3A_74 = vector.shape_cast %broadcast_in_dim3A_3 : vector<16xf32> to vector<16xf32>
    tpu.vector_store %arg8[%swap3A_71], %swap3A_74 {strides = array<i32>} : memref<640xf32, #tpu.memory_space<vmem>>, vector<16xf32>,
    %swap3A_75 = arith.constant 160 : index
    %swap3A_76 = tpu.vector_load %arg8[%swap3A_75] {strides = array<i32>} : memref<640xf32, #tpu.memory_space<vmem>>, vector<16xf32>,
    %swap3A_77 = vector.shape_cast %swap3A_76 : vector<16xf32> to vector<16xf32>
    %swap3A_78 = vector.shape_cast %broadcast_in_dim3A_3 : vector<16xf32> to vector<16xf32>
    tpu.vector_store %arg8[%swap3A_75], %swap3A_78 {strides = array<i32>} : memref<640xf32, #tpu.memory_space<vmem>>, vector<16xf32>,
    %swap3A_79 = arith.constant 176 : index
    %swap3A_80 = tpu.vector_load %arg8[%swap3A_79] {strides = array<i32>} : memref<640xf32, #tpu.memory_space<vmem>>, vector<16xf32>,
    %swap3A_81 = vector.shape_cast %swap3A_80 : vector<16xf32> to vector<16xf32>
    %swap3A_82 = vector.shape_cast %broadcast_in_dim3A_3 : vector<16xf32> to vector<16xf32>
    tpu.vector_store %arg8[%swap3A_79], %swap3A_82 {strides = array<i32>} : memref<640xf32, #tpu.memory_space<vmem>>, vector<16xf32>,
    %swap3A_83 = arith.constant 192 : index
    %swap3A_84 = tpu.vector_load %arg8[%swap3A_83] {strides = array<i32>} : memref<640xf32, #tpu.memory_space<vmem>>, vector<16xf32>,
    %swap3A_85 = vector.shape_cast %swap3A_84 : vector<16xf32> to vector<16xf32>
    %swap3A_86 = vector.shape_cast %broadcast_in_dim3A_3 : vector<16xf32> to vector<16xf32>
    tpu.vector_store %arg8[%swap3A_83], %swap3A_86 {strides = array<i32>} : memref<640xf32, #tpu.memory_space<vmem>>, vector<16xf32>,
    %swap3A_87 = arith.constant 208 : index
    %swap3A_88 = tpu.vector_load %arg8[%swap3A_87] {strides = array<i32>} : memref<640xf32, #tpu.memory_space<vmem>>, vector<16xf32>,
    %swap3A_89 = vector.shape_cast %swap3A_88 : vector<16xf32> to vector<16xf32>
    %swap3A_90 = vector.shape_cast %broadcast_in_dim3A_3 : vector<16xf32> to vector<16xf32>
    tpu.vector_store %arg8[%swap3A_87], %swap3A_90 {strides = array<i32>} : memref<640xf32, #tpu.memory_space<vmem>>, vector<16xf32>,
    %swap3A_91 = arith.constant 224 : index
    %swap3A_92 = tpu.vector_load %arg8[%swap3A_91] {strides = array<i32>} : memref<640xf32, #tpu.memory_space<vmem>>, vector<16xf32>,
    %swap3A_93 = vector.shape_cast %swap3A_92 : vector<16xf32> to vector<16xf32>
    %swap3A_94 = vector.shape_cast %broadcast_in_dim3A_3 : vector<16xf32> to vector<16xf32>
    tpu.vector_store %arg8[%swap3A_91], %swap3A_94 {strides = array<i32>} : memref<640xf32, #tpu.memory_space<vmem>>, vector<16xf32>,
    %swap3A_95 = arith.constant 240 : index
    %swap3A_96 = tpu.vector_load %arg8[%swap3A_95] {strides = array<i32>} : memref<640xf32, #tpu.memory_space<vmem>>, vector<16xf32>,
    %swap3A_97 = vector.shape_cast %swap3A_96 : vector<16xf32> to vector<16xf32>
    %swap3A_98 = vector.shape_cast %broadcast_in_dim3A_3 : vector<16xf32> to vector<16xf32>
    tpu.vector_store %arg8[%swap3A_95], %swap3A_98 {strides = array<i32>} : memref<640xf32, #tpu.memory_space<vmem>>, vector<16xf32>,
    %swap3A_99 = arith.constant 256 : index
    %swap3A_100 = tpu.vector_load %arg8[%swap3A_99] {strides = array<i32>} : memref<640xf32, #tpu.memory_space<vmem>>, vector<16xf32>,
    %swap3A_101 = vector.shape_cast %swap3A_100 : vector<16xf32> to vector<16xf32>
    %swap3A_102 = vector.shape_cast %broadcast_in_dim3A_3 : vector<16xf32> to vector<16xf32>
    tpu.vector_store %arg8[%swap3A_99], %swap3A_102 {strides = array<i32>} : memref<640xf32, #tpu.memory_space<vmem>>, vector<16xf32>,
    %swap3A_103 = arith.constant 272 : index
    %swap3A_104 = tpu.vector_load %arg8[%swap3A_103] {strides = array<i32>} : memref<640xf32, #tpu.memory_space<vmem>>, vector<16xf32>,
    %swap3A_105 = vector.shape_cast %swap3A_104 : vector<16xf32> to vector<16xf32>
    %swap3A_106 = vector.shape_cast %broadcast_in_dim3A_3 : vector<16xf32> to vector<16xf32>
    tpu.vector_store %arg8[%swap3A_103], %swap3A_106 {strides = array<i32>} : memref<640xf32, #tpu.memory_space<vmem>>, vector<16xf32>,
    %swap3A_107 = arith.constant 288 : index
    %swap3A_108 = tpu.vector_load %arg8[%swap3A_107] {strides = array<i32>} : memref<640xf32, #tpu.memory_space<vmem>>, vector<16xf32>,
    %swap3A_109 = vector.shape_cast %swap3A_108 : vector<16xf32> to vector<16xf32>
    %swap3A_110 = vector.shape_cast %broadcast_in_dim3A_3 : vector<16xf32> to vector<16xf32>
    tpu.vector_store %arg8[%swap3A_107], %swap3A_110 {strides = array<i32>} : memref<640xf32, #tpu.memory_space<vmem>>, vector<16xf32>,
    %swap3A_111 = arith.constant 304 : index
    %swap3A_112 = tpu.vector_load %arg8[%swap3A_111] {strides = array<i32>} : memref<640xf32, #tpu.memory_space<vmem>>, vector<16xf32>,
    %swap3A_113 = vector.shape_cast %swap3A_112 : vector<16xf32> to vector<16xf32>
    %swap3A_114 = vector.shape_cast %broadcast_in_dim3A_3 : vector<16xf32> to vector<16xf32>
    tpu.vector_store %arg8[%swap3A_111], %swap3A_114 {strides = array<i32>} : memref<640xf32, #tpu.memory_space<vmem>>, vector<16xf32>,
    %swap3A_115 = arith.constant 320 : index
    %swap3A_116 = tpu.vector_load %arg8[%swap3A_115] {strides = array<i32>} : memref<640xf32, #tpu.memory_space<vmem>>, vector<16xf32>,
    %swap3A_117 = vector.shape_cast %swap3A_116 : vector<16xf32> to vector<16xf32>
    %swap3A_118 = vector.shape_cast %broadcast_in_dim3A_3 : vector<16xf32> to vector<16xf32>
    tpu.vector_store %arg8[%swap3A_115], %swap3A_118 {strides = array<i32>} : memref<640xf32, #tpu.memory_space<vmem>>, vector<16xf32>,
    %swap3A_119 = arith.constant 336 : index
    %swap3A_120 = tpu.vector_load %arg8[%swap3A_119] {strides = array<i32>} : memref<640xf32, #tpu.memory_space<vmem>>, vector<16xf32>,
    %swap3A_121 = vector.shape_cast %swap3A_120 : vector<16xf32> to vector<16xf32>
    %swap3A_122 = vector.shape_cast %broadcast_in_dim3A_3 : vector<16xf32> to vector<16xf32>
    tpu.vector_store %arg8[%swap3A_119], %swap3A_122 {strides = array<i32>} : memref<640xf32, #tpu.memory_space<vmem>>, vector<16xf32>,
    %swap3A_123 = arith.constant 352 : index
    %swap3A_124 = tpu.vector_load %arg8[%swap3A_123] {strides = array<i32>} : memref<640xf32, #tpu.memory_space<vmem>>, vector<16xf32>,
    %swap3A_125 = vector.shape_cast %swap3A_124 : vector<16xf32> to vector<16xf32>
    %swap3A_126 = vector.shape_cast %broadcast_in_dim3A_3 : vector<16xf32> to vector<16xf32>
    tpu.vector_store %arg8[%swap3A_123], %swap3A_126 {strides = array<i32>} : memref<640xf32, #tpu.memory_space<vmem>>, vector<16xf32>,
    %swap3A_127 = arith.constant 368 : index
    %swap3A_128 = tpu.vector_load %arg8[%swap3A_127] {strides = array<i32>} : memref<640xf32, #tpu.memory_space<vmem>>, vector<16xf32>,
    %swap3A_129 = vector.shape_cast %swap3A_128 : vector<16xf32> to vector<16xf32>
    %swap3A_130 = vector.shape_cast %broadcast_in_dim3A_3 : vector<16xf32> to vector<16xf32>
    tpu.vector_store %arg8[%swap3A_127], %swap3A_130 {strides = array<i32>} : memref<640xf32, #tpu.memory_space<vmem>>, vector<16xf32>,
    %swap3A_131 = arith.constant 384 : index
    %swap3A_132 = tpu.vector_load %arg8[%swap3A_131] {strides = array<i32>} : memref<640xf32, #tpu.memory_space<vmem>>, vector<16xf32>,
    %swap3A_133 = vector.shape_cast %swap3A_132 : vector<16xf32> to vector<16xf32>
    %swap3A_134 = vector.shape_cast %broadcast_in_dim3A_3 : vector<16xf32> to vector<16xf32>
    tpu.vector_store %arg8[%swap3A_131], %swap3A_134 {strides = array<i32>} : memref<640xf32, #tpu.memory_space<vmem>>, vector<16xf32>,
    %swap3A_135 = arith.constant 400 : index
    %swap3A_136 = tpu.vector_load %arg8[%swap3A_135] {strides = array<i32>} : memref<640xf32, #tpu.memory_space<vmem>>, vector<16xf32>,
    %swap3A_137 = vector.shape_cast %swap3A_136 : vector<16xf32> to vector<16xf32>
    %swap3A_138 = vector.shape_cast %broadcast_in_dim3A_3 : vector<16xf32> to vector<16xf32>
    tpu.vector_store %arg8[%swap3A_135], %swap3A_138 {strides = array<i32>} : memref<640xf32, #tpu.memory_space<vmem>>, vector<16xf32>,
    %swap3A_139 = arith.constant 416 : index
    %swap3A_140 = tpu.vector_load %arg8[%swap3A_139] {strides = array<i32>} : memref<640xf32, #tpu.memory_space<vmem>>, vector<16xf32>,
    %swap3A_141 = vector.shape_cast %swap3A_140 : vector<16xf32> to vector<16xf32>
    %swap3A_142 = vector.shape_cast %broadcast_in_dim3A_3 : vector<16xf32> to vector<16xf32>
    tpu.vector_store %arg8[%swap3A_139], %swap3A_142 {strides = array<i32>} : memref<640xf32, #tpu.memory_space<vmem>>, vector<16xf32>,
    %swap3A_143 = arith.constant 432 : index
    %swap3A_144 = tpu.vector_load %arg8[%swap3A_143] {strides = array<i32>} : memref<640xf32, #tpu.memory_space<vmem>>, vector<16xf32>,
    %swap3A_145 = vector.shape_cast %swap3A_144 : vector<16xf32> to vector<16xf32>
    %swap3A_146 = vector.shape_cast %broadcast_in_dim3A_3 : vector<16xf32> to vector<16xf32>
    tpu.vector_store %arg8[%swap3A_143], %swap3A_146 {strides = array<i32>} : memref<640xf32, #tpu.memory_space<vmem>>, vector<16xf32>,
    %swap3A_147 = arith.constant 448 : index
    %swap3A_148 = tpu.vector_load %arg8[%swap3A_147] {strides = array<i32>} : memref<640xf32, #tpu.memory_space<vmem>>, vector<16xf32>,
    %swap3A_149 = vector.shape_cast %swap3A_148 : vector<16xf32> to vector<16xf32>
    %swap3A_150 = vector.shape_cast %broadcast_in_dim3A_3 : vector<16xf32> to vector<16xf32>
    tpu.vector_store %arg8[%swap3A_147], %swap3A_150 {strides = array<i32>} : memref<640xf32, #tpu.memory_space<vmem>>, vector<16xf32>,
    %swap3A_151 = arith.constant 464 : index
    %swap3A_152 = tpu.vector_load %arg8[%swap3A_151] {strides = array<i32>} : memref<640xf32, #tpu.memory_space<vmem>>, vector<16xf32>,
    %swap3A_153 = vector.shape_cast %swap3A_152 : vector<16xf32> to vector<16xf32>
    %swap3A_154 = vector.shape_cast %broadcast_in_dim3A_3 : vector<16xf32> to vector<16xf32>
    tpu.vector_store %arg8[%swap3A_151], %swap3A_154 {strides = array<i32>} : memref<640xf32, #tpu.memory_space<vmem>>, vector<16xf32>,
    %swap3A_155 = arith.constant 480 : index
    %swap3A_156 = tpu.vector_load %arg8[%swap3A_155] {strides = array<i32>} : memref<640xf32, #tpu.memory_space<vmem>>, vector<16xf32>,
    %swap3A_157 = vector.shape_cast %swap3A_156 : vector<16xf32> to vector<16xf32>
    %swap3A_158 = vector.shape_cast %broadcast_in_dim3A_3 : vector<16xf32> to vector<16xf32>
    tpu.vector_store %arg8[%swap3A_155], %swap3A_158 {strides = array<i32>} : memref<640xf32, #tpu.memory_space<vmem>>, vector<16xf32>,
    %swap3A_159 = arith.constant 496 : index
    %swap3A_160 = tpu.vector_load %arg8[%swap3A_159] {strides = array<i32>} : memref<640xf32, #tpu.memory_space<vmem>>, vector<16xf32>,
    %swap3A_161 = vector.shape_cast %swap3A_160 : vector<16xf32> to vector<16xf32>
    %swap3A_162 = vector.shape_cast %broadcast_in_dim3A_3 : vector<16xf32> to vector<16xf32>
    tpu.vector_store %arg8[%swap3A_159], %swap3A_162 {strides = array<i32>} : memref<640xf32, #tpu.memory_space<vmem>>, vector<16xf32>,
    %swap3A_163 = arith.constant 512 : index
    %swap3A_164 = tpu.vector_load %arg8[%swap3A_163] {strides = array<i32>} : memref<640xf32, #tpu.memory_space<vmem>>, vector<16xf32>,
    %swap3A_165 = vector.shape_cast %swap3A_164 : vector<16xf32> to vector<16xf32>
    %swap3A_166 = vector.shape_cast %broadcast_in_dim3A_3 : vector<16xf32> to vector<16xf32>
    tpu.vector_store %arg8[%swap3A_163], %swap3A_166 {strides = array<i32>} : memref<640xf32, #tpu.memory_space<vmem>>, vector<16xf32>,
    %swap3A_167 = arith.constant 528 : index
    %swap3A_168 = tpu.vector_load %arg8[%swap3A_167] {strides = array<i32>} : memref<640xf32, #tpu.memory_space<vmem>>, vector<16xf32>,
    %swap3A_169 = vector.shape_cast %swap3A_168 : vector<16xf32> to vector<16xf32>
    %swap3A_170 = vector.shape_cast %broadcast_in_dim3A_3 : vector<16xf32> to vector<16xf32>
    tpu.vector_store %arg8[%swap3A_167], %swap3A_170 {strides = array<i32>} : memref<640xf32, #tpu.memory_space<vmem>>, vector<16xf32>,
    %swap3A_171 = arith.constant 544 : index
    %swap3A_172 = tpu.vector_load %arg8[%swap3A_171] {strides = array<i32>} : memref<640xf32, #tpu.memory_space<vmem>>, vector<16xf32>,
    %swap3A_173 = vector.shape_cast %swap3A_172 : vector<16xf32> to vector<16xf32>
    %swap3A_174 = vector.shape_cast %broadcast_in_dim3A_3 : vector<16xf32> to vector<16xf32>
    tpu.vector_store %arg8[%swap3A_171], %swap3A_174 {strides = array<i32>} : memref<640xf32, #tpu.memory_space<vmem>>, vector<16xf32>,
    %swap3A_175 = arith.constant 560 : index
    %swap3A_176 = tpu.vector_load %arg8[%swap3A_175] {strides = array<i32>} : memref<640xf32, #tpu.memory_space<vmem>>, vector<16xf32>,
    %swap3A_177 = vector.shape_cast %swap3A_176 : vector<16xf32> to vector<16xf32>
    %swap3A_178 = vector.shape_cast %broadcast_in_dim3A_3 : vector<16xf32> to vector<16xf32>
    tpu.vector_store %arg8[%swap3A_175], %swap3A_178 {strides = array<i32>} : memref<640xf32, #tpu.memory_space<vmem>>, vector<16xf32>,
    %swap3A_179 = arith.constant 576 : index
    %swap3A_180 = tpu.vector_load %arg8[%swap3A_179] {strides = array<i32>} : memref<640xf32, #tpu.memory_space<vmem>>, vector<16xf32>,
    %swap3A_181 = vector.shape_cast %swap3A_180 : vector<16xf32> to vector<16xf32>
    %swap3A_182 = vector.shape_cast %broadcast_in_dim3A_3 : vector<16xf32> to vector<16xf32>
    tpu.vector_store %arg8[%swap3A_179], %swap3A_182 {strides = array<i32>} : memref<640xf32, #tpu.memory_space<vmem>>, vector<16xf32>,
    %swap3A_183 = arith.constant 592 : index
    %swap3A_184 = tpu.vector_load %arg8[%swap3A_183] {strides = array<i32>} : memref<640xf32, #tpu.memory_space<vmem>>, vector<16xf32>,
    %swap3A_185 = vector.shape_cast %swap3A_184 : vector<16xf32> to vector<16xf32>
    %swap3A_186 = vector.shape_cast %broadcast_in_dim3A_3 : vector<16xf32> to vector<16xf32>
    tpu.vector_store %arg8[%swap3A_183], %swap3A_186 {strides = array<i32>} : memref<640xf32, #tpu.memory_space<vmem>>, vector<16xf32>,
    %swap3A_187 = arith.constant 608 : index
    %swap3A_188 = tpu.vector_load %arg8[%swap3A_187] {strides = array<i32>} : memref<640xf32, #tpu.memory_space<vmem>>, vector<16xf32>,
    %swap3A_189 = vector.shape_cast %swap3A_188 : vector<16xf32> to vector<16xf32>
    %swap3A_190 = vector.shape_cast %broadcast_in_dim3A_3 : vector<16xf32> to vector<16xf32>
    tpu.vector_store %arg8[%swap3A_187], %swap3A_190 {strides = array<i32>} : memref<640xf32, #tpu.memory_space<vmem>>, vector<16xf32>,
    %swap3A_191 = arith.constant 624 : index
    %swap3A_192 = tpu.vector_load %arg8[%swap3A_191] {strides = array<i32>} : memref<640xf32, #tpu.memory_space<vmem>>, vector<16xf32>,
    %swap3A_193 = vector.shape_cast %swap3A_192 : vector<16xf32> to vector<16xf32>
    %swap3A_194 = vector.shape_cast %broadcast_in_dim3A_3 : vector<16xf32> to vector<16xf32>
    tpu.vector_store %arg8[%swap3A_191], %swap3A_194 {strides = array<i32>} : memref<640xf32, #tpu.memory_space<vmem>>, vector<16xf32>,
    %mul3A_195 = arith.constant 632 : i32
    %mul3A_196 = arith.muli %arg1, %mul3A_195 : i32
    "tpu.region"() ({
      %run_scoped3A = tpu.sem_alloc : memref<!tpu.dma_semaphore, #tpu.memory_space<semaphore_mem>>
      %dma_start3A_242 = arith.constant 0 : i32
      %dma_start3A_243 = tpu.memref_slice %arg8[%dma_start3A_242] : memref<640xf32, #tpu.memory_space<vmem>> -> memref<632xf32, #tpu.memory_space<vmem>>
      %dma_start3A_244 = tpu.memref_slice %arg11[%mul3A_196] : memref<10112xf32, #tpu.memory_space<vmem_shared>> -> memref<632xf32, #tpu.memory_space<vmem_shared>>
      %dma_start3A_245 = tpu.memref_slice %arg11[%mul3A_196] : memref<10112xf32, #tpu.memory_space<vmem_shared>> -> memref<632xf32, #tpu.memory_space<vmem_shared>>
      %dma_start3A_246 = arith.constant 0 : i32
      %dma_start3A_247 = tpu.memref_slice %arg8[%dma_start3A_246] : memref<640xf32, #tpu.memory_space<vmem>> -> memref<632xf32, #tpu.memory_space<vmem>>
      tpu.enqueue_dma source(%dma_start3A_247 : memref<632xf32, #tpu.memory_space<vmem>>) target(%dma_start3A_245 : memref<632xf32, #tpu.memory_space<vmem_shared>>) target_semaphore(%run_scoped3A : memref<!tpu.dma_semaphore, #tpu.memory_space<semaphore_mem>>)
      %dma_wait3A_248 = arith.constant 0 : i32
      %dma_wait3A_249 = tpu.memref_slice %arg8[%dma_wait3A_248] : memref<640xf32, #tpu.memory_space<vmem>> -> memref<632xf32, #tpu.memory_space<vmem>>
      %dma_wait3A_250 = tpu.memref_slice %arg11[%mul3A_196] : memref<10112xf32, #tpu.memory_space<vmem_shared>> -> memref<632xf32, #tpu.memory_space<vmem_shared>>
      %dma_wait3A_251 = tpu.memref_slice %arg11[%mul3A_196] : memref<10112xf32, #tpu.memory_space<vmem_shared>> -> memref<632xf32, #tpu.memory_space<vmem_shared>>
      %dma_wait3A_252 = arith.constant 0 : i32
      %dma_wait3A_253 = tpu.memref_slice %arg8[%dma_wait3A_252] : memref<640xf32, #tpu.memory_space<vmem>> -> memref<632xf32, #tpu.memory_space<vmem>>
      tpu.wait_dma2 semaphore(%run_scoped3A : memref<!tpu.dma_semaphore, #tpu.memory_space<semaphore_mem>>) src(%dma_wait3A_253 : memref<632xf32, #tpu.memory_space<vmem>>) dst(%dma_wait3A_251 : memref<632xf32, #tpu.memory_space<vmem_shared>>)
      tpu.yield
    }) : () -> ()
    "tpu.region"() ({
      %run_scoped3A = tpu.sem_alloc : memref<!tpu.dma_semaphore, #tpu.memory_space<semaphore_mem>>
      %dma_start3A_242 = arith.constant 0 : i32
      %dma_start3A_243 = tpu.memref_slice %arg8[%dma_start3A_242] : memref<640xf32, #tpu.memory_space<vmem>> -> memref<632xf32, #tpu.memory_space<vmem>>
      %dma_start3A_244 = tpu.memref_slice %arg12[%mul3A_196] : memref<10112xf32, #tpu.memory_space<vmem_shared>> -> memref<632xf32, #tpu.memory_space<vmem_shared>>
      %dma_start3A_245 = tpu.memref_slice %arg12[%mul3A_196] : memref<10112xf32, #tpu.memory_space<vmem_shared>> -> memref<632xf32, #tpu.memory_space<vmem_shared>>
      %dma_start3A_246 = arith.constant 0 : i32
      %dma_start3A_247 = tpu.memref_slice %arg8[%dma_start3A_246] : memref<640xf32, #tpu.memory_space<vmem>> -> memref<632xf32, #tpu.memory_space<vmem>>
      tpu.enqueue_dma source(%dma_start3A_247 : memref<632xf32, #tpu.memory_space<vmem>>) target(%dma_start3A_245 : memref<632xf32, #tpu.memory_space<vmem_shared>>) target_semaphore(%run_scoped3A : memref<!tpu.dma_semaphore, #tpu.memory_space<semaphore_mem>>)
      %dma_wait3A_248 = arith.constant 0 : i32
      %dma_wait3A_249 = tpu.memref_slice %arg8[%dma_wait3A_248] : memref<640xf32, #tpu.memory_space<vmem>> -> memref<632xf32, #tpu.memory_space<vmem>>
      %dma_wait3A_250 = tpu.memref_slice %arg12[%mul3A_196] : memref<10112xf32, #tpu.memory_space<vmem_shared>> -> memref<632xf32, #tpu.memory_space<vmem_shared>>
      %dma_wait3A_251 = tpu.memref_slice %arg12[%mul3A_196] : memref<10112xf32, #tpu.memory_space<vmem_shared>> -> memref<632xf32, #tpu.memory_space<vmem_shared>>
      %dma_wait3A_252 = arith.constant 0 : i32
      %dma_wait3A_253 = tpu.memref_slice %arg8[%dma_wait3A_252] : memref<640xf32, #tpu.memory_space<vmem>> -> memref<632xf32, #tpu.memory_space<vmem>>
      tpu.wait_dma2 semaphore(%run_scoped3A : memref<!tpu.dma_semaphore, #tpu.memory_space<semaphore_mem>>) src(%dma_wait3A_253 : memref<632xf32, #tpu.memory_space<vmem>>) dst(%dma_wait3A_251 : memref<632xf32, #tpu.memory_space<vmem_shared>>)
      tpu.yield
    }) : () -> ()
    %mul3A_197 = arith.constant 80 : i32
    %mul3A_198 = arith.muli %add3A, %mul3A_197 : i32
    "tpu.region"() ({
      %run_scoped3A = tpu.sem_alloc : memref<!tpu.dma_semaphore, #tpu.memory_space<semaphore_mem>>
      %dma_start3A_242 = arith.constant 0 : i32
      %dma_start3A_243 = tpu.memref_slice %arg2[%mul3A_198, %dma_start3A_242] : memref<2560x128xi32, #tpu.memory_space<hbm>> -> memref<80x128xi32, #tpu.memory_space<hbm>>
      %dma_start3A_244 = arith.constant 0 : i32
      %dma_start3A_245 = tpu.memref_slice %arg2[%mul3A_198, %dma_start3A_244] : memref<2560x128xi32, #tpu.memory_space<hbm>> -> memref<80x128xi32, #tpu.memory_space<hbm>>
      tpu.enqueue_dma source(%dma_start3A_245 : memref<80x128xi32, #tpu.memory_space<hbm>>) target(%arg5 : memref<80x128xi32, #tpu.memory_space<vmem>>) target_semaphore(%run_scoped3A : memref<!tpu.dma_semaphore, #tpu.memory_space<semaphore_mem>>)
      %dma_wait3A_246 = arith.constant 0 : i32
      %dma_wait3A_247 = tpu.memref_slice %arg2[%mul3A_198, %dma_wait3A_246] : memref<2560x128xi32, #tpu.memory_space<hbm>> -> memref<80x128xi32, #tpu.memory_space<hbm>>
      %dma_wait3A_248 = arith.constant 0 : i32
      %dma_wait3A_249 = tpu.memref_slice %arg2[%mul3A_198, %dma_wait3A_248] : memref<2560x128xi32, #tpu.memory_space<hbm>> -> memref<80x128xi32, #tpu.memory_space<hbm>>
      tpu.wait_dma2 semaphore(%run_scoped3A : memref<!tpu.dma_semaphore, #tpu.memory_space<semaphore_mem>>) src(%dma_wait3A_249 : memref<80x128xi32, #tpu.memory_space<hbm>>) dst(%arg5 : memref<80x128xi32, #tpu.memory_space<vmem>>)
      tpu.yield
    }) : () -> ()
    %mul3A_199 = arith.constant 80 : i32
    %mul3A_200 = arith.muli %add3A, %mul3A_199 : i32
    "tpu.region"() ({
      %run_scoped3A = tpu.sem_alloc : memref<!tpu.dma_semaphore, #tpu.memory_space<semaphore_mem>>
      %dma_start3A_242 = arith.constant 0 : i32
      %dma_start3A_243 = tpu.memref_slice %arg3[%mul3A_200, %dma_start3A_242] : memref<2560x128xi32, #tpu.memory_space<hbm>> -> memref<80x128xi32, #tpu.memory_space<hbm>>
      %dma_start3A_244 = arith.constant 0 : i32
      %dma_start3A_245 = tpu.memref_slice %arg3[%mul3A_200, %dma_start3A_244] : memref<2560x128xi32, #tpu.memory_space<hbm>> -> memref<80x128xi32, #tpu.memory_space<hbm>>
      tpu.enqueue_dma source(%dma_start3A_245 : memref<80x128xi32, #tpu.memory_space<hbm>>) target(%arg6 : memref<80x128xi32, #tpu.memory_space<vmem>>) target_semaphore(%run_scoped3A : memref<!tpu.dma_semaphore, #tpu.memory_space<semaphore_mem>>)
      %dma_wait3A_246 = arith.constant 0 : i32
      %dma_wait3A_247 = tpu.memref_slice %arg3[%mul3A_200, %dma_wait3A_246] : memref<2560x128xi32, #tpu.memory_space<hbm>> -> memref<80x128xi32, #tpu.memory_space<hbm>>
      %dma_wait3A_248 = arith.constant 0 : i32
      %dma_wait3A_249 = tpu.memref_slice %arg3[%mul3A_200, %dma_wait3A_248] : memref<2560x128xi32, #tpu.memory_space<hbm>> -> memref<80x128xi32, #tpu.memory_space<hbm>>
      tpu.wait_dma2 semaphore(%run_scoped3A : memref<!tpu.dma_semaphore, #tpu.memory_space<semaphore_mem>>) src(%dma_wait3A_249 : memref<80x128xi32, #tpu.memory_space<hbm>>) dst(%arg6 : memref<80x128xi32, #tpu.memory_space<vmem>>)
      tpu.yield
    }) : () -> ()
    %barrier3A = arith.constant 0 : index
    tpu.barrier barrier_id(%barrier3A)
    %dma_start3A = arith.constant 0 : i32
    %dma_start3A_201 = arith.constant 0 : i32
    %dma_start3A_202 = tpu.memref_slice %arg5[%dma_start3A, %dma_start3A_201] : memref<80x128xi32, #tpu.memory_space<vmem>> -> memref<1x128xi32, #tpu.memory_space<vmem>>
    %dma_start3A_203 = tpu.memref_squeeze %dma_start3A_202 : memref<1x128xi32, #tpu.memory_space<vmem>> -> memref<128xi32, #tpu.memory_space<vmem>>
    %dma_start3A_204 = arith.constant 0 : i32
    %dma_start3A_205 = tpu.memref_slice %arg11[%dma_start3A_204] : memref<10112xf32, #tpu.memory_space<vmem_shared>> -> memref<10112xf32, #tpu.memory_space<vmem_shared>>
    tpu.enqueue_indirect_dma source(%arg7 : memref<128xf32, #tpu.memory_space<vmem>>) target(%dma_start3A_205 : memref<10112xf32, #tpu.memory_space<vmem_shared>>) offsets(%dma_start3A_203 : memref<128xi32, #tpu.memory_space<vmem>>) semaphore(%arg9 : memref<!tpu.dma_semaphore, #tpu.memory_space<semaphore_mem>>) {add = true}
    %dma_start3A_206 = arith.constant 0 : i32
    %dma_start3A_207 = arith.constant 0 : i32
    %dma_start3A_208 = tpu.memref_slice %arg6[%dma_start3A_206, %dma_start3A_207] : memref<80x128xi32, #tpu.memory_space<vmem>> -> memref<1x128xi32, #tpu.memory_space<vmem>>
    %dma_start3A_209 = tpu.memref_squeeze %dma_start3A_208 : memref<1x128xi32, #tpu.memory_space<vmem>> -> memref<128xi32, #tpu.memory_space<vmem>>
    %dma_start3A_210 = arith.constant 0 : i32
    %dma_start3A_211 = tpu.memref_slice %arg12[%dma_start3A_210] : memref<10112xf32, #tpu.memory_space<vmem_shared>> -> memref<10112xf32, #tpu.memory_space<vmem_shared>>
    tpu.enqueue_indirect_dma source(%arg7 : memref<128xf32, #tpu.memory_space<vmem>>) target(%dma_start3A_211 : memref<10112xf32, #tpu.memory_space<vmem_shared>>) offsets(%dma_start3A_209 : memref<128xi32, #tpu.memory_space<vmem>>) semaphore(%arg10 : memref<!tpu.dma_semaphore, #tpu.memory_space<semaphore_mem>>) {add = true}
    %scan3A = arith.constant 0 : i32
    %scan3A_212 = arith.constant 1 : i32
    %scan3A_213 = arith.constant 79 : i32
    %scan3A_214 = arith.addi %scan3A_212, %scan3A_213 : i32
    %scan3A_215 = arith.constant 1 : i32
    %scan3A_216 = scf.for %scan3A_242 = %scan3A_212 to %scan3A_214 step %scan3A_215 iter_args(%scan3A_243 = %scan3A) -> (i32)  : i32 {
      %dma_start3A_244 = arith.constant 0 : i32
      %dma_start3A_245 = tpu.memref_slice %arg5[%scan3A_242, %dma_start3A_244] : memref<80x128xi32, #tpu.memory_space<vmem>> -> memref<1x128xi32, #tpu.memory_space<vmem>>
      %dma_start3A_246 = tpu.memref_squeeze %dma_start3A_245 : memref<1x128xi32, #tpu.memory_space<vmem>> -> memref<128xi32, #tpu.memory_space<vmem>>
      %dma_start3A_247 = arith.constant 0 : i32
      %dma_start3A_248 = tpu.memref_slice %arg11[%dma_start3A_247] : memref<10112xf32, #tpu.memory_space<vmem_shared>> -> memref<10112xf32, #tpu.memory_space<vmem_shared>>
      tpu.enqueue_indirect_dma source(%arg7 : memref<128xf32, #tpu.memory_space<vmem>>) target(%dma_start3A_248 : memref<10112xf32, #tpu.memory_space<vmem_shared>>) offsets(%dma_start3A_246 : memref<128xi32, #tpu.memory_space<vmem>>) semaphore(%arg9 : memref<!tpu.dma_semaphore, #tpu.memory_space<semaphore_mem>>) {add = true}
      %dma_start3A_249 = arith.constant 0 : i32
      %dma_start3A_250 = tpu.memref_slice %arg6[%scan3A_242, %dma_start3A_249] : memref<80x128xi32, #tpu.memory_space<vmem>> -> memref<1x128xi32, #tpu.memory_space<vmem>>
      %dma_start3A_251 = tpu.memref_squeeze %dma_start3A_250 : memref<1x128xi32, #tpu.memory_space<vmem>> -> memref<128xi32, #tpu.memory_space<vmem>>
      %dma_start3A_252 = arith.constant 0 : i32
      %dma_start3A_253 = tpu.memref_slice %arg12[%dma_start3A_252] : memref<10112xf32, #tpu.memory_space<vmem_shared>> -> memref<10112xf32, #tpu.memory_space<vmem_shared>>
      tpu.enqueue_indirect_dma source(%arg7 : memref<128xf32, #tpu.memory_space<vmem>>) target(%dma_start3A_253 : memref<10112xf32, #tpu.memory_space<vmem_shared>>) offsets(%dma_start3A_251 : memref<128xi32, #tpu.memory_space<vmem>>) semaphore(%arg10 : memref<!tpu.dma_semaphore, #tpu.memory_space<semaphore_mem>>) {add = true}
      %dma_wait3A_254 = arith.constant 0 : i32
      %dma_wait3A_255 = tpu.memref_slice %arg5[%scan3A_242, %dma_wait3A_254] : memref<80x128xi32, #tpu.memory_space<vmem>> -> memref<1x128xi32, #tpu.memory_space<vmem>>
      %dma_wait3A_256 = tpu.memref_squeeze %dma_wait3A_255 : memref<1x128xi32, #tpu.memory_space<vmem>> -> memref<128xi32, #tpu.memory_space<vmem>>
      %dma_wait3A_257 = arith.constant 0 : i32
      %dma_wait3A_258 = tpu.memref_slice %arg11[%dma_wait3A_257] : memref<10112xf32, #tpu.memory_space<vmem_shared>> -> memref<10112xf32, #tpu.memory_space<vmem_shared>>
      tpu.wait_indirect_dma semaphore(%arg9 : memref<!tpu.dma_semaphore, #tpu.memory_space<semaphore_mem>>) src(%arg7 : memref<128xf32, #tpu.memory_space<vmem>>) dst(%dma_wait3A_258 : memref<10112xf32, #tpu.memory_space<vmem_shared>>)
      %dma_wait3A_259 = arith.constant 0 : i32
      %dma_wait3A_260 = tpu.memref_slice %arg6[%scan3A_242, %dma_wait3A_259] : memref<80x128xi32, #tpu.memory_space<vmem>> -> memref<1x128xi32, #tpu.memory_space<vmem>>
      %dma_wait3A_261 = tpu.memref_squeeze %dma_wait3A_260 : memref<1x128xi32, #tpu.memory_space<vmem>> -> memref<128xi32, #tpu.memory_space<vmem>>
      %dma_wait3A_262 = arith.constant 0 : i32
      %dma_wait3A_263 = tpu.memref_slice %arg12[%dma_wait3A_262] : memref<10112xf32, #tpu.memory_space<vmem_shared>> -> memref<10112xf32, #tpu.memory_space<vmem_shared>>
      tpu.wait_indirect_dma semaphore(%arg10 : memref<!tpu.dma_semaphore, #tpu.memory_space<semaphore_mem>>) src(%arg7 : memref<128xf32, #tpu.memory_space<vmem>>) dst(%dma_wait3A_263 : memref<10112xf32, #tpu.memory_space<vmem_shared>>)
      %scan3A_264 = arith.constant 0 : i32
      scf.yield %scan3A_264 : i32
    }
    %scan3A_217 = arith.constant 79 : i32
    %dma_wait3A = arith.constant 0 : i32
    %dma_wait3A_218 = arith.constant 0 : i32
    %dma_wait3A_219 = tpu.memref_slice %arg5[%dma_wait3A, %dma_wait3A_218] : memref<80x128xi32, #tpu.memory_space<vmem>> -> memref<1x128xi32, #tpu.memory_space<vmem>>
    %dma_wait3A_220 = tpu.memref_squeeze %dma_wait3A_219 : memref<1x128xi32, #tpu.memory_space<vmem>> -> memref<128xi32, #tpu.memory_space<vmem>>
    %dma_wait3A_221 = arith.constant 0 : i32
    %dma_wait3A_222 = tpu.memref_slice %arg11[%dma_wait3A_221] : memref<10112xf32, #tpu.memory_space<vmem_shared>> -> memref<10112xf32, #tpu.memory_space<vmem_shared>>
    tpu.wait_indirect_dma semaphore(%arg9 : memref<!tpu.dma_semaphore, #tpu.memory_space<semaphore_mem>>) src(%arg7 : memref<128xf32, #tpu.memory_space<vmem>>) dst(%dma_wait3A_222 : memref<10112xf32, #tpu.memory_space<vmem_shared>>)
    %dma_wait3A_223 = arith.constant 0 : i32
    %dma_wait3A_224 = arith.constant 0 : i32
    %dma_wait3A_225 = tpu.memref_slice %arg6[%dma_wait3A_223, %dma_wait3A_224] : memref<80x128xi32, #tpu.memory_space<vmem>> -> memref<1x128xi32, #tpu.memory_space<vmem>>
    %dma_wait3A_226 = tpu.memref_squeeze %dma_wait3A_225 : memref<1x128xi32, #tpu.memory_space<vmem>> -> memref<128xi32, #tpu.memory_space<vmem>>
    %dma_wait3A_227 = arith.constant 0 : i32
    %dma_wait3A_228 = tpu.memref_slice %arg12[%dma_wait3A_227] : memref<10112xf32, #tpu.memory_space<vmem_shared>> -> memref<10112xf32, #tpu.memory_space<vmem_shared>>
    tpu.wait_indirect_dma semaphore(%arg10 : memref<!tpu.dma_semaphore, #tpu.memory_space<semaphore_mem>>) src(%arg7 : memref<128xf32, #tpu.memory_space<vmem>>) dst(%dma_wait3A_228 : memref<10112xf32, #tpu.memory_space<vmem_shared>>)
    %barrier3A_229 = arith.constant 0 : index
    tpu.barrier barrier_id(%barrier3A_229)
    "tpu.region"() ({
      %run_scoped3A = tpu.sem_alloc : memref<!tpu.dma_semaphore, #tpu.memory_space<semaphore_mem>>
      %dma_start3A_242 = arith.constant 0 : i32
      %dma_start3A_243 = tpu.memref_slice %arg8[%dma_start3A_242] : memref<640xf32, #tpu.memory_space<vmem>> -> memref<632xf32, #tpu.memory_space<vmem>>
      %dma_start3A_244 = tpu.memref_slice %arg11[%mul3A_196] : memref<10112xf32, #tpu.memory_space<vmem_shared>> -> memref<632xf32, #tpu.memory_space<vmem_shared>>
      %dma_start3A_245 = arith.constant 0 : i32
      %dma_start3A_246 = tpu.memref_slice %arg8[%dma_start3A_245] : memref<640xf32, #tpu.memory_space<vmem>> -> memref<632xf32, #tpu.memory_space<vmem>>
      %dma_start3A_247 = tpu.memref_slice %arg11[%mul3A_196] : memref<10112xf32, #tpu.memory_space<vmem_shared>> -> memref<632xf32, #tpu.memory_space<vmem_shared>>
      tpu.enqueue_dma source(%dma_start3A_247 : memref<632xf32, #tpu.memory_space<vmem_shared>>) target(%dma_start3A_246 : memref<632xf32, #tpu.memory_space<vmem>>) target_semaphore(%run_scoped3A : memref<!tpu.dma_semaphore, #tpu.memory_space<semaphore_mem>>)
      %dma_wait3A_248 = arith.constant 0 : i32
      %dma_wait3A_249 = tpu.memref_slice %arg8[%dma_wait3A_248] : memref<640xf32, #tpu.memory_space<vmem>> -> memref<632xf32, #tpu.memory_space<vmem>>
      %dma_wait3A_250 = tpu.memref_slice %arg11[%mul3A_196] : memref<10112xf32, #tpu.memory_space<vmem_shared>> -> memref<632xf32, #tpu.memory_space<vmem_shared>>
      %dma_wait3A_251 = arith.constant 0 : i32
      %dma_wait3A_252 = tpu.memref_slice %arg8[%dma_wait3A_251] : memref<640xf32, #tpu.memory_space<vmem>> -> memref<632xf32, #tpu.memory_space<vmem>>
      %dma_wait3A_253 = tpu.memref_slice %arg11[%mul3A_196] : memref<10112xf32, #tpu.memory_space<vmem_shared>> -> memref<632xf32, #tpu.memory_space<vmem_shared>>
      tpu.wait_dma2 semaphore(%run_scoped3A : memref<!tpu.dma_semaphore, #tpu.memory_space<semaphore_mem>>) src(%dma_wait3A_253 : memref<632xf32, #tpu.memory_space<vmem_shared>>) dst(%dma_wait3A_252 : memref<632xf32, #tpu.memory_space<vmem>>)
      tpu.yield
    }) : () -> ()
    %mul3A_230 = arith.constant 2 : i32
    %mul3A_231 = arith.muli %arg0, %mul3A_230 : i32
    %mul3A_232 = arith.constant 10112 : i32
    %mul3A_233 = arith.muli %mul3A_231, %mul3A_232 : i32
    %add3A_234 = arith.addi %mul3A_233, %mul3A_196 : i32
    "tpu.region"() ({
      %run_scoped3A = tpu.sem_alloc : memref<!tpu.dma_semaphore, #tpu.memory_space<semaphore_mem>>
      %dma_start3A_242 = arith.constant 0 : i32
      %dma_start3A_243 = tpu.memref_slice %arg8[%dma_start3A_242] : memref<640xf32, #tpu.memory_space<vmem>> -> memref<632xf32, #tpu.memory_space<vmem>>
      %dma_start3A_244 = tpu.memref_slice %arg4[%add3A_234] : memref<40448xf32, #tpu.memory_space<hbm>> -> memref<632xf32, #tpu.memory_space<hbm>>
      %dma_start3A_245 = tpu.memref_slice %arg4[%add3A_234] : memref<40448xf32, #tpu.memory_space<hbm>> -> memref<632xf32, #tpu.memory_space<hbm>>
      %dma_start3A_246 = arith.constant 0 : i32
      %dma_start3A_247 = tpu.memref_slice %arg8[%dma_start3A_246] : memref<640xf32, #tpu.memory_space<vmem>> -> memref<632xf32, #tpu.memory_space<vmem>>
      tpu.enqueue_dma source(%dma_start3A_247 : memref<632xf32, #tpu.memory_space<vmem>>) target(%dma_start3A_245 : memref<632xf32, #tpu.memory_space<hbm>>) target_semaphore(%run_scoped3A : memref<!tpu.dma_semaphore, #tpu.memory_space<semaphore_mem>>)
      %dma_wait3A_248 = arith.constant 0 : i32
      %dma_wait3A_249 = tpu.memref_slice %arg8[%dma_wait3A_248] : memref<640xf32, #tpu.memory_space<vmem>> -> memref<632xf32, #tpu.memory_space<vmem>>
      %dma_wait3A_250 = tpu.memref_slice %arg4[%add3A_234] : memref<40448xf32, #tpu.memory_space<hbm>> -> memref<632xf32, #tpu.memory_space<hbm>>
      %dma_wait3A_251 = tpu.memref_slice %arg4[%add3A_234] : memref<40448xf32, #tpu.memory_space<hbm>> -> memref<632xf32, #tpu.memory_space<hbm>>
      %dma_wait3A_252 = arith.constant 0 : i32
      %dma_wait3A_253 = tpu.memref_slice %arg8[%dma_wait3A_252] : memref<640xf32, #tpu.memory_space<vmem>> -> memref<632xf32, #tpu.memory_space<vmem>>
      tpu.wait_dma2 semaphore(%run_scoped3A : memref<!tpu.dma_semaphore, #tpu.memory_space<semaphore_mem>>) src(%dma_wait3A_253 : memref<632xf32, #tpu.memory_space<vmem>>) dst(%dma_wait3A_251 : memref<632xf32, #tpu.memory_space<hbm>>)
      tpu.yield
    }) : () -> ()
    "tpu.region"() ({
      %run_scoped3A = tpu.sem_alloc : memref<!tpu.dma_semaphore, #tpu.memory_space<semaphore_mem>>
      %dma_start3A_242 = arith.constant 0 : i32
      %dma_start3A_243 = tpu.memref_slice %arg8[%dma_start3A_242] : memref<640xf32, #tpu.memory_space<vmem>> -> memref<632xf32, #tpu.memory_space<vmem>>
      %dma_start3A_244 = tpu.memref_slice %arg12[%mul3A_196] : memref<10112xf32, #tpu.memory_space<vmem_shared>> -> memref<632xf32, #tpu.memory_space<vmem_shared>>
      %dma_start3A_245 = arith.constant 0 : i32
      %dma_start3A_246 = tpu.memref_slice %arg8[%dma_start3A_245] : memref<640xf32, #tpu.memory_space<vmem>> -> memref<632xf32, #tpu.memory_space<vmem>>
      %dma_start3A_247 = tpu.memref_slice %arg12[%mul3A_196] : memref<10112xf32, #tpu.memory_space<vmem_shared>> -> memref<632xf32, #tpu.memory_space<vmem_shared>>
      tpu.enqueue_dma source(%dma_start3A_247 : memref<632xf32, #tpu.memory_space<vmem_shared>>) target(%dma_start3A_246 : memref<632xf32, #tpu.memory_space<vmem>>) target_semaphore(%run_scoped3A : memref<!tpu.dma_semaphore, #tpu.memory_space<semaphore_mem>>)
      %dma_wait3A_248 = arith.constant 0 : i32
      %dma_wait3A_249 = tpu.memref_slice %arg8[%dma_wait3A_248] : memref<640xf32, #tpu.memory_space<vmem>> -> memref<632xf32, #tpu.memory_space<vmem>>
      %dma_wait3A_250 = tpu.memref_slice %arg12[%mul3A_196] : memref<10112xf32, #tpu.memory_space<vmem_shared>> -> memref<632xf32, #tpu.memory_space<vmem_shared>>
      %dma_wait3A_251 = arith.constant 0 : i32
      %dma_wait3A_252 = tpu.memref_slice %arg8[%dma_wait3A_251] : memref<640xf32, #tpu.memory_space<vmem>> -> memref<632xf32, #tpu.memory_space<vmem>>
      %dma_wait3A_253 = tpu.memref_slice %arg12[%mul3A_196] : memref<10112xf32, #tpu.memory_space<vmem_shared>> -> memref<632xf32, #tpu.memory_space<vmem_shared>>
      tpu.wait_dma2 semaphore(%run_scoped3A : memref<!tpu.dma_semaphore, #tpu.memory_space<semaphore_mem>>) src(%dma_wait3A_253 : memref<632xf32, #tpu.memory_space<vmem_shared>>) dst(%dma_wait3A_252 : memref<632xf32, #tpu.memory_space<vmem>>)
      tpu.yield
    }) : () -> ()
    %mul3A_235 = arith.constant 2 : i32
    %mul3A_236 = arith.muli %arg0, %mul3A_235 : i32
    %add3A_237 = arith.constant 1 : i32
    %add3A_238 = arith.addi %mul3A_236, %add3A_237 : i32
    %mul3A_239 = arith.constant 10112 : i32
    %mul3A_240 = arith.muli %add3A_238, %mul3A_239 : i32
    %add3A_241 = arith.addi %mul3A_240, %mul3A_196 : i32
    "tpu.region"() ({
      %run_scoped3A = tpu.sem_alloc : memref<!tpu.dma_semaphore, #tpu.memory_space<semaphore_mem>>
      %dma_start3A_242 = arith.constant 0 : i32
      %dma_start3A_243 = tpu.memref_slice %arg8[%dma_start3A_242] : memref<640xf32, #tpu.memory_space<vmem>> -> memref<632xf32, #tpu.memory_space<vmem>>
      %dma_start3A_244 = tpu.memref_slice %arg4[%add3A_241] : memref<40448xf32, #tpu.memory_space<hbm>> -> memref<632xf32, #tpu.memory_space<hbm>>
      %dma_start3A_245 = tpu.memref_slice %arg4[%add3A_241] : memref<40448xf32, #tpu.memory_space<hbm>> -> memref<632xf32, #tpu.memory_space<hbm>>
      %dma_start3A_246 = arith.constant 0 : i32
      %dma_start3A_247 = tpu.memref_slice %arg8[%dma_start3A_246] : memref<640xf32, #tpu.memory_space<vmem>> -> memref<632xf32, #tpu.memory_space<vmem>>
      tpu.enqueue_dma source(%dma_start3A_247 : memref<632xf32, #tpu.memory_space<vmem>>) target(%dma_start3A_245 : memref<632xf32, #tpu.memory_space<hbm>>) target_semaphore(%run_scoped3A : memref<!tpu.dma_semaphore, #tpu.memory_space<semaphore_mem>>)
      %dma_wait3A_248 = arith.constant 0 : i32
      %dma_wait3A_249 = tpu.memref_slice %arg8[%dma_wait3A_248] : memref<640xf32, #tpu.memory_space<vmem>> -> memref<632xf32, #tpu.memory_space<vmem>>
      %dma_wait3A_250 = tpu.memref_slice %arg4[%add3A_241] : memref<40448xf32, #tpu.memory_space<hbm>> -> memref<632xf32, #tpu.memory_space<hbm>>
      %dma_wait3A_251 = tpu.memref_slice %arg4[%add3A_241] : memref<40448xf32, #tpu.memory_space<hbm>> -> memref<632xf32, #tpu.memory_space<hbm>>
      %dma_wait3A_252 = arith.constant 0 : i32
      %dma_wait3A_253 = tpu.memref_slice %arg8[%dma_wait3A_252] : memref<640xf32, #tpu.memory_space<vmem>> -> memref<632xf32, #tpu.memory_space<vmem>>
      tpu.wait_dma2 semaphore(%run_scoped3A : memref<!tpu.dma_semaphore, #tpu.memory_space<semaphore_mem>>) src(%dma_wait3A_253 : memref<632xf32, #tpu.memory_space<vmem>>) dst(%dma_wait3A_251 : memref<632xf32, #tpu.memory_space<hbm>>)
      tpu.yield
    }) : () -> ()
    return
  }
}

#map = affine_map<(d0, d1) -> (0, 0)>
#map1 = affine_map<(d0, d1) -> (0, 0, 0)>
module attributes {stable_mosaic.version = 14 : i64} {
  func.func @_agg_kernel(%arg0: i32, %arg1: i32, %arg2: memref<10112x128xf32, #tpu.memory_space<hbm>>, %arg3: memref<2560x128xi32, #tpu.memory_space<hbm>>, %arg4: memref<2560x128xi32, #tpu.memory_space<hbm>>, %arg5: memref<128x128xf32, #tpu.memory_space<hbm>>, %arg6: memref<2x10112x128xf32, #tpu.memory_space<hbm>>, %arg7: memref<40x128xi32, #tpu.memory_space<vmem>>, %arg8: memref<40x128xi32, #tpu.memory_space<vmem>>, %arg9: memref<128x128xf32, #tpu.memory_space<vmem>>, %arg10: memref<128x128xf32, #tpu.memory_space<vmem>>, %arg11: memref<!tpu.dma_semaphore, #tpu.memory_space<semaphore_mem>>, %arg12: memref<!tpu.dma_semaphore, #tpu.memory_space<semaphore_mem>>, %arg13: memref<10112x128xf32, #tpu.memory_space<vmem_shared>>) attributes {dimension_semantics = [#tpu.dimension_semantics<core_parallel>, #tpu.dimension_semantics<subcore_parallel>], iteration_bounds = array<i64: 2, 16>, scalar_prefetch = 0 : i64, scratch_operands = 7 : i64, tpu.core_type = #tpu.core_type<sc_vector_subcore>, window_params = [{transform_indices = #map}, {transform_indices = #map}, {transform_indices = #map}, {transform_indices = #map}, {transform_indices = #map1}]} {
    %mul3A = arith.constant 2 : i32
    %mul3A_0 = arith.muli %arg1, %mul3A : i32
    %add3A = arith.addi %mul3A_0, %arg0 : i32
    %mul3A_1 = arith.constant 632 : i32
    %mul3A_2 = arith.muli %arg1, %mul3A_1 : i32
    "tpu.region"() ({
      %run_scoped3A_120 = tpu.sem_alloc : memref<!tpu.dma_semaphore, #tpu.memory_space<semaphore_mem>>
      tpu.enqueue_dma source(%arg5 : memref<128x128xf32, #tpu.memory_space<hbm>>) target(%arg9 : memref<128x128xf32, #tpu.memory_space<vmem>>) target_semaphore(%run_scoped3A_120 : memref<!tpu.dma_semaphore, #tpu.memory_space<semaphore_mem>>)
      tpu.wait_dma2 semaphore(%run_scoped3A_120 : memref<!tpu.dma_semaphore, #tpu.memory_space<semaphore_mem>>) src(%arg5 : memref<128x128xf32, #tpu.memory_space<hbm>>) dst(%arg9 : memref<128x128xf32, #tpu.memory_space<vmem>>)
      tpu.yield
    }) : () -> ()
    %add3A_3 = arith.constant 0 : i32
    %add3A_4 = arith.addi %mul3A_2, %add3A_3 : i32
    "tpu.region"() ({
      %run_scoped3A_120 = tpu.sem_alloc : memref<!tpu.dma_semaphore, #tpu.memory_space<semaphore_mem>>
      %dma_start3A_121 = arith.constant 0 : i32
      %dma_start3A_122 = tpu.memref_slice %arg13[%add3A_4, %dma_start3A_121] : memref<10112x128xf32, #tpu.memory_space<vmem_shared>> -> memref<128x128xf32, #tpu.memory_space<vmem_shared>>
      %dma_start3A_123 = arith.constant 0 : i32
      %dma_start3A_124 = tpu.memref_slice %arg13[%add3A_4, %dma_start3A_123] : memref<10112x128xf32, #tpu.memory_space<vmem_shared>> -> memref<128x128xf32, #tpu.memory_space<vmem_shared>>
      tpu.enqueue_dma source(%arg9 : memref<128x128xf32, #tpu.memory_space<vmem>>) target(%dma_start3A_124 : memref<128x128xf32, #tpu.memory_space<vmem_shared>>) target_semaphore(%run_scoped3A_120 : memref<!tpu.dma_semaphore, #tpu.memory_space<semaphore_mem>>)
      %dma_wait3A_125 = arith.constant 0 : i32
      %dma_wait3A_126 = tpu.memref_slice %arg13[%add3A_4, %dma_wait3A_125] : memref<10112x128xf32, #tpu.memory_space<vmem_shared>> -> memref<128x128xf32, #tpu.memory_space<vmem_shared>>
      %dma_wait3A_127 = arith.constant 0 : i32
      %dma_wait3A_128 = tpu.memref_slice %arg13[%add3A_4, %dma_wait3A_127] : memref<10112x128xf32, #tpu.memory_space<vmem_shared>> -> memref<128x128xf32, #tpu.memory_space<vmem_shared>>
      tpu.wait_dma2 semaphore(%run_scoped3A_120 : memref<!tpu.dma_semaphore, #tpu.memory_space<semaphore_mem>>) src(%arg9 : memref<128x128xf32, #tpu.memory_space<vmem>>) dst(%dma_wait3A_128 : memref<128x128xf32, #tpu.memory_space<vmem_shared>>)
      tpu.yield
    }) : () -> ()
    %add3A_5 = arith.constant 128 : i32
    %add3A_6 = arith.addi %mul3A_2, %add3A_5 : i32
    "tpu.region"() ({
      %run_scoped3A_120 = tpu.sem_alloc : memref<!tpu.dma_semaphore, #tpu.memory_space<semaphore_mem>>
      %dma_start3A_121 = arith.constant 0 : i32
      %dma_start3A_122 = tpu.memref_slice %arg13[%add3A_6, %dma_start3A_121] : memref<10112x128xf32, #tpu.memory_space<vmem_shared>> -> memref<128x128xf32, #tpu.memory_space<vmem_shared>>
      %dma_start3A_123 = arith.constant 0 : i32
      %dma_start3A_124 = tpu.memref_slice %arg13[%add3A_6, %dma_start3A_123] : memref<10112x128xf32, #tpu.memory_space<vmem_shared>> -> memref<128x128xf32, #tpu.memory_space<vmem_shared>>
      tpu.enqueue_dma source(%arg9 : memref<128x128xf32, #tpu.memory_space<vmem>>) target(%dma_start3A_124 : memref<128x128xf32, #tpu.memory_space<vmem_shared>>) target_semaphore(%run_scoped3A_120 : memref<!tpu.dma_semaphore, #tpu.memory_space<semaphore_mem>>)
      %dma_wait3A_125 = arith.constant 0 : i32
      %dma_wait3A_126 = tpu.memref_slice %arg13[%add3A_6, %dma_wait3A_125] : memref<10112x128xf32, #tpu.memory_space<vmem_shared>> -> memref<128x128xf32, #tpu.memory_space<vmem_shared>>
      %dma_wait3A_127 = arith.constant 0 : i32
      %dma_wait3A_128 = tpu.memref_slice %arg13[%add3A_6, %dma_wait3A_127] : memref<10112x128xf32, #tpu.memory_space<vmem_shared>> -> memref<128x128xf32, #tpu.memory_space<vmem_shared>>
      tpu.wait_dma2 semaphore(%run_scoped3A_120 : memref<!tpu.dma_semaphore, #tpu.memory_space<semaphore_mem>>) src(%arg9 : memref<128x128xf32, #tpu.memory_space<vmem>>) dst(%dma_wait3A_128 : memref<128x128xf32, #tpu.memory_space<vmem_shared>>)
      tpu.yield
    }) : () -> ()
    %add3A_7 = arith.constant 256 : i32
    %add3A_8 = arith.addi %mul3A_2, %add3A_7 : i32
    "tpu.region"() ({
      %run_scoped3A_120 = tpu.sem_alloc : memref<!tpu.dma_semaphore, #tpu.memory_space<semaphore_mem>>
      %dma_start3A_121 = arith.constant 0 : i32
      %dma_start3A_122 = tpu.memref_slice %arg13[%add3A_8, %dma_start3A_121] : memref<10112x128xf32, #tpu.memory_space<vmem_shared>> -> memref<128x128xf32, #tpu.memory_space<vmem_shared>>
      %dma_start3A_123 = arith.constant 0 : i32
      %dma_start3A_124 = tpu.memref_slice %arg13[%add3A_8, %dma_start3A_123] : memref<10112x128xf32, #tpu.memory_space<vmem_shared>> -> memref<128x128xf32, #tpu.memory_space<vmem_shared>>
      tpu.enqueue_dma source(%arg9 : memref<128x128xf32, #tpu.memory_space<vmem>>) target(%dma_start3A_124 : memref<128x128xf32, #tpu.memory_space<vmem_shared>>) target_semaphore(%run_scoped3A_120 : memref<!tpu.dma_semaphore, #tpu.memory_space<semaphore_mem>>)
      %dma_wait3A_125 = arith.constant 0 : i32
      %dma_wait3A_126 = tpu.memref_slice %arg13[%add3A_8, %dma_wait3A_125] : memref<10112x128xf32, #tpu.memory_space<vmem_shared>> -> memref<128x128xf32, #tpu.memory_space<vmem_shared>>
      %dma_wait3A_127 = arith.constant 0 : i32
      %dma_wait3A_128 = tpu.memref_slice %arg13[%add3A_8, %dma_wait3A_127] : memref<10112x128xf32, #tpu.memory_space<vmem_shared>> -> memref<128x128xf32, #tpu.memory_space<vmem_shared>>
      tpu.wait_dma2 semaphore(%run_scoped3A_120 : memref<!tpu.dma_semaphore, #tpu.memory_space<semaphore_mem>>) src(%arg9 : memref<128x128xf32, #tpu.memory_space<vmem>>) dst(%dma_wait3A_128 : memref<128x128xf32, #tpu.memory_space<vmem_shared>>)
      tpu.yield
    }) : () -> ()
    %add3A_9 = arith.constant 384 : i32
    %add3A_10 = arith.addi %mul3A_2, %add3A_9 : i32
    "tpu.region"() ({
      %run_scoped3A_120 = tpu.sem_alloc : memref<!tpu.dma_semaphore, #tpu.memory_space<semaphore_mem>>
      %dma_start3A_121 = arith.constant 0 : i32
      %dma_start3A_122 = tpu.memref_slice %arg13[%add3A_10, %dma_start3A_121] : memref<10112x128xf32, #tpu.memory_space<vmem_shared>> -> memref<128x128xf32, #tpu.memory_space<vmem_shared>>
      %dma_start3A_123 = arith.constant 0 : i32
      %dma_start3A_124 = tpu.memref_slice %arg13[%add3A_10, %dma_start3A_123] : memref<10112x128xf32, #tpu.memory_space<vmem_shared>> -> memref<128x128xf32, #tpu.memory_space<vmem_shared>>
      tpu.enqueue_dma source(%arg9 : memref<128x128xf32, #tpu.memory_space<vmem>>) target(%dma_start3A_124 : memref<128x128xf32, #tpu.memory_space<vmem_shared>>) target_semaphore(%run_scoped3A_120 : memref<!tpu.dma_semaphore, #tpu.memory_space<semaphore_mem>>)
      %dma_wait3A_125 = arith.constant 0 : i32
      %dma_wait3A_126 = tpu.memref_slice %arg13[%add3A_10, %dma_wait3A_125] : memref<10112x128xf32, #tpu.memory_space<vmem_shared>> -> memref<128x128xf32, #tpu.memory_space<vmem_shared>>
      %dma_wait3A_127 = arith.constant 0 : i32
      %dma_wait3A_128 = tpu.memref_slice %arg13[%add3A_10, %dma_wait3A_127] : memref<10112x128xf32, #tpu.memory_space<vmem_shared>> -> memref<128x128xf32, #tpu.memory_space<vmem_shared>>
      tpu.wait_dma2 semaphore(%run_scoped3A_120 : memref<!tpu.dma_semaphore, #tpu.memory_space<semaphore_mem>>) src(%arg9 : memref<128x128xf32, #tpu.memory_space<vmem>>) dst(%dma_wait3A_128 : memref<128x128xf32, #tpu.memory_space<vmem_shared>>)
      tpu.yield
    }) : () -> ()
    %add3A_11 = arith.constant 512 : i32
    %add3A_12 = arith.addi %mul3A_2, %add3A_11 : i32
    "tpu.region"() ({
      %run_scoped3A_120 = tpu.sem_alloc : memref<!tpu.dma_semaphore, #tpu.memory_space<semaphore_mem>>
      %dma_start3A_121 = arith.constant 0 : i32
      %dma_start3A_122 = arith.constant 0 : i32
      %dma_start3A_123 = tpu.memref_slice %arg9[%dma_start3A_121, %dma_start3A_122] : memref<128x128xf32, #tpu.memory_space<vmem>> -> memref<120x128xf32, #tpu.memory_space<vmem>>
      %dma_start3A_124 = arith.constant 0 : i32
      %dma_start3A_125 = tpu.memref_slice %arg13[%add3A_12, %dma_start3A_124] : memref<10112x128xf32, #tpu.memory_space<vmem_shared>> -> memref<120x128xf32, #tpu.memory_space<vmem_shared>>
      %dma_start3A_126 = arith.constant 0 : i32
      %dma_start3A_127 = tpu.memref_slice %arg13[%add3A_12, %dma_start3A_126] : memref<10112x128xf32, #tpu.memory_space<vmem_shared>> -> memref<120x128xf32, #tpu.memory_space<vmem_shared>>
      %dma_start3A_128 = arith.constant 0 : i32
      %dma_start3A_129 = arith.constant 0 : i32
      %dma_start3A_130 = tpu.memref_slice %arg9[%dma_start3A_128, %dma_start3A_129] : memref<128x128xf32, #tpu.memory_space<vmem>> -> memref<120x128xf32, #tpu.memory_space<vmem>>
      tpu.enqueue_dma source(%dma_start3A_130 : memref<120x128xf32, #tpu.memory_space<vmem>>) target(%dma_start3A_127 : memref<120x128xf32, #tpu.memory_space<vmem_shared>>) target_semaphore(%run_scoped3A_120 : memref<!tpu.dma_semaphore, #tpu.memory_space<semaphore_mem>>)
      %dma_wait3A_131 = arith.constant 0 : i32
      %dma_wait3A_132 = arith.constant 0 : i32
      %dma_wait3A_133 = tpu.memref_slice %arg9[%dma_wait3A_131, %dma_wait3A_132] : memref<128x128xf32, #tpu.memory_space<vmem>> -> memref<120x128xf32, #tpu.memory_space<vmem>>
      %dma_wait3A_134 = arith.constant 0 : i32
      %dma_wait3A_135 = tpu.memref_slice %arg13[%add3A_12, %dma_wait3A_134] : memref<10112x128xf32, #tpu.memory_space<vmem_shared>> -> memref<120x128xf32, #tpu.memory_space<vmem_shared>>
      %dma_wait3A_136 = arith.constant 0 : i32
      %dma_wait3A_137 = tpu.memref_slice %arg13[%add3A_12, %dma_wait3A_136] : memref<10112x128xf32, #tpu.memory_space<vmem_shared>> -> memref<120x128xf32, #tpu.memory_space<vmem_shared>>
      %dma_wait3A_138 = arith.constant 0 : i32
      %dma_wait3A_139 = arith.constant 0 : i32
      %dma_wait3A_140 = tpu.memref_slice %arg9[%dma_wait3A_138, %dma_wait3A_139] : memref<128x128xf32, #tpu.memory_space<vmem>> -> memref<120x128xf32, #tpu.memory_space<vmem>>
      tpu.wait_dma2 semaphore(%run_scoped3A_120 : memref<!tpu.dma_semaphore, #tpu.memory_space<semaphore_mem>>) src(%dma_wait3A_140 : memref<120x128xf32, #tpu.memory_space<vmem>>) dst(%dma_wait3A_137 : memref<120x128xf32, #tpu.memory_space<vmem_shared>>)
      tpu.yield
    }) : () -> ()
    %barrier3A = arith.constant 0 : index
    tpu.barrier barrier_id(%barrier3A)
    %mul3A_13 = arith.constant 80 : i32
    %mul3A_14 = arith.muli %add3A, %mul3A_13 : i32
    %add3A_15 = arith.constant 0 : i32
    %add3A_16 = arith.addi %mul3A_14, %add3A_15 : i32
    "tpu.region"() ({
      %run_scoped3A_120 = tpu.sem_alloc : memref<!tpu.dma_semaphore, #tpu.memory_space<semaphore_mem>>
      %dma_start3A_121 = arith.constant 0 : i32
      %dma_start3A_122 = tpu.memref_slice %arg3[%add3A_16, %dma_start3A_121] : memref<2560x128xi32, #tpu.memory_space<hbm>> -> memref<40x128xi32, #tpu.memory_space<hbm>>
      %dma_start3A_123 = arith.constant 0 : i32
      %dma_start3A_124 = tpu.memref_slice %arg3[%add3A_16, %dma_start3A_123] : memref<2560x128xi32, #tpu.memory_space<hbm>> -> memref<40x128xi32, #tpu.memory_space<hbm>>
      tpu.enqueue_dma source(%dma_start3A_124 : memref<40x128xi32, #tpu.memory_space<hbm>>) target(%arg7 : memref<40x128xi32, #tpu.memory_space<vmem>>) target_semaphore(%run_scoped3A_120 : memref<!tpu.dma_semaphore, #tpu.memory_space<semaphore_mem>>)
      %dma_wait3A_125 = arith.constant 0 : i32
      %dma_wait3A_126 = tpu.memref_slice %arg3[%add3A_16, %dma_wait3A_125] : memref<2560x128xi32, #tpu.memory_space<hbm>> -> memref<40x128xi32, #tpu.memory_space<hbm>>
      %dma_wait3A_127 = arith.constant 0 : i32
      %dma_wait3A_128 = tpu.memref_slice %arg3[%add3A_16, %dma_wait3A_127] : memref<2560x128xi32, #tpu.memory_space<hbm>> -> memref<40x128xi32, #tpu.memory_space<hbm>>
      tpu.wait_dma2 semaphore(%run_scoped3A_120 : memref<!tpu.dma_semaphore, #tpu.memory_space<semaphore_mem>>) src(%dma_wait3A_128 : memref<40x128xi32, #tpu.memory_space<hbm>>) dst(%arg7 : memref<40x128xi32, #tpu.memory_space<vmem>>)
      tpu.yield
    }) : () -> ()
    %mul3A_17 = arith.constant 80 : i32
    %mul3A_18 = arith.muli %add3A, %mul3A_17 : i32
    %add3A_19 = arith.constant 0 : i32
    %add3A_20 = arith.addi %mul3A_18, %add3A_19 : i32
    "tpu.region"() ({
      %run_scoped3A_120 = tpu.sem_alloc : memref<!tpu.dma_semaphore, #tpu.memory_space<semaphore_mem>>
      %dma_start3A_121 = arith.constant 0 : i32
      %dma_start3A_122 = tpu.memref_slice %arg4[%add3A_20, %dma_start3A_121] : memref<2560x128xi32, #tpu.memory_space<hbm>> -> memref<40x128xi32, #tpu.memory_space<hbm>>
      %dma_start3A_123 = arith.constant 0 : i32
      %dma_start3A_124 = tpu.memref_slice %arg4[%add3A_20, %dma_start3A_123] : memref<2560x128xi32, #tpu.memory_space<hbm>> -> memref<40x128xi32, #tpu.memory_space<hbm>>
      tpu.enqueue_dma source(%dma_start3A_124 : memref<40x128xi32, #tpu.memory_space<hbm>>) target(%arg8 : memref<40x128xi32, #tpu.memory_space<vmem>>) target_semaphore(%run_scoped3A_120 : memref<!tpu.dma_semaphore, #tpu.memory_space<semaphore_mem>>)
      %dma_wait3A_125 = arith.constant 0 : i32
      %dma_wait3A_126 = tpu.memref_slice %arg4[%add3A_20, %dma_wait3A_125] : memref<2560x128xi32, #tpu.memory_space<hbm>> -> memref<40x128xi32, #tpu.memory_space<hbm>>
      %dma_wait3A_127 = arith.constant 0 : i32
      %dma_wait3A_128 = tpu.memref_slice %arg4[%add3A_20, %dma_wait3A_127] : memref<2560x128xi32, #tpu.memory_space<hbm>> -> memref<40x128xi32, #tpu.memory_space<hbm>>
      tpu.wait_dma2 semaphore(%run_scoped3A_120 : memref<!tpu.dma_semaphore, #tpu.memory_space<semaphore_mem>>) src(%dma_wait3A_128 : memref<40x128xi32, #tpu.memory_space<hbm>>) dst(%arg8 : memref<40x128xi32, #tpu.memory_space<vmem>>)
      tpu.yield
    }) : () -> ()
    %dma_start3A = arith.constant 0 : i32
    %dma_start3A_21 = arith.constant 0 : i32
    %dma_start3A_22 = tpu.memref_slice %arg7[%dma_start3A, %dma_start3A_21] : memref<40x128xi32, #tpu.memory_space<vmem>> -> memref<1x128xi32, #tpu.memory_space<vmem>>
    %dma_start3A_23 = tpu.memref_squeeze %dma_start3A_22 : memref<1x128xi32, #tpu.memory_space<vmem>> -> memref<128xi32, #tpu.memory_space<vmem>>
    %dma_start3A_24 = arith.constant 0 : i32
    %dma_start3A_25 = arith.constant 0 : i32
    %dma_start3A_26 = tpu.memref_slice %arg2[%dma_start3A_24, %dma_start3A_25] : memref<10112x128xf32, #tpu.memory_space<hbm>> -> memref<10112x128xf32, #tpu.memory_space<hbm>>
    tpu.enqueue_indirect_dma source(%dma_start3A_26 : memref<10112x128xf32, #tpu.memory_space<hbm>>) target(%arg9 : memref<128x128xf32, #tpu.memory_space<vmem>>) offsets(%dma_start3A_23 : memref<128xi32, #tpu.memory_space<vmem>>) semaphore(%arg11 : memref<!tpu.dma_semaphore, #tpu.memory_space<semaphore_mem>>)
    %scan3A = arith.constant 0 : i32
    %scan3A_27 = arith.constant 0 : i32
    %scan3A_28 = arith.constant 19 : i32
    %scan3A_29 = arith.addi %scan3A_27, %scan3A_28 : i32
    %scan3A_30 = arith.constant 1 : i32
    %scan3A_31 = scf.for %scan3A_120 = %scan3A_27 to %scan3A_29 step %scan3A_30 iter_args(%scan3A_121 = %scan3A) -> (i32)  : i32 {
      %mul3A_122 = arith.constant 2 : i32
      %mul3A_123 = arith.muli %mul3A_122, %scan3A_120 : i32
      %add3A_124 = arith.constant 1 : i32
      %add3A_125 = arith.addi %mul3A_123, %add3A_124 : i32
      %dma_start3A_126 = arith.constant 0 : i32
      %dma_start3A_127 = tpu.memref_slice %arg7[%add3A_125, %dma_start3A_126] : memref<40x128xi32, #tpu.memory_space<vmem>> -> memref<1x128xi32, #tpu.memory_space<vmem>>
      %dma_start3A_128 = tpu.memref_squeeze %dma_start3A_127 : memref<1x128xi32, #tpu.memory_space<vmem>> -> memref<128xi32, #tpu.memory_space<vmem>>
      %dma_start3A_129 = arith.constant 0 : i32
      %dma_start3A_130 = arith.constant 0 : i32
      %dma_start3A_131 = tpu.memref_slice %arg2[%dma_start3A_129, %dma_start3A_130] : memref<10112x128xf32, #tpu.memory_space<hbm>> -> memref<10112x128xf32, #tpu.memory_space<hbm>>
      tpu.enqueue_indirect_dma source(%dma_start3A_131 : memref<10112x128xf32, #tpu.memory_space<hbm>>) target(%arg10 : memref<128x128xf32, #tpu.memory_space<vmem>>) offsets(%dma_start3A_128 : memref<128xi32, #tpu.memory_space<vmem>>) semaphore(%arg12 : memref<!tpu.dma_semaphore, #tpu.memory_space<semaphore_mem>>)
      %dma_wait3A_132 = arith.constant 0 : i32
      %dma_wait3A_133 = tpu.memref_slice %arg7[%mul3A_123, %dma_wait3A_132] : memref<40x128xi32, #tpu.memory_space<vmem>> -> memref<1x128xi32, #tpu.memory_space<vmem>>
      %dma_wait3A_134 = tpu.memref_squeeze %dma_wait3A_133 : memref<1x128xi32, #tpu.memory_space<vmem>> -> memref<128xi32, #tpu.memory_space<vmem>>
      %dma_wait3A_135 = arith.constant 0 : i32
      %dma_wait3A_136 = arith.constant 0 : i32
      %dma_wait3A_137 = tpu.memref_slice %arg2[%dma_wait3A_135, %dma_wait3A_136] : memref<10112x128xf32, #tpu.memory_space<hbm>> -> memref<10112x128xf32, #tpu.memory_space<hbm>>
      tpu.wait_indirect_dma semaphore(%arg11 : memref<!tpu.dma_semaphore, #tpu.memory_space<semaphore_mem>>) src(%dma_wait3A_137 : memref<10112x128xf32, #tpu.memory_space<hbm>>) dst(%arg9 : memref<128x128xf32, #tpu.memory_space<vmem>>)
      "tpu.region"() ({
        %run_scoped3A_157 = tpu.sem_alloc : memref<!tpu.dma_semaphore, #tpu.memory_space<semaphore_mem>>
        %dma_start3A_158 = arith.constant 0 : i32
        %dma_start3A_159 = tpu.memref_slice %arg8[%mul3A_123, %dma_start3A_158] : memref<40x128xi32, #tpu.memory_space<vmem>> -> memref<1x128xi32, #tpu.memory_space<vmem>>
        %dma_start3A_160 = tpu.memref_squeeze %dma_start3A_159 : memref<1x128xi32, #tpu.memory_space<vmem>> -> memref<128xi32, #tpu.memory_space<vmem>>
        %dma_start3A_161 = arith.constant 0 : i32
        %dma_start3A_162 = arith.constant 0 : i32
        %dma_start3A_163 = tpu.memref_slice %arg13[%dma_start3A_161, %dma_start3A_162] : memref<10112x128xf32, #tpu.memory_space<vmem_shared>> -> memref<10112x128xf32, #tpu.memory_space<vmem_shared>>
        tpu.enqueue_indirect_dma source(%arg9 : memref<128x128xf32, #tpu.memory_space<vmem>>) target(%dma_start3A_163 : memref<10112x128xf32, #tpu.memory_space<vmem_shared>>) offsets(%dma_start3A_160 : memref<128xi32, #tpu.memory_space<vmem>>) semaphore(%run_scoped3A_157 : memref<!tpu.dma_semaphore, #tpu.memory_space<semaphore_mem>>) {add = true}
        %dma_wait3A_164 = arith.constant 0 : i32
        %dma_wait3A_165 = tpu.memref_slice %arg8[%mul3A_123, %dma_wait3A_164] : memref<40x128xi32, #tpu.memory_space<vmem>> -> memref<1x128xi32, #tpu.memory_space<vmem>>
        %dma_wait3A_166 = tpu.memref_squeeze %dma_wait3A_165 : memref<1x128xi32, #tpu.memory_space<vmem>> -> memref<128xi32, #tpu.memory_space<vmem>>
        %dma_wait3A_167 = arith.constant 0 : i32
        %dma_wait3A_168 = arith.constant 0 : i32
        %dma_wait3A_169 = tpu.memref_slice %arg13[%dma_wait3A_167, %dma_wait3A_168] : memref<10112x128xf32, #tpu.memory_space<vmem_shared>> -> memref<10112x128xf32, #tpu.memory_space<vmem_shared>>
        tpu.wait_indirect_dma semaphore(%run_scoped3A_157 : memref<!tpu.dma_semaphore, #tpu.memory_space<semaphore_mem>>) src(%arg9 : memref<128x128xf32, #tpu.memory_space<vmem>>) dst(%dma_wait3A_169 : memref<10112x128xf32, #tpu.memory_space<vmem_shared>>)
        tpu.yield
      }) : () -> ()
      %add3A_138 = arith.constant 2 : i32
      %add3A_139 = arith.addi %mul3A_123, %add3A_138 : i32
      %dma_start3A_140 = arith.constant 0 : i32
      %dma_start3A_141 = tpu.memref_slice %arg7[%add3A_139, %dma_start3A_140] : memref<40x128xi32, #tpu.memory_space<vmem>> -> memref<1x128xi32, #tpu.memory_space<vmem>>
      %dma_start3A_142 = tpu.memref_squeeze %dma_start3A_141 : memref<1x128xi32, #tpu.memory_space<vmem>> -> memref<128xi32, #tpu.memory_space<vmem>>
      %dma_start3A_143 = arith.constant 0 : i32
      %dma_start3A_144 = arith.constant 0 : i32
      %dma_start3A_145 = tpu.memref_slice %arg2[%dma_start3A_143, %dma_start3A_144] : memref<10112x128xf32, #tpu.memory_space<hbm>> -> memref<10112x128xf32, #tpu.memory_space<hbm>>
      tpu.enqueue_indirect_dma source(%dma_start3A_145 : memref<10112x128xf32, #tpu.memory_space<hbm>>) target(%arg9 : memref<128x128xf32, #tpu.memory_space<vmem>>) offsets(%dma_start3A_142 : memref<128xi32, #tpu.memory_space<vmem>>) semaphore(%arg11 : memref<!tpu.dma_semaphore, #tpu.memory_space<semaphore_mem>>)
      %add3A_146 = arith.constant 1 : i32
      %add3A_147 = arith.addi %mul3A_123, %add3A_146 : i32
      %dma_wait3A_148 = arith.constant 0 : i32
      %dma_wait3A_149 = tpu.memref_slice %arg7[%add3A_147, %dma_wait3A_148] : memref<40x128xi32, #tpu.memory_space<vmem>> -> memref<1x128xi32, #tpu.memory_space<vmem>>
      %dma_wait3A_150 = tpu.memref_squeeze %dma_wait3A_149 : memref<1x128xi32, #tpu.memory_space<vmem>> -> memref<128xi32, #tpu.memory_space<vmem>>
      %dma_wait3A_151 = arith.constant 0 : i32
      %dma_wait3A_152 = arith.constant 0 : i32
      %dma_wait3A_153 = tpu.memref_slice %arg2[%dma_wait3A_151, %dma_wait3A_152] : memref<10112x128xf32, #tpu.memory_space<hbm>> -> memref<10112x128xf32, #tpu.memory_space<hbm>>
      tpu.wait_indirect_dma semaphore(%arg12 : memref<!tpu.dma_semaphore, #tpu.memory_space<semaphore_mem>>) src(%dma_wait3A_153 : memref<10112x128xf32, #tpu.memory_space<hbm>>) dst(%arg10 : memref<128x128xf32, #tpu.memory_space<vmem>>)
      %add3A_154 = arith.constant 1 : i32
      %add3A_155 = arith.addi %mul3A_123, %add3A_154 : i32
      "tpu.region"() ({
        %run_scoped3A_157 = tpu.sem_alloc : memref<!tpu.dma_semaphore, #tpu.memory_space<semaphore_mem>>
        %dma_start3A_158 = arith.constant 0 : i32
        %dma_start3A_159 = tpu.memref_slice %arg8[%add3A_155, %dma_start3A_158] : memref<40x128xi32, #tpu.memory_space<vmem>> -> memref<1x128xi32, #tpu.memory_space<vmem>>
        %dma_start3A_160 = tpu.memref_squeeze %dma_start3A_159 : memref<1x128xi32, #tpu.memory_space<vmem>> -> memref<128xi32, #tpu.memory_space<vmem>>
        %dma_start3A_161 = arith.constant 0 : i32
        %dma_start3A_162 = arith.constant 0 : i32
        %dma_start3A_163 = tpu.memref_slice %arg13[%dma_start3A_161, %dma_start3A_162] : memref<10112x128xf32, #tpu.memory_space<vmem_shared>> -> memref<10112x128xf32, #tpu.memory_space<vmem_shared>>
        tpu.enqueue_indirect_dma source(%arg10 : memref<128x128xf32, #tpu.memory_space<vmem>>) target(%dma_start3A_163 : memref<10112x128xf32, #tpu.memory_space<vmem_shared>>) offsets(%dma_start3A_160 : memref<128xi32, #tpu.memory_space<vmem>>) semaphore(%run_scoped3A_157 : memref<!tpu.dma_semaphore, #tpu.memory_space<semaphore_mem>>) {add = true}
        %dma_wait3A_164 = arith.constant 0 : i32
        %dma_wait3A_165 = tpu.memref_slice %arg8[%add3A_155, %dma_wait3A_164] : memref<40x128xi32, #tpu.memory_space<vmem>> -> memref<1x128xi32, #tpu.memory_space<vmem>>
        %dma_wait3A_166 = tpu.memref_squeeze %dma_wait3A_165 : memref<1x128xi32, #tpu.memory_space<vmem>> -> memref<128xi32, #tpu.memory_space<vmem>>
        %dma_wait3A_167 = arith.constant 0 : i32
        %dma_wait3A_168 = arith.constant 0 : i32
        %dma_wait3A_169 = tpu.memref_slice %arg13[%dma_wait3A_167, %dma_wait3A_168] : memref<10112x128xf32, #tpu.memory_space<vmem_shared>> -> memref<10112x128xf32, #tpu.memory_space<vmem_shared>>
        tpu.wait_indirect_dma semaphore(%run_scoped3A_157 : memref<!tpu.dma_semaphore, #tpu.memory_space<semaphore_mem>>) src(%arg10 : memref<128x128xf32, #tpu.memory_space<vmem>>) dst(%dma_wait3A_169 : memref<10112x128xf32, #tpu.memory_space<vmem_shared>>)
        tpu.yield
      }) : () -> ()
      %scan3A_156 = arith.constant 0 : i32
      scf.yield %scan3A_156 : i32
    }
    %scan3A_32 = arith.constant 19 : i32
    %dma_start3A_33 = arith.constant 39 : i32
    %dma_start3A_34 = arith.constant 0 : i32
    %dma_start3A_35 = tpu.memref_slice %arg7[%dma_start3A_33, %dma_start3A_34] : memref<40x128xi32, #tpu.memory_space<vmem>> -> memref<1x128xi32, #tpu.memory_space<vmem>>
    %dma_start3A_36 = tpu.memref_squeeze %dma_start3A_35 : memref<1x128xi32, #tpu.memory_space<vmem>> -> memref<128xi32, #tpu.memory_space<vmem>>
    %dma_start3A_37 = arith.constant 0 : i32
    %dma_start3A_38 = arith.constant 0 : i32
    %dma_start3A_39 = tpu.memref_slice %arg2[%dma_start3A_37, %dma_start3A_38] : memref<10112x128xf32, #tpu.memory_space<hbm>> -> memref<10112x128xf32, #tpu.memory_space<hbm>>
    tpu.enqueue_indirect_dma source(%dma_start3A_39 : memref<10112x128xf32, #tpu.memory_space<hbm>>) target(%arg10 : memref<128x128xf32, #tpu.memory_space<vmem>>) offsets(%dma_start3A_36 : memref<128xi32, #tpu.memory_space<vmem>>) semaphore(%arg12 : memref<!tpu.dma_semaphore, #tpu.memory_space<semaphore_mem>>)
    %dma_wait3A = arith.constant 38 : i32
    %dma_wait3A_40 = arith.constant 0 : i32
    %dma_wait3A_41 = tpu.memref_slice %arg7[%dma_wait3A, %dma_wait3A_40] : memref<40x128xi32, #tpu.memory_space<vmem>> -> memref<1x128xi32, #tpu.memory_space<vmem>>
    %dma_wait3A_42 = tpu.memref_squeeze %dma_wait3A_41 : memref<1x128xi32, #tpu.memory_space<vmem>> -> memref<128xi32, #tpu.memory_space<vmem>>
    %dma_wait3A_43 = arith.constant 0 : i32
    %dma_wait3A_44 = arith.constant 0 : i32
    %dma_wait3A_45 = tpu.memref_slice %arg2[%dma_wait3A_43, %dma_wait3A_44] : memref<10112x128xf32, #tpu.memory_space<hbm>> -> memref<10112x128xf32, #tpu.memory_space<hbm>>
    tpu.wait_indirect_dma semaphore(%arg11 : memref<!tpu.dma_semaphore, #tpu.memory_space<semaphore_mem>>) src(%dma_wait3A_45 : memref<10112x128xf32, #tpu.memory_space<hbm>>) dst(%arg9 : memref<128x128xf32, #tpu.memory_space<vmem>>)
    %run_scoped3A = arith.constant 38 : i32
    "tpu.region"() ({
      %run_scoped3A_120 = tpu.sem_alloc : memref<!tpu.dma_semaphore, #tpu.memory_space<semaphore_mem>>
      %dma_start3A_121 = arith.constant 0 : i32
      %dma_start3A_122 = tpu.memref_slice %arg8[%run_scoped3A, %dma_start3A_121] : memref<40x128xi32, #tpu.memory_space<vmem>> -> memref<1x128xi32, #tpu.memory_space<vmem>>
      %dma_start3A_123 = tpu.memref_squeeze %dma_start3A_122 : memref<1x128xi32, #tpu.memory_space<vmem>> -> memref<128xi32, #tpu.memory_space<vmem>>
      %dma_start3A_124 = arith.constant 0 : i32
      %dma_start3A_125 = arith.constant 0 : i32
      %dma_start3A_126 = tpu.memref_slice %arg13[%dma_start3A_124, %dma_start3A_125] : memref<10112x128xf32, #tpu.memory_space<vmem_shared>> -> memref<10112x128xf32, #tpu.memory_space<vmem_shared>>
      tpu.enqueue_indirect_dma source(%arg9 : memref<128x128xf32, #tpu.memory_space<vmem>>) target(%dma_start3A_126 : memref<10112x128xf32, #tpu.memory_space<vmem_shared>>) offsets(%dma_start3A_123 : memref<128xi32, #tpu.memory_space<vmem>>) semaphore(%run_scoped3A_120 : memref<!tpu.dma_semaphore, #tpu.memory_space<semaphore_mem>>) {add = true}
      %dma_wait3A_127 = arith.constant 0 : i32
      %dma_wait3A_128 = tpu.memref_slice %arg8[%run_scoped3A, %dma_wait3A_127] : memref<40x128xi32, #tpu.memory_space<vmem>> -> memref<1x128xi32, #tpu.memory_space<vmem>>
      %dma_wait3A_129 = tpu.memref_squeeze %dma_wait3A_128 : memref<1x128xi32, #tpu.memory_space<vmem>> -> memref<128xi32, #tpu.memory_space<vmem>>
      %dma_wait3A_130 = arith.constant 0 : i32
      %dma_wait3A_131 = arith.constant 0 : i32
      %dma_wait3A_132 = tpu.memref_slice %arg13[%dma_wait3A_130, %dma_wait3A_131] : memref<10112x128xf32, #tpu.memory_space<vmem_shared>> -> memref<10112x128xf32, #tpu.memory_space<vmem_shared>>
      tpu.wait_indirect_dma semaphore(%run_scoped3A_120 : memref<!tpu.dma_semaphore, #tpu.memory_space<semaphore_mem>>) src(%arg9 : memref<128x128xf32, #tpu.memory_space<vmem>>) dst(%dma_wait3A_132 : memref<10112x128xf32, #tpu.memory_space<vmem_shared>>)
      tpu.yield
    }) : () -> ()
    %dma_wait3A_46 = arith.constant 39 : i32
    %dma_wait3A_47 = arith.constant 0 : i32
    %dma_wait3A_48 = tpu.memref_slice %arg7[%dma_wait3A_46, %dma_wait3A_47] : memref<40x128xi32, #tpu.memory_space<vmem>> -> memref<1x128xi32, #tpu.memory_space<vmem>>
    %dma_wait3A_49 = tpu.memref_squeeze %dma_wait3A_48 : memref<1x128xi32, #tpu.memory_space<vmem>> -> memref<128xi32, #tpu.memory_space<vmem>>
    %dma_wait3A_50 = arith.constant 0 : i32
    %dma_wait3A_51 = arith.constant 0 : i32
    %dma_wait3A_52 = tpu.memref_slice %arg2[%dma_wait3A_50, %dma_wait3A_51] : memref<10112x128xf32, #tpu.memory_space<hbm>> -> memref<10112x128xf32, #tpu.memory_space<hbm>>
    tpu.wait_indirect_dma semaphore(%arg12 : memref<!tpu.dma_semaphore, #tpu.memory_space<semaphore_mem>>) src(%dma_wait3A_52 : memref<10112x128xf32, #tpu.memory_space<hbm>>) dst(%arg10 : memref<128x128xf32, #tpu.memory_space<vmem>>)
    %run_scoped3A_53 = arith.constant 39 : i32
    "tpu.region"() ({
      %run_scoped3A_120 = tpu.sem_alloc : memref<!tpu.dma_semaphore, #tpu.memory_space<semaphore_mem>>
      %dma_start3A_121 = arith.constant 0 : i32
      %dma_start3A_122 = tpu.memref_slice %arg8[%run_scoped3A_53, %dma_start3A_121] : memref<40x128xi32, #tpu.memory_space<vmem>> -> memref<1x128xi32, #tpu.memory_space<vmem>>
      %dma_start3A_123 = tpu.memref_squeeze %dma_start3A_122 : memref<1x128xi32, #tpu.memory_space<vmem>> -> memref<128xi32, #tpu.memory_space<vmem>>
      %dma_start3A_124 = arith.constant 0 : i32
      %dma_start3A_125 = arith.constant 0 : i32
      %dma_start3A_126 = tpu.memref_slice %arg13[%dma_start3A_124, %dma_start3A_125] : memref<10112x128xf32, #tpu.memory_space<vmem_shared>> -> memref<10112x128xf32, #tpu.memory_space<vmem_shared>>
      tpu.enqueue_indirect_dma source(%arg10 : memref<128x128xf32, #tpu.memory_space<vmem>>) target(%dma_start3A_126 : memref<10112x128xf32, #tpu.memory_space<vmem_shared>>) offsets(%dma_start3A_123 : memref<128xi32, #tpu.memory_space<vmem>>) semaphore(%run_scoped3A_120 : memref<!tpu.dma_semaphore, #tpu.memory_space<semaphore_mem>>) {add = true}
      %dma_wait3A_127 = arith.constant 0 : i32
      %dma_wait3A_128 = tpu.memref_slice %arg8[%run_scoped3A_53, %dma_wait3A_127] : memref<40x128xi32, #tpu.memory_space<vmem>> -> memref<1x128xi32, #tpu.memory_space<vmem>>
      %dma_wait3A_129 = tpu.memref_squeeze %dma_wait3A_128 : memref<1x128xi32, #tpu.memory_space<vmem>> -> memref<128xi32, #tpu.memory_space<vmem>>
      %dma_wait3A_130 = arith.constant 0 : i32
      %dma_wait3A_131 = arith.constant 0 : i32
      %dma_wait3A_132 = tpu.memref_slice %arg13[%dma_wait3A_130, %dma_wait3A_131] : memref<10112x128xf32, #tpu.memory_space<vmem_shared>> -> memref<10112x128xf32, #tpu.memory_space<vmem_shared>>
      tpu.wait_indirect_dma semaphore(%run_scoped3A_120 : memref<!tpu.dma_semaphore, #tpu.memory_space<semaphore_mem>>) src(%arg10 : memref<128x128xf32, #tpu.memory_space<vmem>>) dst(%dma_wait3A_132 : memref<10112x128xf32, #tpu.memory_space<vmem_shared>>)
      tpu.yield
    }) : () -> ()
    %mul3A_54 = arith.constant 80 : i32
    %mul3A_55 = arith.muli %add3A, %mul3A_54 : i32
    %add3A_56 = arith.constant 40 : i32
    %add3A_57 = arith.addi %mul3A_55, %add3A_56 : i32
    "tpu.region"() ({
      %run_scoped3A_120 = tpu.sem_alloc : memref<!tpu.dma_semaphore, #tpu.memory_space<semaphore_mem>>
      %dma_start3A_121 = arith.constant 0 : i32
      %dma_start3A_122 = tpu.memref_slice %arg3[%add3A_57, %dma_start3A_121] : memref<2560x128xi32, #tpu.memory_space<hbm>> -> memref<40x128xi32, #tpu.memory_space<hbm>>
      %dma_start3A_123 = arith.constant 0 : i32
      %dma_start3A_124 = tpu.memref_slice %arg3[%add3A_57, %dma_start3A_123] : memref<2560x128xi32, #tpu.memory_space<hbm>> -> memref<40x128xi32, #tpu.memory_space<hbm>>
      tpu.enqueue_dma source(%dma_start3A_124 : memref<40x128xi32, #tpu.memory_space<hbm>>) target(%arg7 : memref<40x128xi32, #tpu.memory_space<vmem>>) target_semaphore(%run_scoped3A_120 : memref<!tpu.dma_semaphore, #tpu.memory_space<semaphore_mem>>)
      %dma_wait3A_125 = arith.constant 0 : i32
      %dma_wait3A_126 = tpu.memref_slice %arg3[%add3A_57, %dma_wait3A_125] : memref<2560x128xi32, #tpu.memory_space<hbm>> -> memref<40x128xi32, #tpu.memory_space<hbm>>
      %dma_wait3A_127 = arith.constant 0 : i32
      %dma_wait3A_128 = tpu.memref_slice %arg3[%add3A_57, %dma_wait3A_127] : memref<2560x128xi32, #tpu.memory_space<hbm>> -> memref<40x128xi32, #tpu.memory_space<hbm>>
      tpu.wait_dma2 semaphore(%run_scoped3A_120 : memref<!tpu.dma_semaphore, #tpu.memory_space<semaphore_mem>>) src(%dma_wait3A_128 : memref<40x128xi32, #tpu.memory_space<hbm>>) dst(%arg7 : memref<40x128xi32, #tpu.memory_space<vmem>>)
      tpu.yield
    }) : () -> ()
    %mul3A_58 = arith.constant 80 : i32
    %mul3A_59 = arith.muli %add3A, %mul3A_58 : i32
    %add3A_60 = arith.constant 40 : i32
    %add3A_61 = arith.addi %mul3A_59, %add3A_60 : i32
    "tpu.region"() ({
      %run_scoped3A_120 = tpu.sem_alloc : memref<!tpu.dma_semaphore, #tpu.memory_space<semaphore_mem>>
      %dma_start3A_121 = arith.constant 0 : i32
      %dma_start3A_122 = tpu.memref_slice %arg4[%add3A_61, %dma_start3A_121] : memref<2560x128xi32, #tpu.memory_space<hbm>> -> memref<40x128xi32, #tpu.memory_space<hbm>>
      %dma_start3A_123 = arith.constant 0 : i32
      %dma_start3A_124 = tpu.memref_slice %arg4[%add3A_61, %dma_start3A_123] : memref<2560x128xi32, #tpu.memory_space<hbm>> -> memref<40x128xi32, #tpu.memory_space<hbm>>
      tpu.enqueue_dma source(%dma_start3A_124 : memref<40x128xi32, #tpu.memory_space<hbm>>) target(%arg8 : memref<40x128xi32, #tpu.memory_space<vmem>>) target_semaphore(%run_scoped3A_120 : memref<!tpu.dma_semaphore, #tpu.memory_space<semaphore_mem>>)
      %dma_wait3A_125 = arith.constant 0 : i32
      %dma_wait3A_126 = tpu.memref_slice %arg4[%add3A_61, %dma_wait3A_125] : memref<2560x128xi32, #tpu.memory_space<hbm>> -> memref<40x128xi32, #tpu.memory_space<hbm>>
      %dma_wait3A_127 = arith.constant 0 : i32
      %dma_wait3A_128 = tpu.memref_slice %arg4[%add3A_61, %dma_wait3A_127] : memref<2560x128xi32, #tpu.memory_space<hbm>> -> memref<40x128xi32, #tpu.memory_space<hbm>>
      tpu.wait_dma2 semaphore(%run_scoped3A_120 : memref<!tpu.dma_semaphore, #tpu.memory_space<semaphore_mem>>) src(%dma_wait3A_128 : memref<40x128xi32, #tpu.memory_space<hbm>>) dst(%arg8 : memref<40x128xi32, #tpu.memory_space<vmem>>)
      tpu.yield
    }) : () -> ()
    %dma_start3A_62 = arith.constant 0 : i32
    %dma_start3A_63 = arith.constant 0 : i32
    %dma_start3A_64 = tpu.memref_slice %arg7[%dma_start3A_62, %dma_start3A_63] : memref<40x128xi32, #tpu.memory_space<vmem>> -> memref<1x128xi32, #tpu.memory_space<vmem>>
    %dma_start3A_65 = tpu.memref_squeeze %dma_start3A_64 : memref<1x128xi32, #tpu.memory_space<vmem>> -> memref<128xi32, #tpu.memory_space<vmem>>
    %dma_start3A_66 = arith.constant 0 : i32
    %dma_start3A_67 = arith.constant 0 : i32
    %dma_start3A_68 = tpu.memref_slice %arg2[%dma_start3A_66, %dma_start3A_67] : memref<10112x128xf32, #tpu.memory_space<hbm>> -> memref<10112x128xf32, #tpu.memory_space<hbm>>
    tpu.enqueue_indirect_dma source(%dma_start3A_68 : memref<10112x128xf32, #tpu.memory_space<hbm>>) target(%arg9 : memref<128x128xf32, #tpu.memory_space<vmem>>) offsets(%dma_start3A_65 : memref<128xi32, #tpu.memory_space<vmem>>) semaphore(%arg11 : memref<!tpu.dma_semaphore, #tpu.memory_space<semaphore_mem>>)
    %scan3A_69 = arith.constant 0 : i32
    %scan3A_70 = arith.constant 0 : i32
    %scan3A_71 = arith.constant 19 : i32
    %scan3A_72 = arith.addi %scan3A_70, %scan3A_71 : i32
    %scan3A_73 = arith.constant 1 : i32
    %scan3A_74 = scf.for %scan3A_120 = %scan3A_70 to %scan3A_72 step %scan3A_73 iter_args(%scan3A_121 = %scan3A_69) -> (i32)  : i32 {
      %mul3A_122 = arith.constant 2 : i32
      %mul3A_123 = arith.muli %mul3A_122, %scan3A_120 : i32
      %add3A_124 = arith.constant 1 : i32
      %add3A_125 = arith.addi %mul3A_123, %add3A_124 : i32
      %dma_start3A_126 = arith.constant 0 : i32
      %dma_start3A_127 = tpu.memref_slice %arg7[%add3A_125, %dma_start3A_126] : memref<40x128xi32, #tpu.memory_space<vmem>> -> memref<1x128xi32, #tpu.memory_space<vmem>>
      %dma_start3A_128 = tpu.memref_squeeze %dma_start3A_127 : memref<1x128xi32, #tpu.memory_space<vmem>> -> memref<128xi32, #tpu.memory_space<vmem>>
      %dma_start3A_129 = arith.constant 0 : i32
      %dma_start3A_130 = arith.constant 0 : i32
      %dma_start3A_131 = tpu.memref_slice %arg2[%dma_start3A_129, %dma_start3A_130] : memref<10112x128xf32, #tpu.memory_space<hbm>> -> memref<10112x128xf32, #tpu.memory_space<hbm>>
      tpu.enqueue_indirect_dma source(%dma_start3A_131 : memref<10112x128xf32, #tpu.memory_space<hbm>>) target(%arg10 : memref<128x128xf32, #tpu.memory_space<vmem>>) offsets(%dma_start3A_128 : memref<128xi32, #tpu.memory_space<vmem>>) semaphore(%arg12 : memref<!tpu.dma_semaphore, #tpu.memory_space<semaphore_mem>>)
      %dma_wait3A_132 = arith.constant 0 : i32
      %dma_wait3A_133 = tpu.memref_slice %arg7[%mul3A_123, %dma_wait3A_132] : memref<40x128xi32, #tpu.memory_space<vmem>> -> memref<1x128xi32, #tpu.memory_space<vmem>>
      %dma_wait3A_134 = tpu.memref_squeeze %dma_wait3A_133 : memref<1x128xi32, #tpu.memory_space<vmem>> -> memref<128xi32, #tpu.memory_space<vmem>>
      %dma_wait3A_135 = arith.constant 0 : i32
      %dma_wait3A_136 = arith.constant 0 : i32
      %dma_wait3A_137 = tpu.memref_slice %arg2[%dma_wait3A_135, %dma_wait3A_136] : memref<10112x128xf32, #tpu.memory_space<hbm>> -> memref<10112x128xf32, #tpu.memory_space<hbm>>
      tpu.wait_indirect_dma semaphore(%arg11 : memref<!tpu.dma_semaphore, #tpu.memory_space<semaphore_mem>>) src(%dma_wait3A_137 : memref<10112x128xf32, #tpu.memory_space<hbm>>) dst(%arg9 : memref<128x128xf32, #tpu.memory_space<vmem>>)
      "tpu.region"() ({
        %run_scoped3A_157 = tpu.sem_alloc : memref<!tpu.dma_semaphore, #tpu.memory_space<semaphore_mem>>
        %dma_start3A_158 = arith.constant 0 : i32
        %dma_start3A_159 = tpu.memref_slice %arg8[%mul3A_123, %dma_start3A_158] : memref<40x128xi32, #tpu.memory_space<vmem>> -> memref<1x128xi32, #tpu.memory_space<vmem>>
        %dma_start3A_160 = tpu.memref_squeeze %dma_start3A_159 : memref<1x128xi32, #tpu.memory_space<vmem>> -> memref<128xi32, #tpu.memory_space<vmem>>
        %dma_start3A_161 = arith.constant 0 : i32
        %dma_start3A_162 = arith.constant 0 : i32
        %dma_start3A_163 = tpu.memref_slice %arg13[%dma_start3A_161, %dma_start3A_162] : memref<10112x128xf32, #tpu.memory_space<vmem_shared>> -> memref<10112x128xf32, #tpu.memory_space<vmem_shared>>
        tpu.enqueue_indirect_dma source(%arg9 : memref<128x128xf32, #tpu.memory_space<vmem>>) target(%dma_start3A_163 : memref<10112x128xf32, #tpu.memory_space<vmem_shared>>) offsets(%dma_start3A_160 : memref<128xi32, #tpu.memory_space<vmem>>) semaphore(%run_scoped3A_157 : memref<!tpu.dma_semaphore, #tpu.memory_space<semaphore_mem>>) {add = true}
        %dma_wait3A_164 = arith.constant 0 : i32
        %dma_wait3A_165 = tpu.memref_slice %arg8[%mul3A_123, %dma_wait3A_164] : memref<40x128xi32, #tpu.memory_space<vmem>> -> memref<1x128xi32, #tpu.memory_space<vmem>>
        %dma_wait3A_166 = tpu.memref_squeeze %dma_wait3A_165 : memref<1x128xi32, #tpu.memory_space<vmem>> -> memref<128xi32, #tpu.memory_space<vmem>>
        %dma_wait3A_167 = arith.constant 0 : i32
        %dma_wait3A_168 = arith.constant 0 : i32
        %dma_wait3A_169 = tpu.memref_slice %arg13[%dma_wait3A_167, %dma_wait3A_168] : memref<10112x128xf32, #tpu.memory_space<vmem_shared>> -> memref<10112x128xf32, #tpu.memory_space<vmem_shared>>
        tpu.wait_indirect_dma semaphore(%run_scoped3A_157 : memref<!tpu.dma_semaphore, #tpu.memory_space<semaphore_mem>>) src(%arg9 : memref<128x128xf32, #tpu.memory_space<vmem>>) dst(%dma_wait3A_169 : memref<10112x128xf32, #tpu.memory_space<vmem_shared>>)
        tpu.yield
      }) : () -> ()
      %add3A_138 = arith.constant 2 : i32
      %add3A_139 = arith.addi %mul3A_123, %add3A_138 : i32
      %dma_start3A_140 = arith.constant 0 : i32
      %dma_start3A_141 = tpu.memref_slice %arg7[%add3A_139, %dma_start3A_140] : memref<40x128xi32, #tpu.memory_space<vmem>> -> memref<1x128xi32, #tpu.memory_space<vmem>>
      %dma_start3A_142 = tpu.memref_squeeze %dma_start3A_141 : memref<1x128xi32, #tpu.memory_space<vmem>> -> memref<128xi32, #tpu.memory_space<vmem>>
      %dma_start3A_143 = arith.constant 0 : i32
      %dma_start3A_144 = arith.constant 0 : i32
      %dma_start3A_145 = tpu.memref_slice %arg2[%dma_start3A_143, %dma_start3A_144] : memref<10112x128xf32, #tpu.memory_space<hbm>> -> memref<10112x128xf32, #tpu.memory_space<hbm>>
      tpu.enqueue_indirect_dma source(%dma_start3A_145 : memref<10112x128xf32, #tpu.memory_space<hbm>>) target(%arg9 : memref<128x128xf32, #tpu.memory_space<vmem>>) offsets(%dma_start3A_142 : memref<128xi32, #tpu.memory_space<vmem>>) semaphore(%arg11 : memref<!tpu.dma_semaphore, #tpu.memory_space<semaphore_mem>>)
      %add3A_146 = arith.constant 1 : i32
      %add3A_147 = arith.addi %mul3A_123, %add3A_146 : i32
      %dma_wait3A_148 = arith.constant 0 : i32
      %dma_wait3A_149 = tpu.memref_slice %arg7[%add3A_147, %dma_wait3A_148] : memref<40x128xi32, #tpu.memory_space<vmem>> -> memref<1x128xi32, #tpu.memory_space<vmem>>
      %dma_wait3A_150 = tpu.memref_squeeze %dma_wait3A_149 : memref<1x128xi32, #tpu.memory_space<vmem>> -> memref<128xi32, #tpu.memory_space<vmem>>
      %dma_wait3A_151 = arith.constant 0 : i32
      %dma_wait3A_152 = arith.constant 0 : i32
      %dma_wait3A_153 = tpu.memref_slice %arg2[%dma_wait3A_151, %dma_wait3A_152] : memref<10112x128xf32, #tpu.memory_space<hbm>> -> memref<10112x128xf32, #tpu.memory_space<hbm>>
      tpu.wait_indirect_dma semaphore(%arg12 : memref<!tpu.dma_semaphore, #tpu.memory_space<semaphore_mem>>) src(%dma_wait3A_153 : memref<10112x128xf32, #tpu.memory_space<hbm>>) dst(%arg10 : memref<128x128xf32, #tpu.memory_space<vmem>>)
      %add3A_154 = arith.constant 1 : i32
      %add3A_155 = arith.addi %mul3A_123, %add3A_154 : i32
      "tpu.region"() ({
        %run_scoped3A_157 = tpu.sem_alloc : memref<!tpu.dma_semaphore, #tpu.memory_space<semaphore_mem>>
        %dma_start3A_158 = arith.constant 0 : i32
        %dma_start3A_159 = tpu.memref_slice %arg8[%add3A_155, %dma_start3A_158] : memref<40x128xi32, #tpu.memory_space<vmem>> -> memref<1x128xi32, #tpu.memory_space<vmem>>
        %dma_start3A_160 = tpu.memref_squeeze %dma_start3A_159 : memref<1x128xi32, #tpu.memory_space<vmem>> -> memref<128xi32, #tpu.memory_space<vmem>>
        %dma_start3A_161 = arith.constant 0 : i32
        %dma_start3A_162 = arith.constant 0 : i32
        %dma_start3A_163 = tpu.memref_slice %arg13[%dma_start3A_161, %dma_start3A_162] : memref<10112x128xf32, #tpu.memory_space<vmem_shared>> -> memref<10112x128xf32, #tpu.memory_space<vmem_shared>>
        tpu.enqueue_indirect_dma source(%arg10 : memref<128x128xf32, #tpu.memory_space<vmem>>) target(%dma_start3A_163 : memref<10112x128xf32, #tpu.memory_space<vmem_shared>>) offsets(%dma_start3A_160 : memref<128xi32, #tpu.memory_space<vmem>>) semaphore(%run_scoped3A_157 : memref<!tpu.dma_semaphore, #tpu.memory_space<semaphore_mem>>) {add = true}
        %dma_wait3A_164 = arith.constant 0 : i32
        %dma_wait3A_165 = tpu.memref_slice %arg8[%add3A_155, %dma_wait3A_164] : memref<40x128xi32, #tpu.memory_space<vmem>> -> memref<1x128xi32, #tpu.memory_space<vmem>>
        %dma_wait3A_166 = tpu.memref_squeeze %dma_wait3A_165 : memref<1x128xi32, #tpu.memory_space<vmem>> -> memref<128xi32, #tpu.memory_space<vmem>>
        %dma_wait3A_167 = arith.constant 0 : i32
        %dma_wait3A_168 = arith.constant 0 : i32
        %dma_wait3A_169 = tpu.memref_slice %arg13[%dma_wait3A_167, %dma_wait3A_168] : memref<10112x128xf32, #tpu.memory_space<vmem_shared>> -> memref<10112x128xf32, #tpu.memory_space<vmem_shared>>
        tpu.wait_indirect_dma semaphore(%run_scoped3A_157 : memref<!tpu.dma_semaphore, #tpu.memory_space<semaphore_mem>>) src(%arg10 : memref<128x128xf32, #tpu.memory_space<vmem>>) dst(%dma_wait3A_169 : memref<10112x128xf32, #tpu.memory_space<vmem_shared>>)
        tpu.yield
      }) : () -> ()
      %scan3A_156 = arith.constant 0 : i32
      scf.yield %scan3A_156 : i32
    }
    %scan3A_75 = arith.constant 19 : i32
    %dma_start3A_76 = arith.constant 39 : i32
    %dma_start3A_77 = arith.constant 0 : i32
    %dma_start3A_78 = tpu.memref_slice %arg7[%dma_start3A_76, %dma_start3A_77] : memref<40x128xi32, #tpu.memory_space<vmem>> -> memref<1x128xi32, #tpu.memory_space<vmem>>
    %dma_start3A_79 = tpu.memref_squeeze %dma_start3A_78 : memref<1x128xi32, #tpu.memory_space<vmem>> -> memref<128xi32, #tpu.memory_space<vmem>>
    %dma_start3A_80 = arith.constant 0 : i32
    %dma_start3A_81 = arith.constant 0 : i32
    %dma_start3A_82 = tpu.memref_slice %arg2[%dma_start3A_80, %dma_start3A_81] : memref<10112x128xf32, #tpu.memory_space<hbm>> -> memref<10112x128xf32, #tpu.memory_space<hbm>>
    tpu.enqueue_indirect_dma source(%dma_start3A_82 : memref<10112x128xf32, #tpu.memory_space<hbm>>) target(%arg10 : memref<128x128xf32, #tpu.memory_space<vmem>>) offsets(%dma_start3A_79 : memref<128xi32, #tpu.memory_space<vmem>>) semaphore(%arg12 : memref<!tpu.dma_semaphore, #tpu.memory_space<semaphore_mem>>)
    %dma_wait3A_83 = arith.constant 38 : i32
    %dma_wait3A_84 = arith.constant 0 : i32
    %dma_wait3A_85 = tpu.memref_slice %arg7[%dma_wait3A_83, %dma_wait3A_84] : memref<40x128xi32, #tpu.memory_space<vmem>> -> memref<1x128xi32, #tpu.memory_space<vmem>>
    %dma_wait3A_86 = tpu.memref_squeeze %dma_wait3A_85 : memref<1x128xi32, #tpu.memory_space<vmem>> -> memref<128xi32, #tpu.memory_space<vmem>>
    %dma_wait3A_87 = arith.constant 0 : i32
    %dma_wait3A_88 = arith.constant 0 : i32
    %dma_wait3A_89 = tpu.memref_slice %arg2[%dma_wait3A_87, %dma_wait3A_88] : memref<10112x128xf32, #tpu.memory_space<hbm>> -> memref<10112x128xf32, #tpu.memory_space<hbm>>
    tpu.wait_indirect_dma semaphore(%arg11 : memref<!tpu.dma_semaphore, #tpu.memory_space<semaphore_mem>>) src(%dma_wait3A_89 : memref<10112x128xf32, #tpu.memory_space<hbm>>) dst(%arg9 : memref<128x128xf32, #tpu.memory_space<vmem>>)
    %run_scoped3A_90 = arith.constant 38 : i32
    "tpu.region"() ({
      %run_scoped3A_120 = tpu.sem_alloc : memref<!tpu.dma_semaphore, #tpu.memory_space<semaphore_mem>>
      %dma_start3A_121 = arith.constant 0 : i32
      %dma_start3A_122 = tpu.memref_slice %arg8[%run_scoped3A_90, %dma_start3A_121] : memref<40x128xi32, #tpu.memory_space<vmem>> -> memref<1x128xi32, #tpu.memory_space<vmem>>
      %dma_start3A_123 = tpu.memref_squeeze %dma_start3A_122 : memref<1x128xi32, #tpu.memory_space<vmem>> -> memref<128xi32, #tpu.memory_space<vmem>>
      %dma_start3A_124 = arith.constant 0 : i32
      %dma_start3A_125 = arith.constant 0 : i32
      %dma_start3A_126 = tpu.memref_slice %arg13[%dma_start3A_124, %dma_start3A_125] : memref<10112x128xf32, #tpu.memory_space<vmem_shared>> -> memref<10112x128xf32, #tpu.memory_space<vmem_shared>>
      tpu.enqueue_indirect_dma source(%arg9 : memref<128x128xf32, #tpu.memory_space<vmem>>) target(%dma_start3A_126 : memref<10112x128xf32, #tpu.memory_space<vmem_shared>>) offsets(%dma_start3A_123 : memref<128xi32, #tpu.memory_space<vmem>>) semaphore(%run_scoped3A_120 : memref<!tpu.dma_semaphore, #tpu.memory_space<semaphore_mem>>) {add = true}
      %dma_wait3A_127 = arith.constant 0 : i32
      %dma_wait3A_128 = tpu.memref_slice %arg8[%run_scoped3A_90, %dma_wait3A_127] : memref<40x128xi32, #tpu.memory_space<vmem>> -> memref<1x128xi32, #tpu.memory_space<vmem>>
      %dma_wait3A_129 = tpu.memref_squeeze %dma_wait3A_128 : memref<1x128xi32, #tpu.memory_space<vmem>> -> memref<128xi32, #tpu.memory_space<vmem>>
      %dma_wait3A_130 = arith.constant 0 : i32
      %dma_wait3A_131 = arith.constant 0 : i32
      %dma_wait3A_132 = tpu.memref_slice %arg13[%dma_wait3A_130, %dma_wait3A_131] : memref<10112x128xf32, #tpu.memory_space<vmem_shared>> -> memref<10112x128xf32, #tpu.memory_space<vmem_shared>>
      tpu.wait_indirect_dma semaphore(%run_scoped3A_120 : memref<!tpu.dma_semaphore, #tpu.memory_space<semaphore_mem>>) src(%arg9 : memref<128x128xf32, #tpu.memory_space<vmem>>) dst(%dma_wait3A_132 : memref<10112x128xf32, #tpu.memory_space<vmem_shared>>)
      tpu.yield
    }) : () -> ()
    %dma_wait3A_91 = arith.constant 39 : i32
    %dma_wait3A_92 = arith.constant 0 : i32
    %dma_wait3A_93 = tpu.memref_slice %arg7[%dma_wait3A_91, %dma_wait3A_92] : memref<40x128xi32, #tpu.memory_space<vmem>> -> memref<1x128xi32, #tpu.memory_space<vmem>>
    %dma_wait3A_94 = tpu.memref_squeeze %dma_wait3A_93 : memref<1x128xi32, #tpu.memory_space<vmem>> -> memref<128xi32, #tpu.memory_space<vmem>>
    %dma_wait3A_95 = arith.constant 0 : i32
    %dma_wait3A_96 = arith.constant 0 : i32
    %dma_wait3A_97 = tpu.memref_slice %arg2[%dma_wait3A_95, %dma_wait3A_96] : memref<10112x128xf32, #tpu.memory_space<hbm>> -> memref<10112x128xf32, #tpu.memory_space<hbm>>
    tpu.wait_indirect_dma semaphore(%arg12 : memref<!tpu.dma_semaphore, #tpu.memory_space<semaphore_mem>>) src(%dma_wait3A_97 : memref<10112x128xf32, #tpu.memory_space<hbm>>) dst(%arg10 : memref<128x128xf32, #tpu.memory_space<vmem>>)
    %run_scoped3A_98 = arith.constant 39 : i32
    "tpu.region"() ({
      %run_scoped3A_120 = tpu.sem_alloc : memref<!tpu.dma_semaphore, #tpu.memory_space<semaphore_mem>>
      %dma_start3A_121 = arith.constant 0 : i32
      %dma_start3A_122 = tpu.memref_slice %arg8[%run_scoped3A_98, %dma_start3A_121] : memref<40x128xi32, #tpu.memory_space<vmem>> -> memref<1x128xi32, #tpu.memory_space<vmem>>
      %dma_start3A_123 = tpu.memref_squeeze %dma_start3A_122 : memref<1x128xi32, #tpu.memory_space<vmem>> -> memref<128xi32, #tpu.memory_space<vmem>>
      %dma_start3A_124 = arith.constant 0 : i32
      %dma_start3A_125 = arith.constant 0 : i32
      %dma_start3A_126 = tpu.memref_slice %arg13[%dma_start3A_124, %dma_start3A_125] : memref<10112x128xf32, #tpu.memory_space<vmem_shared>> -> memref<10112x128xf32, #tpu.memory_space<vmem_shared>>
      tpu.enqueue_indirect_dma source(%arg10 : memref<128x128xf32, #tpu.memory_space<vmem>>) target(%dma_start3A_126 : memref<10112x128xf32, #tpu.memory_space<vmem_shared>>) offsets(%dma_start3A_123 : memref<128xi32, #tpu.memory_space<vmem>>) semaphore(%run_scoped3A_120 : memref<!tpu.dma_semaphore, #tpu.memory_space<semaphore_mem>>) {add = true}
      %dma_wait3A_127 = arith.constant 0 : i32
      %dma_wait3A_128 = tpu.memref_slice %arg8[%run_scoped3A_98, %dma_wait3A_127] : memref<40x128xi32, #tpu.memory_space<vmem>> -> memref<1x128xi32, #tpu.memory_space<vmem>>
      %dma_wait3A_129 = tpu.memref_squeeze %dma_wait3A_128 : memref<1x128xi32, #tpu.memory_space<vmem>> -> memref<128xi32, #tpu.memory_space<vmem>>
      %dma_wait3A_130 = arith.constant 0 : i32
      %dma_wait3A_131 = arith.constant 0 : i32
      %dma_wait3A_132 = tpu.memref_slice %arg13[%dma_wait3A_130, %dma_wait3A_131] : memref<10112x128xf32, #tpu.memory_space<vmem_shared>> -> memref<10112x128xf32, #tpu.memory_space<vmem_shared>>
      tpu.wait_indirect_dma semaphore(%run_scoped3A_120 : memref<!tpu.dma_semaphore, #tpu.memory_space<semaphore_mem>>) src(%arg10 : memref<128x128xf32, #tpu.memory_space<vmem>>) dst(%dma_wait3A_132 : memref<10112x128xf32, #tpu.memory_space<vmem_shared>>)
      tpu.yield
    }) : () -> ()
    %barrier3A_99 = arith.constant 0 : index
    tpu.barrier barrier_id(%barrier3A_99)
    %add3A_100 = arith.constant 0 : i32
    %add3A_101 = arith.addi %mul3A_2, %add3A_100 : i32
    "tpu.region"() ({
      %run_scoped3A_120 = tpu.sem_alloc : memref<!tpu.dma_semaphore, #tpu.memory_space<semaphore_mem>>
      %dma_start3A_121 = arith.constant 0 : i32
      %dma_start3A_122 = tpu.memref_slice %arg13[%add3A_101, %dma_start3A_121] : memref<10112x128xf32, #tpu.memory_space<vmem_shared>> -> memref<128x128xf32, #tpu.memory_space<vmem_shared>>
      %dma_start3A_123 = arith.constant 0 : i32
      %dma_start3A_124 = tpu.memref_slice %arg13[%add3A_101, %dma_start3A_123] : memref<10112x128xf32, #tpu.memory_space<vmem_shared>> -> memref<128x128xf32, #tpu.memory_space<vmem_shared>>
      tpu.enqueue_dma source(%dma_start3A_124 : memref<128x128xf32, #tpu.memory_space<vmem_shared>>) target(%arg9 : memref<128x128xf32, #tpu.memory_space<vmem>>) target_semaphore(%run_scoped3A_120 : memref<!tpu.dma_semaphore, #tpu.memory_space<semaphore_mem>>)
      %dma_wait3A_125 = arith.constant 0 : i32
      %dma_wait3A_126 = tpu.memref_slice %arg13[%add3A_101, %dma_wait3A_125] : memref<10112x128xf32, #tpu.memory_space<vmem_shared>> -> memref<128x128xf32, #tpu.memory_space<vmem_shared>>
      %dma_wait3A_127 = arith.constant 0 : i32
      %dma_wait3A_128 = tpu.memref_slice %arg13[%add3A_101, %dma_wait3A_127] : memref<10112x128xf32, #tpu.memory_space<vmem_shared>> -> memref<128x128xf32, #tpu.memory_space<vmem_shared>>
      tpu.wait_dma2 semaphore(%run_scoped3A_120 : memref<!tpu.dma_semaphore, #tpu.memory_space<semaphore_mem>>) src(%dma_wait3A_128 : memref<128x128xf32, #tpu.memory_space<vmem_shared>>) dst(%arg9 : memref<128x128xf32, #tpu.memory_space<vmem>>)
      tpu.yield
    }) : () -> ()
    %add3A_102 = arith.constant 0 : i32
    %add3A_103 = arith.addi %mul3A_2, %add3A_102 : i32
    "tpu.region"() ({
      %run_scoped3A_120 = tpu.sem_alloc : memref<!tpu.dma_semaphore, #tpu.memory_space<semaphore_mem>>
      %dma_start3A_121 = arith.constant 0 : i32
      %dma_start3A_122 = tpu.memref_slice %arg6[%arg0, %add3A_103, %dma_start3A_121] : memref<2x10112x128xf32, #tpu.memory_space<hbm>> -> memref<1x128x128xf32, #tpu.memory_space<hbm>>
      %dma_start3A_123 = tpu.memref_squeeze %dma_start3A_122 : memref<1x128x128xf32, #tpu.memory_space<hbm>> -> memref<128x128xf32, #tpu.memory_space<hbm>>
      %dma_start3A_124 = arith.constant 0 : i32
      %dma_start3A_125 = tpu.memref_slice %arg6[%arg0, %add3A_103, %dma_start3A_124] : memref<2x10112x128xf32, #tpu.memory_space<hbm>> -> memref<1x128x128xf32, #tpu.memory_space<hbm>>
      %dma_start3A_126 = tpu.memref_squeeze %dma_start3A_125 : memref<1x128x128xf32, #tpu.memory_space<hbm>> -> memref<128x128xf32, #tpu.memory_space<hbm>>
      tpu.enqueue_dma source(%arg9 : memref<128x128xf32, #tpu.memory_space<vmem>>) target(%dma_start3A_126 : memref<128x128xf32, #tpu.memory_space<hbm>>) target_semaphore(%run_scoped3A_120 : memref<!tpu.dma_semaphore, #tpu.memory_space<semaphore_mem>>)
      %dma_wait3A_127 = arith.constant 0 : i32
      %dma_wait3A_128 = tpu.memref_slice %arg6[%arg0, %add3A_103, %dma_wait3A_127] : memref<2x10112x128xf32, #tpu.memory_space<hbm>> -> memref<1x128x128xf32, #tpu.memory_space<hbm>>
      %dma_wait3A_129 = tpu.memref_squeeze %dma_wait3A_128 : memref<1x128x128xf32, #tpu.memory_space<hbm>> -> memref<128x128xf32, #tpu.memory_space<hbm>>
      %dma_wait3A_130 = arith.constant 0 : i32
      %dma_wait3A_131 = tpu.memref_slice %arg6[%arg0, %add3A_103, %dma_wait3A_130] : memref<2x10112x128xf32, #tpu.memory_space<hbm>> -> memref<1x128x128xf32, #tpu.memory_space<hbm>>
      %dma_wait3A_132 = tpu.memref_squeeze %dma_wait3A_131 : memref<1x128x128xf32, #tpu.memory_space<hbm>> -> memref<128x128xf32, #tpu.memory_space<hbm>>
      tpu.wait_dma2 semaphore(%run_scoped3A_120 : memref<!tpu.dma_semaphore, #tpu.memory_space<semaphore_mem>>) src(%arg9 : memref<128x128xf32, #tpu.memory_space<vmem>>) dst(%dma_wait3A_132 : memref<128x128xf32, #tpu.memory_space<hbm>>)
      tpu.yield
    }) : () -> ()
    %add3A_104 = arith.constant 128 : i32
    %add3A_105 = arith.addi %mul3A_2, %add3A_104 : i32
    "tpu.region"() ({
      %run_scoped3A_120 = tpu.sem_alloc : memref<!tpu.dma_semaphore, #tpu.memory_space<semaphore_mem>>
      %dma_start3A_121 = arith.constant 0 : i32
      %dma_start3A_122 = tpu.memref_slice %arg13[%add3A_105, %dma_start3A_121] : memref<10112x128xf32, #tpu.memory_space<vmem_shared>> -> memref<128x128xf32, #tpu.memory_space<vmem_shared>>
      %dma_start3A_123 = arith.constant 0 : i32
      %dma_start3A_124 = tpu.memref_slice %arg13[%add3A_105, %dma_start3A_123] : memref<10112x128xf32, #tpu.memory_space<vmem_shared>> -> memref<128x128xf32, #tpu.memory_space<vmem_shared>>
      tpu.enqueue_dma source(%dma_start3A_124 : memref<128x128xf32, #tpu.memory_space<vmem_shared>>) target(%arg9 : memref<128x128xf32, #tpu.memory_space<vmem>>) target_semaphore(%run_scoped3A_120 : memref<!tpu.dma_semaphore, #tpu.memory_space<semaphore_mem>>)
      %dma_wait3A_125 = arith.constant 0 : i32
      %dma_wait3A_126 = tpu.memref_slice %arg13[%add3A_105, %dma_wait3A_125] : memref<10112x128xf32, #tpu.memory_space<vmem_shared>> -> memref<128x128xf32, #tpu.memory_space<vmem_shared>>
      %dma_wait3A_127 = arith.constant 0 : i32
      %dma_wait3A_128 = tpu.memref_slice %arg13[%add3A_105, %dma_wait3A_127] : memref<10112x128xf32, #tpu.memory_space<vmem_shared>> -> memref<128x128xf32, #tpu.memory_space<vmem_shared>>
      tpu.wait_dma2 semaphore(%run_scoped3A_120 : memref<!tpu.dma_semaphore, #tpu.memory_space<semaphore_mem>>) src(%dma_wait3A_128 : memref<128x128xf32, #tpu.memory_space<vmem_shared>>) dst(%arg9 : memref<128x128xf32, #tpu.memory_space<vmem>>)
      tpu.yield
    }) : () -> ()
    %add3A_106 = arith.constant 128 : i32
    %add3A_107 = arith.addi %mul3A_2, %add3A_106 : i32
    "tpu.region"() ({
      %run_scoped3A_120 = tpu.sem_alloc : memref<!tpu.dma_semaphore, #tpu.memory_space<semaphore_mem>>
      %dma_start3A_121 = arith.constant 0 : i32
      %dma_start3A_122 = tpu.memref_slice %arg6[%arg0, %add3A_107, %dma_start3A_121] : memref<2x10112x128xf32, #tpu.memory_space<hbm>> -> memref<1x128x128xf32, #tpu.memory_space<hbm>>
      %dma_start3A_123 = tpu.memref_squeeze %dma_start3A_122 : memref<1x128x128xf32, #tpu.memory_space<hbm>> -> memref<128x128xf32, #tpu.memory_space<hbm>>
      %dma_start3A_124 = arith.constant 0 : i32
      %dma_start3A_125 = tpu.memref_slice %arg6[%arg0, %add3A_107, %dma_start3A_124] : memref<2x10112x128xf32, #tpu.memory_space<hbm>> -> memref<1x128x128xf32, #tpu.memory_space<hbm>>
      %dma_start3A_126 = tpu.memref_squeeze %dma_start3A_125 : memref<1x128x128xf32, #tpu.memory_space<hbm>> -> memref<128x128xf32, #tpu.memory_space<hbm>>
      tpu.enqueue_dma source(%arg9 : memref<128x128xf32, #tpu.memory_space<vmem>>) target(%dma_start3A_126 : memref<128x128xf32, #tpu.memory_space<hbm>>) target_semaphore(%run_scoped3A_120 : memref<!tpu.dma_semaphore, #tpu.memory_space<semaphore_mem>>)
      %dma_wait3A_127 = arith.constant 0 : i32
      %dma_wait3A_128 = tpu.memref_slice %arg6[%arg0, %add3A_107, %dma_wait3A_127] : memref<2x10112x128xf32, #tpu.memory_space<hbm>> -> memref<1x128x128xf32, #tpu.memory_space<hbm>>
      %dma_wait3A_129 = tpu.memref_squeeze %dma_wait3A_128 : memref<1x128x128xf32, #tpu.memory_space<hbm>> -> memref<128x128xf32, #tpu.memory_space<hbm>>
      %dma_wait3A_130 = arith.constant 0 : i32
      %dma_wait3A_131 = tpu.memref_slice %arg6[%arg0, %add3A_107, %dma_wait3A_130] : memref<2x10112x128xf32, #tpu.memory_space<hbm>> -> memref<1x128x128xf32, #tpu.memory_space<hbm>>
      %dma_wait3A_132 = tpu.memref_squeeze %dma_wait3A_131 : memref<1x128x128xf32, #tpu.memory_space<hbm>> -> memref<128x128xf32, #tpu.memory_space<hbm>>
      tpu.wait_dma2 semaphore(%run_scoped3A_120 : memref<!tpu.dma_semaphore, #tpu.memory_space<semaphore_mem>>) src(%arg9 : memref<128x128xf32, #tpu.memory_space<vmem>>) dst(%dma_wait3A_132 : memref<128x128xf32, #tpu.memory_space<hbm>>)
      tpu.yield
    }) : () -> ()
    %add3A_108 = arith.constant 256 : i32
    %add3A_109 = arith.addi %mul3A_2, %add3A_108 : i32
    "tpu.region"() ({
      %run_scoped3A_120 = tpu.sem_alloc : memref<!tpu.dma_semaphore, #tpu.memory_space<semaphore_mem>>
      %dma_start3A_121 = arith.constant 0 : i32
      %dma_start3A_122 = tpu.memref_slice %arg13[%add3A_109, %dma_start3A_121] : memref<10112x128xf32, #tpu.memory_space<vmem_shared>> -> memref<128x128xf32, #tpu.memory_space<vmem_shared>>
      %dma_start3A_123 = arith.constant 0 : i32
      %dma_start3A_124 = tpu.memref_slice %arg13[%add3A_109, %dma_start3A_123] : memref<10112x128xf32, #tpu.memory_space<vmem_shared>> -> memref<128x128xf32, #tpu.memory_space<vmem_shared>>
      tpu.enqueue_dma source(%dma_start3A_124 : memref<128x128xf32, #tpu.memory_space<vmem_shared>>) target(%arg9 : memref<128x128xf32, #tpu.memory_space<vmem>>) target_semaphore(%run_scoped3A_120 : memref<!tpu.dma_semaphore, #tpu.memory_space<semaphore_mem>>)
      %dma_wait3A_125 = arith.constant 0 : i32
      %dma_wait3A_126 = tpu.memref_slice %arg13[%add3A_109, %dma_wait3A_125] : memref<10112x128xf32, #tpu.memory_space<vmem_shared>> -> memref<128x128xf32, #tpu.memory_space<vmem_shared>>
      %dma_wait3A_127 = arith.constant 0 : i32
      %dma_wait3A_128 = tpu.memref_slice %arg13[%add3A_109, %dma_wait3A_127] : memref<10112x128xf32, #tpu.memory_space<vmem_shared>> -> memref<128x128xf32, #tpu.memory_space<vmem_shared>>
      tpu.wait_dma2 semaphore(%run_scoped3A_120 : memref<!tpu.dma_semaphore, #tpu.memory_space<semaphore_mem>>) src(%dma_wait3A_128 : memref<128x128xf32, #tpu.memory_space<vmem_shared>>) dst(%arg9 : memref<128x128xf32, #tpu.memory_space<vmem>>)
      tpu.yield
    }) : () -> ()
    %add3A_110 = arith.constant 256 : i32
    %add3A_111 = arith.addi %mul3A_2, %add3A_110 : i32
    "tpu.region"() ({
      %run_scoped3A_120 = tpu.sem_alloc : memref<!tpu.dma_semaphore, #tpu.memory_space<semaphore_mem>>
      %dma_start3A_121 = arith.constant 0 : i32
      %dma_start3A_122 = tpu.memref_slice %arg6[%arg0, %add3A_111, %dma_start3A_121] : memref<2x10112x128xf32, #tpu.memory_space<hbm>> -> memref<1x128x128xf32, #tpu.memory_space<hbm>>
      %dma_start3A_123 = tpu.memref_squeeze %dma_start3A_122 : memref<1x128x128xf32, #tpu.memory_space<hbm>> -> memref<128x128xf32, #tpu.memory_space<hbm>>
      %dma_start3A_124 = arith.constant 0 : i32
      %dma_start3A_125 = tpu.memref_slice %arg6[%arg0, %add3A_111, %dma_start3A_124] : memref<2x10112x128xf32, #tpu.memory_space<hbm>> -> memref<1x128x128xf32, #tpu.memory_space<hbm>>
      %dma_start3A_126 = tpu.memref_squeeze %dma_start3A_125 : memref<1x128x128xf32, #tpu.memory_space<hbm>> -> memref<128x128xf32, #tpu.memory_space<hbm>>
      tpu.enqueue_dma source(%arg9 : memref<128x128xf32, #tpu.memory_space<vmem>>) target(%dma_start3A_126 : memref<128x128xf32, #tpu.memory_space<hbm>>) target_semaphore(%run_scoped3A_120 : memref<!tpu.dma_semaphore, #tpu.memory_space<semaphore_mem>>)
      %dma_wait3A_127 = arith.constant 0 : i32
      %dma_wait3A_128 = tpu.memref_slice %arg6[%arg0, %add3A_111, %dma_wait3A_127] : memref<2x10112x128xf32, #tpu.memory_space<hbm>> -> memref<1x128x128xf32, #tpu.memory_space<hbm>>
      %dma_wait3A_129 = tpu.memref_squeeze %dma_wait3A_128 : memref<1x128x128xf32, #tpu.memory_space<hbm>> -> memref<128x128xf32, #tpu.memory_space<hbm>>
      %dma_wait3A_130 = arith.constant 0 : i32
      %dma_wait3A_131 = tpu.memref_slice %arg6[%arg0, %add3A_111, %dma_wait3A_130] : memref<2x10112x128xf32, #tpu.memory_space<hbm>> -> memref<1x128x128xf32, #tpu.memory_space<hbm>>
      %dma_wait3A_132 = tpu.memref_squeeze %dma_wait3A_131 : memref<1x128x128xf32, #tpu.memory_space<hbm>> -> memref<128x128xf32, #tpu.memory_space<hbm>>
      tpu.wait_dma2 semaphore(%run_scoped3A_120 : memref<!tpu.dma_semaphore, #tpu.memory_space<semaphore_mem>>) src(%arg9 : memref<128x128xf32, #tpu.memory_space<vmem>>) dst(%dma_wait3A_132 : memref<128x128xf32, #tpu.memory_space<hbm>>)
      tpu.yield
    }) : () -> ()
    %add3A_112 = arith.constant 384 : i32
    %add3A_113 = arith.addi %mul3A_2, %add3A_112 : i32
    "tpu.region"() ({
      %run_scoped3A_120 = tpu.sem_alloc : memref<!tpu.dma_semaphore, #tpu.memory_space<semaphore_mem>>
      %dma_start3A_121 = arith.constant 0 : i32
      %dma_start3A_122 = tpu.memref_slice %arg13[%add3A_113, %dma_start3A_121] : memref<10112x128xf32, #tpu.memory_space<vmem_shared>> -> memref<128x128xf32, #tpu.memory_space<vmem_shared>>
      %dma_start3A_123 = arith.constant 0 : i32
      %dma_start3A_124 = tpu.memref_slice %arg13[%add3A_113, %dma_start3A_123] : memref<10112x128xf32, #tpu.memory_space<vmem_shared>> -> memref<128x128xf32, #tpu.memory_space<vmem_shared>>
      tpu.enqueue_dma source(%dma_start3A_124 : memref<128x128xf32, #tpu.memory_space<vmem_shared>>) target(%arg9 : memref<128x128xf32, #tpu.memory_space<vmem>>) target_semaphore(%run_scoped3A_120 : memref<!tpu.dma_semaphore, #tpu.memory_space<semaphore_mem>>)
      %dma_wait3A_125 = arith.constant 0 : i32
      %dma_wait3A_126 = tpu.memref_slice %arg13[%add3A_113, %dma_wait3A_125] : memref<10112x128xf32, #tpu.memory_space<vmem_shared>> -> memref<128x128xf32, #tpu.memory_space<vmem_shared>>
      %dma_wait3A_127 = arith.constant 0 : i32
      %dma_wait3A_128 = tpu.memref_slice %arg13[%add3A_113, %dma_wait3A_127] : memref<10112x128xf32, #tpu.memory_space<vmem_shared>> -> memref<128x128xf32, #tpu.memory_space<vmem_shared>>
      tpu.wait_dma2 semaphore(%run_scoped3A_120 : memref<!tpu.dma_semaphore, #tpu.memory_space<semaphore_mem>>) src(%dma_wait3A_128 : memref<128x128xf32, #tpu.memory_space<vmem_shared>>) dst(%arg9 : memref<128x128xf32, #tpu.memory_space<vmem>>)
      tpu.yield
    }) : () -> ()
    %add3A_114 = arith.constant 384 : i32
    %add3A_115 = arith.addi %mul3A_2, %add3A_114 : i32
    "tpu.region"() ({
      %run_scoped3A_120 = tpu.sem_alloc : memref<!tpu.dma_semaphore, #tpu.memory_space<semaphore_mem>>
      %dma_start3A_121 = arith.constant 0 : i32
      %dma_start3A_122 = tpu.memref_slice %arg6[%arg0, %add3A_115, %dma_start3A_121] : memref<2x10112x128xf32, #tpu.memory_space<hbm>> -> memref<1x128x128xf32, #tpu.memory_space<hbm>>
      %dma_start3A_123 = tpu.memref_squeeze %dma_start3A_122 : memref<1x128x128xf32, #tpu.memory_space<hbm>> -> memref<128x128xf32, #tpu.memory_space<hbm>>
      %dma_start3A_124 = arith.constant 0 : i32
      %dma_start3A_125 = tpu.memref_slice %arg6[%arg0, %add3A_115, %dma_start3A_124] : memref<2x10112x128xf32, #tpu.memory_space<hbm>> -> memref<1x128x128xf32, #tpu.memory_space<hbm>>
      %dma_start3A_126 = tpu.memref_squeeze %dma_start3A_125 : memref<1x128x128xf32, #tpu.memory_space<hbm>> -> memref<128x128xf32, #tpu.memory_space<hbm>>
      tpu.enqueue_dma source(%arg9 : memref<128x128xf32, #tpu.memory_space<vmem>>) target(%dma_start3A_126 : memref<128x128xf32, #tpu.memory_space<hbm>>) target_semaphore(%run_scoped3A_120 : memref<!tpu.dma_semaphore, #tpu.memory_space<semaphore_mem>>)
      %dma_wait3A_127 = arith.constant 0 : i32
      %dma_wait3A_128 = tpu.memref_slice %arg6[%arg0, %add3A_115, %dma_wait3A_127] : memref<2x10112x128xf32, #tpu.memory_space<hbm>> -> memref<1x128x128xf32, #tpu.memory_space<hbm>>
      %dma_wait3A_129 = tpu.memref_squeeze %dma_wait3A_128 : memref<1x128x128xf32, #tpu.memory_space<hbm>> -> memref<128x128xf32, #tpu.memory_space<hbm>>
      %dma_wait3A_130 = arith.constant 0 : i32
      %dma_wait3A_131 = tpu.memref_slice %arg6[%arg0, %add3A_115, %dma_wait3A_130] : memref<2x10112x128xf32, #tpu.memory_space<hbm>> -> memref<1x128x128xf32, #tpu.memory_space<hbm>>
      %dma_wait3A_132 = tpu.memref_squeeze %dma_wait3A_131 : memref<1x128x128xf32, #tpu.memory_space<hbm>> -> memref<128x128xf32, #tpu.memory_space<hbm>>
      tpu.wait_dma2 semaphore(%run_scoped3A_120 : memref<!tpu.dma_semaphore, #tpu.memory_space<semaphore_mem>>) src(%arg9 : memref<128x128xf32, #tpu.memory_space<vmem>>) dst(%dma_wait3A_132 : memref<128x128xf32, #tpu.memory_space<hbm>>)
      tpu.yield
    }) : () -> ()
    %add3A_116 = arith.constant 512 : i32
    %add3A_117 = arith.addi %mul3A_2, %add3A_116 : i32
    "tpu.region"() ({
      %run_scoped3A_120 = tpu.sem_alloc : memref<!tpu.dma_semaphore, #tpu.memory_space<semaphore_mem>>
      %dma_start3A_121 = arith.constant 0 : i32
      %dma_start3A_122 = arith.constant 0 : i32
      %dma_start3A_123 = tpu.memref_slice %arg9[%dma_start3A_121, %dma_start3A_122] : memref<128x128xf32, #tpu.memory_space<vmem>> -> memref<120x128xf32, #tpu.memory_space<vmem>>
      %dma_start3A_124 = arith.constant 0 : i32
      %dma_start3A_125 = tpu.memref_slice %arg13[%add3A_117, %dma_start3A_124] : memref<10112x128xf32, #tpu.memory_space<vmem_shared>> -> memref<120x128xf32, #tpu.memory_space<vmem_shared>>
      %dma_start3A_126 = arith.constant 0 : i32
      %dma_start3A_127 = arith.constant 0 : i32
      %dma_start3A_128 = tpu.memref_slice %arg9[%dma_start3A_126, %dma_start3A_127] : memref<128x128xf32, #tpu.memory_space<vmem>> -> memref<120x128xf32, #tpu.memory_space<vmem>>
      %dma_start3A_129 = arith.constant 0 : i32
      %dma_start3A_130 = tpu.memref_slice %arg13[%add3A_117, %dma_start3A_129] : memref<10112x128xf32, #tpu.memory_space<vmem_shared>> -> memref<120x128xf32, #tpu.memory_space<vmem_shared>>
      tpu.enqueue_dma source(%dma_start3A_130 : memref<120x128xf32, #tpu.memory_space<vmem_shared>>) target(%dma_start3A_128 : memref<120x128xf32, #tpu.memory_space<vmem>>) target_semaphore(%run_scoped3A_120 : memref<!tpu.dma_semaphore, #tpu.memory_space<semaphore_mem>>)
      %dma_wait3A_131 = arith.constant 0 : i32
      %dma_wait3A_132 = arith.constant 0 : i32
      %dma_wait3A_133 = tpu.memref_slice %arg9[%dma_wait3A_131, %dma_wait3A_132] : memref<128x128xf32, #tpu.memory_space<vmem>> -> memref<120x128xf32, #tpu.memory_space<vmem>>
      %dma_wait3A_134 = arith.constant 0 : i32
      %dma_wait3A_135 = tpu.memref_slice %arg13[%add3A_117, %dma_wait3A_134] : memref<10112x128xf32, #tpu.memory_space<vmem_shared>> -> memref<120x128xf32, #tpu.memory_space<vmem_shared>>
      %dma_wait3A_136 = arith.constant 0 : i32
      %dma_wait3A_137 = arith.constant 0 : i32
      %dma_wait3A_138 = tpu.memref_slice %arg9[%dma_wait3A_136, %dma_wait3A_137] : memref<128x128xf32, #tpu.memory_space<vmem>> -> memref<120x128xf32, #tpu.memory_space<vmem>>
      %dma_wait3A_139 = arith.constant 0 : i32
      %dma_wait3A_140 = tpu.memref_slice %arg13[%add3A_117, %dma_wait3A_139] : memref<10112x128xf32, #tpu.memory_space<vmem_shared>> -> memref<120x128xf32, #tpu.memory_space<vmem_shared>>
      tpu.wait_dma2 semaphore(%run_scoped3A_120 : memref<!tpu.dma_semaphore, #tpu.memory_space<semaphore_mem>>) src(%dma_wait3A_140 : memref<120x128xf32, #tpu.memory_space<vmem_shared>>) dst(%dma_wait3A_138 : memref<120x128xf32, #tpu.memory_space<vmem>>)
      tpu.yield
    }) : () -> ()
    %add3A_118 = arith.constant 512 : i32
    %add3A_119 = arith.addi %mul3A_2, %add3A_118 : i32
    "tpu.region"() ({
      %run_scoped3A_120 = tpu.sem_alloc : memref<!tpu.dma_semaphore, #tpu.memory_space<semaphore_mem>>
      %dma_start3A_121 = arith.constant 0 : i32
      %dma_start3A_122 = arith.constant 0 : i32
      %dma_start3A_123 = tpu.memref_slice %arg9[%dma_start3A_121, %dma_start3A_122] : memref<128x128xf32, #tpu.memory_space<vmem>> -> memref<120x128xf32, #tpu.memory_space<vmem>>
      %dma_start3A_124 = arith.constant 0 : i32
      %dma_start3A_125 = tpu.memref_slice %arg6[%arg0, %add3A_119, %dma_start3A_124] : memref<2x10112x128xf32, #tpu.memory_space<hbm>> -> memref<1x120x128xf32, #tpu.memory_space<hbm>>
      %dma_start3A_126 = tpu.memref_squeeze %dma_start3A_125 : memref<1x120x128xf32, #tpu.memory_space<hbm>> -> memref<120x128xf32, #tpu.memory_space<hbm>>
      %dma_start3A_127 = arith.constant 0 : i32
      %dma_start3A_128 = tpu.memref_slice %arg6[%arg0, %add3A_119, %dma_start3A_127] : memref<2x10112x128xf32, #tpu.memory_space<hbm>> -> memref<1x120x128xf32, #tpu.memory_space<hbm>>
      %dma_start3A_129 = tpu.memref_squeeze %dma_start3A_128 : memref<1x120x128xf32, #tpu.memory_space<hbm>> -> memref<120x128xf32, #tpu.memory_space<hbm>>
      %dma_start3A_130 = arith.constant 0 : i32
      %dma_start3A_131 = arith.constant 0 : i32
      %dma_start3A_132 = tpu.memref_slice %arg9[%dma_start3A_130, %dma_start3A_131] : memref<128x128xf32, #tpu.memory_space<vmem>> -> memref<120x128xf32, #tpu.memory_space<vmem>>
      tpu.enqueue_dma source(%dma_start3A_132 : memref<120x128xf32, #tpu.memory_space<vmem>>) target(%dma_start3A_129 : memref<120x128xf32, #tpu.memory_space<hbm>>) target_semaphore(%run_scoped3A_120 : memref<!tpu.dma_semaphore, #tpu.memory_space<semaphore_mem>>)
      %dma_wait3A_133 = arith.constant 0 : i32
      %dma_wait3A_134 = arith.constant 0 : i32
      %dma_wait3A_135 = tpu.memref_slice %arg9[%dma_wait3A_133, %dma_wait3A_134] : memref<128x128xf32, #tpu.memory_space<vmem>> -> memref<120x128xf32, #tpu.memory_space<vmem>>
      %dma_wait3A_136 = arith.constant 0 : i32
      %dma_wait3A_137 = tpu.memref_slice %arg6[%arg0, %add3A_119, %dma_wait3A_136] : memref<2x10112x128xf32, #tpu.memory_space<hbm>> -> memref<1x120x128xf32, #tpu.memory_space<hbm>>
      %dma_wait3A_138 = tpu.memref_squeeze %dma_wait3A_137 : memref<1x120x128xf32, #tpu.memory_space<hbm>> -> memref<120x128xf32, #tpu.memory_space<hbm>>
      %dma_wait3A_139 = arith.constant 0 : i32
      %dma_wait3A_140 = tpu.memref_slice %arg6[%arg0, %add3A_119, %dma_wait3A_139] : memref<2x10112x128xf32, #tpu.memory_space<hbm>> -> memref<1x120x128xf32, #tpu.memory_space<hbm>>
      %dma_wait3A_141 = tpu.memref_squeeze %dma_wait3A_140 : memref<1x120x128xf32, #tpu.memory_space<hbm>> -> memref<120x128xf32, #tpu.memory_space<hbm>>
      %dma_wait3A_142 = arith.constant 0 : i32
      %dma_wait3A_143 = arith.constant 0 : i32
      %dma_wait3A_144 = tpu.memref_slice %arg9[%dma_wait3A_142, %dma_wait3A_143] : memref<128x128xf32, #tpu.memory_space<vmem>> -> memref<120x128xf32, #tpu.memory_space<vmem>>
      tpu.wait_dma2 semaphore(%run_scoped3A_120 : memref<!tpu.dma_semaphore, #tpu.memory_space<semaphore_mem>>) src(%dma_wait3A_144 : memref<120x128xf32, #tpu.memory_space<vmem>>) dst(%dma_wait3A_141 : memref<120x128xf32, #tpu.memory_space<hbm>>)
      tpu.yield
    }) : () -> ()
    return
  }
}

module attributes {stable_mosaic.version = 14 : i64} {
  func.func @_prep_body(%arg0: memref<4x10112xf32, #tpu.memory_space<vmem>>, %arg1: memref<10112x128xf32, #tpu.memory_space<vmem>>, %arg2: memref<10112x128xf32, #tpu.memory_space<vmem>>, %arg3: memref<10112x128xf32, #tpu.memory_space<vmem>>, %arg4: memref<10112x128xf32, #tpu.memory_space<vmem>>) attributes {dimension_semantics = [], scalar_prefetch = 0 : i64, scratch_operands = 0 : i64, tpu.core_type = #tpu.core_type<tc>} {
    %get3A = arith.constant 0 : index
    %get3A_0 = arith.constant 0 : index
    %get3A_1 = vector.load %arg0[%get3A, %get3A_0] : memref<4x10112xf32, #tpu.memory_space<vmem>>, vector<4x10112xf32>
    %transpose3A = tpu.transpose %get3A_1, [1, 0] : vector<4x10112xf32> -> vector<10112x4xf32>
    %slice3A = vector.extract_strided_slice %transpose3A {offsets = [0, 0], sizes = [10112, 1], strides = [1, 1]} : vector<10112x4xf32> to vector<10112x1xf32>
    %slice3A_2 = vector.extract_strided_slice %transpose3A {offsets = [0, 2], sizes = [10112, 1], strides = [1, 1]} : vector<10112x4xf32> to vector<10112x1xf32>
    %add3A = arith.addf %slice3A, %slice3A_2 : vector<10112x1xf32>
    %add3A_3 = arith.constant 1.000000e+00 : f32
    %add3A_4 = vector.broadcast %add3A_3 : f32 to vector<10112x1xf32>
    %add3A_5 = arith.addf %add3A, %add3A_4 : vector<10112x1xf32>
    %slice3A_6 = vector.extract_strided_slice %transpose3A {offsets = [0, 1], sizes = [10112, 1], strides = [1, 1]} : vector<10112x4xf32> to vector<10112x1xf32>
    %slice3A_7 = vector.extract_strided_slice %transpose3A {offsets = [0, 3], sizes = [10112, 1], strides = [1, 1]} : vector<10112x4xf32> to vector<10112x1xf32>
    %add3A_8 = arith.addf %slice3A_6, %slice3A_7 : vector<10112x1xf32>
    %add3A_9 = arith.constant 1.000000e+00 : f32
    %add3A_10 = vector.broadcast %add3A_9 : f32 to vector<10112x1xf32>
    %add3A_11 = arith.addf %add3A_8, %add3A_10 : vector<10112x1xf32>
    %rsqrt3A = math.rsqrt %add3A_5 : vector<10112x1xf32>
    %rsqrt3A_12 = math.rsqrt %add3A_11 : vector<10112x1xf32>
    %get3A_13 = arith.constant 0 : index
    %get3A_14 = arith.constant 0 : index
    %get3A_15 = vector.load %arg1[%get3A_13, %get3A_14] : memref<10112x128xf32, #tpu.memory_space<vmem>>, vector<10112x128xf32>
    %mul3A = vector.broadcast %rsqrt3A : vector<10112x1xf32> to vector<10112x128xf32>
    %mul3A_16 = arith.mulf %get3A_15, %mul3A : vector<10112x128xf32>
    %swap3A = arith.constant 0 : index
    %swap3A_17 = arith.constant 0 : index
    %swap3A_18 = vector.load %arg2[%swap3A, %swap3A_17] : memref<10112x128xf32, #tpu.memory_space<vmem>>, vector<10112x128xf32>
    tpu.vector_store %arg2[%swap3A, %swap3A_17], %mul3A_16 {strides = array<i32>} : memref<10112x128xf32, #tpu.memory_space<vmem>>, vector<10112x128xf32>,
    %broadcast_in_dim3A = vector.shape_cast %rsqrt3A_12 : vector<10112x1xf32> to vector<10112x1xf32>
    %broadcast_in_dim3A_19 = vector.broadcast %broadcast_in_dim3A : vector<10112x1xf32> to vector<10112x128xf32>
    %swap3A_20 = arith.constant 0 : index
    %swap3A_21 = arith.constant 0 : index
    %swap3A_22 = vector.load %arg3[%swap3A_20, %swap3A_21] : memref<10112x128xf32, #tpu.memory_space<vmem>>, vector<10112x128xf32>
    tpu.vector_store %arg3[%swap3A_20, %swap3A_21], %broadcast_in_dim3A_19 {strides = array<i32>} : memref<10112x128xf32, #tpu.memory_space<vmem>>, vector<10112x128xf32>,
    %broadcast_in_dim3A_23 = vector.shape_cast %rsqrt3A : vector<10112x1xf32> to vector<10112x1xf32>
    %broadcast_in_dim3A_24 = vector.broadcast %broadcast_in_dim3A_23 : vector<10112x1xf32> to vector<10112x128xf32>
    %swap3A_25 = arith.constant 0 : index
    %swap3A_26 = arith.constant 0 : index
    %swap3A_27 = vector.load %arg4[%swap3A_25, %swap3A_26] : memref<10112x128xf32, #tpu.memory_space<vmem>>, vector<10112x128xf32>
    tpu.vector_store %arg4[%swap3A_25, %swap3A_26], %broadcast_in_dim3A_24 {strides = array<i32>} : memref<10112x128xf32, #tpu.memory_space<vmem>>, vector<10112x128xf32>,
    return
  }
}

module attributes {stable_mosaic.version = 14 : i64} {
  func.func @_combine_body(%arg0: i32, %arg1: memref<2x1264x128xf32, #tpu.memory_space<vmem>>, %arg2: memref<1264x128xf32, #tpu.memory_space<vmem>>, %arg3: memref<1264x128xf32, #tpu.memory_space<vmem>>, %arg4: memref<1264x128xf32, #tpu.memory_space<vmem>>, %arg5: memref<128x128xf32, #tpu.memory_space<vmem>>, %arg6: memref<1x128xf32, #tpu.memory_space<vmem>>, %arg7: memref<1264x128xf32, #tpu.memory_space<vmem>>) attributes {dimension_semantics = [#tpu.dimension_semantics<arbitrary>], iteration_bounds = array<i64: 8>, scalar_prefetch = 0 : i64, scratch_operands = 0 : i64, tpu.core_type = #tpu.core_type<tc>, window_params = [{transform_indices = @transform_0, window_bounds = array<i64: 2, 1264, 128>}, {transform_indices = @transform_1, window_bounds = array<i64: 1264, 128>}, {transform_indices = @transform_2, window_bounds = array<i64: 1264, 128>}, {transform_indices = @transform_3, window_bounds = array<i64: 1264, 128>}, {pipeline_mode = #tpu.pipeline_mode<synchronous>, transform_indices = @transform_4, window_bounds = array<i64: 128, 128>}, {pipeline_mode = #tpu.pipeline_mode<synchronous>, transform_indices = @transform_5, window_bounds = array<i64: 1, 128>}, {transform_indices = @transform_6, window_bounds = array<i64: 1264, 128>}]} {
    %get3A = arith.constant 0 : index
    %get3A_0 = arith.constant 0 : index
    %get3A_1 = arith.constant 0 : index
    %get3A_2 = vector.load %arg1[%get3A, %get3A_0, %get3A_1] : memref<2x1264x128xf32, #tpu.memory_space<vmem>>, vector<1x1264x128xf32>
    %get3A_3 = vector.shape_cast %get3A_2 : vector<1x1264x128xf32> to vector<1264x128xf32>
    %get3A_4 = arith.constant 1 : index
    %get3A_5 = arith.constant 0 : index
    %get3A_6 = arith.constant 0 : index
    %get3A_7 = vector.load %arg1[%get3A_4, %get3A_5, %get3A_6] : memref<2x1264x128xf32, #tpu.memory_space<vmem>>, vector<1x1264x128xf32>
    %get3A_8 = vector.shape_cast %get3A_7 : vector<1x1264x128xf32> to vector<1264x128xf32>
    %add3A = arith.addf %get3A_3, %get3A_8 : vector<1264x128xf32>
    %get3A_9 = arith.constant 0 : index
    %get3A_10 = arith.constant 0 : index
    %get3A_11 = vector.load %arg2[%get3A_9, %get3A_10] : memref<1264x128xf32, #tpu.memory_space<vmem>>, vector<1264x128xf32>
    %add3A_12 = arith.addf %add3A, %get3A_11 : vector<1264x128xf32>
    %get3A_13 = arith.constant 0 : index
    %get3A_14 = arith.constant 0 : index
    %get3A_15 = vector.load %arg3[%get3A_13, %get3A_14] : memref<1264x128xf32, #tpu.memory_space<vmem>>, vector<1264x128xf32>
    %mul3A = arith.mulf %add3A_12, %get3A_15 : vector<1264x128xf32>
    %get3A_16 = arith.constant 0 : index
    %get3A_17 = arith.constant 0 : index
    %get3A_18 = vector.load %arg5[%get3A_16, %get3A_17] : memref<128x128xf32, #tpu.memory_space<vmem>>, vector<128x128xf32>
    %dot_general3A = arith.constant dense<0.000000e+00> : vector<1264x128xf32>
    %dot_general3A_19 = tpu.matmul %mul3A, %get3A_18, %dot_general3A {dimension_numbers = #tpu.dot_dimension_numbers<[1], [0], [0], [1], [0, 0, 1, 1], [], []>, transpose_lhs_hint = false} : vector<1264x128xf32>, vector<128x128xf32>, vector<1264x128xf32> -> vector<1264x128xf32>
    %get3A_20 = arith.constant 0 : index
    %get3A_21 = arith.constant 0 : index
    %get3A_22 = vector.load %arg6[%get3A_20, %get3A_21] : memref<1x128xf32, #tpu.memory_space<vmem>>, vector<1x128xf32>
    %add3A_23 = vector.broadcast %get3A_22 : vector<1x128xf32> to vector<1264x128xf32>
    %add3A_24 = arith.addf %dot_general3A_19, %add3A_23 : vector<1264x128xf32>
    %max3A = arith.constant 0.000000e+00 : f32
    %max3A_25 = vector.broadcast %max3A : f32 to vector<1264x128xf32>
    %max3A_26 = arith.maximumf %add3A_24, %max3A_25 : vector<1264x128xf32>
    %get3A_27 = arith.constant 0 : index
    %get3A_28 = arith.constant 0 : index
    %get3A_29 = vector.load %arg4[%get3A_27, %get3A_28] : memref<1264x128xf32, #tpu.memory_space<vmem>>, vector<1264x128xf32>
    %mul3A_30 = arith.mulf %max3A_26, %get3A_29 : vector<1264x128xf32>
    %swap3A = arith.constant 0 : index
    %swap3A_31 = arith.constant 0 : index
    %swap3A_32 = vector.load %arg7[%swap3A, %swap3A_31] : memref<1264x128xf32, #tpu.memory_space<vmem>>, vector<1264x128xf32>
    tpu.vector_store %arg7[%swap3A, %swap3A_31], %mul3A_30 {strides = array<i32>} : memref<1264x128xf32, #tpu.memory_space<vmem>>, vector<1264x128xf32>,
    return
  }
  func.func @transform_0(%arg0: i32) -> (i32, i32, i32) {
    %c0_i32 = arith.constant 0 : i32
    %c0_i32_0 = arith.constant 0 : i32
    %c0_i32_1 = arith.constant 0 : i32
    return %c0_i32, %arg0, %c0_i32_0 : i32, i32, i32
  }
  func.func @transform_1(%arg0: i32) -> (i32, i32) {
    %c0_i32 = arith.constant 0 : i32
    %c0_i32_0 = arith.constant 0 : i32
    return %arg0, %c0_i32 : i32, i32
  }
  func.func @transform_2(%arg0: i32) -> (i32, i32) {
    %c0_i32 = arith.constant 0 : i32
    %c0_i32_0 = arith.constant 0 : i32
    return %arg0, %c0_i32 : i32, i32
  }
  func.func @transform_3(%arg0: i32) -> (i32, i32) {
    %c0_i32 = arith.constant 0 : i32
    %c0_i32_0 = arith.constant 0 : i32
    return %arg0, %c0_i32 : i32, i32
  }
  func.func @transform_4(%arg0: i32) -> (i32, i32) {
    %c0_i32 = arith.constant 0 : i32
    %c0_i32_0 = arith.constant 0 : i32
    %c0_i32_1 = arith.constant 0 : i32
    return %c0_i32, %c0_i32_0 : i32, i32
  }
  func.func @transform_5(%arg0: i32) -> (i32, i32) {
    %c0_i32 = arith.constant 0 : i32
    %c0_i32_0 = arith.constant 0 : i32
    %c0_i32_1 = arith.constant 0 : i32
    return %c0_i32, %c0_i32_0 : i32, i32
  }
  func.func @transform_6(%arg0: i32) -> (i32, i32) {
    %c0_i32 = arith.constant 0 : i32
    %c0_i32_0 = arith.constant 0 : i32
    return %arg0, %c0_i32 : i32, i32
  }
}

module attributes {stable_mosaic.version = 14 : i64} {
  func.func @_combine_body(%arg0: i32, %arg1: memref<2x1000x128xf32, #tpu.memory_space<vmem>>, %arg2: memref<1000x128xf32, #tpu.memory_space<vmem>>, %arg3: memref<1000x128xf32, #tpu.memory_space<vmem>>, %arg4: memref<1000x128xf32, #tpu.memory_space<vmem>>, %arg5: memref<128x128xf32, #tpu.memory_space<vmem>>, %arg6: memref<1x128xf32, #tpu.memory_space<vmem>>, %arg7: memref<1000x128xf32, #tpu.memory_space<vmem>>) attributes {dimension_semantics = [#tpu.dimension_semantics<arbitrary>], iteration_bounds = array<i64: 10>, scalar_prefetch = 0 : i64, scratch_operands = 0 : i64, tpu.core_type = #tpu.core_type<tc>, window_params = [{transform_indices = @transform_0, window_bounds = array<i64: 2, 1000, 128>}, {transform_indices = @transform_1, window_bounds = array<i64: 1000, 128>}, {transform_indices = @transform_2, window_bounds = array<i64: 1000, 128>}, {transform_indices = @transform_3, window_bounds = array<i64: 1000, 128>}, {pipeline_mode = #tpu.pipeline_mode<synchronous>, transform_indices = @transform_4, window_bounds = array<i64: 128, 128>}, {pipeline_mode = #tpu.pipeline_mode<synchronous>, transform_indices = @transform_5, window_bounds = array<i64: 1, 128>}, {transform_indices = @transform_6, window_bounds = array<i64: 1000, 128>}]} {
    %get3A = arith.constant 0 : index
    %get3A_0 = arith.constant 0 : index
    %get3A_1 = arith.constant 0 : index
    %get3A_2 = vector.load %arg1[%get3A, %get3A_0, %get3A_1] : memref<2x1000x128xf32, #tpu.memory_space<vmem>>, vector<1x1000x128xf32>
    %get3A_3 = vector.shape_cast %get3A_2 : vector<1x1000x128xf32> to vector<1000x128xf32>
    %get3A_4 = arith.constant 1 : index
    %get3A_5 = arith.constant 0 : index
    %get3A_6 = arith.constant 0 : index
    %get3A_7 = vector.load %arg1[%get3A_4, %get3A_5, %get3A_6] : memref<2x1000x128xf32, #tpu.memory_space<vmem>>, vector<1x1000x128xf32>
    %get3A_8 = vector.shape_cast %get3A_7 : vector<1x1000x128xf32> to vector<1000x128xf32>
    %add3A = arith.addf %get3A_3, %get3A_8 : vector<1000x128xf32>
    %get3A_9 = arith.constant 0 : index
    %get3A_10 = arith.constant 0 : index
    %get3A_11 = vector.load %arg2[%get3A_9, %get3A_10] : memref<1000x128xf32, #tpu.memory_space<vmem>>, vector<1000x128xf32>
    %add3A_12 = arith.addf %add3A, %get3A_11 : vector<1000x128xf32>
    %get3A_13 = arith.constant 0 : index
    %get3A_14 = arith.constant 0 : index
    %get3A_15 = vector.load %arg3[%get3A_13, %get3A_14] : memref<1000x128xf32, #tpu.memory_space<vmem>>, vector<1000x128xf32>
    %mul3A = arith.mulf %add3A_12, %get3A_15 : vector<1000x128xf32>
    %get3A_16 = arith.constant 0 : index
    %get3A_17 = arith.constant 0 : index
    %get3A_18 = vector.load %arg5[%get3A_16, %get3A_17] : memref<128x128xf32, #tpu.memory_space<vmem>>, vector<128x128xf32>
    %dot_general3A = arith.constant dense<0.000000e+00> : vector<1000x128xf32>
    %dot_general3A_19 = tpu.matmul %mul3A, %get3A_18, %dot_general3A {dimension_numbers = #tpu.dot_dimension_numbers<[1], [0], [0], [1], [0, 0, 1, 1], [], []>, transpose_lhs_hint = false} : vector<1000x128xf32>, vector<128x128xf32>, vector<1000x128xf32> -> vector<1000x128xf32>
    %get3A_20 = arith.constant 0 : index
    %get3A_21 = arith.constant 0 : index
    %get3A_22 = vector.load %arg6[%get3A_20, %get3A_21] : memref<1x128xf32, #tpu.memory_space<vmem>>, vector<1x128xf32>
    %add3A_23 = vector.broadcast %get3A_22 : vector<1x128xf32> to vector<1000x128xf32>
    %add3A_24 = arith.addf %dot_general3A_19, %add3A_23 : vector<1000x128xf32>
    %swap3A = arith.constant 0 : index
    %swap3A_25 = arith.constant 0 : index
    %swap3A_26 = vector.load %arg7[%swap3A, %swap3A_25] : memref<1000x128xf32, #tpu.memory_space<vmem>>, vector<1000x128xf32>
    tpu.vector_store %arg7[%swap3A, %swap3A_25], %add3A_24 {strides = array<i32>} : memref<1000x128xf32, #tpu.memory_space<vmem>>, vector<1000x128xf32>,
    return
  }
  func.func @transform_0(%arg0: i32) -> (i32, i32, i32) {
    %c0_i32 = arith.constant 0 : i32
    %c0_i32_0 = arith.constant 0 : i32
    %c0_i32_1 = arith.constant 0 : i32
    return %c0_i32, %arg0, %c0_i32_0 : i32, i32, i32
  }
  func.func @transform_1(%arg0: i32) -> (i32, i32) {
    %c0_i32 = arith.constant 0 : i32
    %c0_i32_0 = arith.constant 0 : i32
    return %arg0, %c0_i32 : i32, i32
  }
  func.func @transform_2(%arg0: i32) -> (i32, i32) {
    %c0_i32 = arith.constant 0 : i32
    %c0_i32_0 = arith.constant 0 : i32
    return %arg0, %c0_i32 : i32, i32
  }
  func.func @transform_3(%arg0: i32) -> (i32, i32) {
    %c0_i32 = arith.constant 0 : i32
    %c0_i32_0 = arith.constant 0 : i32
    return %arg0, %c0_i32 : i32, i32
  }
  func.func @transform_4(%arg0: i32) -> (i32, i32) {
    %c0_i32 = arith.constant 0 : i32
    %c0_i32_0 = arith.constant 0 : i32
    %c0_i32_1 = arith.constant 0 : i32
    return %c0_i32, %c0_i32_0 : i32, i32
  }
  func.func @transform_5(%arg0: i32) -> (i32, i32) {
    %c0_i32 = arith.constant 0 : i32
    %c0_i32_0 = arith.constant 0 : i32
    %c0_i32_1 = arith.constant 0 : i32
    return %c0_i32, %c0_i32_0 : i32, i32
  }
  func.func @transform_6(%arg0: i32) -> (i32, i32) {
    %c0_i32 = arith.constant 0 : i32
    %c0_i32_0 = arith.constant 0 : i32
    return %arg0, %c0_i32 : i32, i32
  }
}

</mosaic_0001>

<sc_bundles>
// kernel: kernel.11.cloned.1.call-start
scs
__scs_entry_jumppad:
0x0: {  	(pc) =	sbr.rel $0x88, $3  }
0x1: {  	(tag) =	ssettag $0x0;
	lr =	simm.s32 $0x1  }
0x2: {  	[smem:$0x3F9B] =	sst lr;
	_ =	strace $0xD0000000  }
0x3: {  	_ = 	snop  }
0x4: {  	_ = 	snop  }
0x5: {  	_ = 	snop  }
0x6: {  	_ = 	snop  }
0x7: {  	_ = 	snop  }
__scs_overlays_trampoline_lowered:
0x8: {  	[smem:$0x3FAA] =	sst s0  }
0x9: {  	[smem:$0x3FAB] =	sst s1  }
0xa: {  	[smem:$0x3FAC] =	sst s2  }
0xb: {  	[smem:$0x3FAD] =	sst s3  }
0xc: {  	[smem:$0x3FAE] =	sst s4  }
0xd: {  	[smem:$0x3FAF] =	sst s5  }
0xe: {  	[smem:$0x3FB0] =	sst s6  }
0xf: {  	[smem:$0x3FB1] =	sst s7  }
0x10: {  	[smem:$0x3FB2] =	sst s8  }
0x11: {  	[smem:$0x3FB3] =	sst s9;
	s0 =	simm.s32 @!p0 $0x0  }
0x12: {  	s1 =	sld [smem:$0x3F99];
	s0 =	simm.s32 @p0 $0x1  }
0x13: {  	[smem:$0x3FB4] =	sst s0;
	s0 =	simm.s32 @!p1 $0x0  }
0x14: {  	s2 =	sld [smem:$0x3F98];
	s0 =	simm.s32 @p1 $0x1  }
0x15: {  	[smem:$0x3FB5] =	sst s0;
	s0 =	simm.s32 @!p2 $0x0  }
0x16: {  	s3 =	sld [smem:$0x3FDB];
	s0 =	simm.s32 @p2 $0x1  }
0x17: {  	s4 =	simm.s32 $0x1BF5;
	[smem:$0x3FB7] =	sst s0  }
0x18: {  	s0 =	sld [smem:$0x3F9A];
	_ =	swait.ge [sflag:s4], $0x0  }
0x19: {  	s7 =	sld [smem:$0x3F9B]  }
0x1a: {  	s8 =	sadd.s32 $0xFFFFE003, lr  }
0x1b: {  	s9 =	sadd.s32 $0xFFFFFEF7, lr;
	s5 =	simm.s32 $0xFFFFFFFF;
	p2 =	slt.u32 s8, $0xFFFFF086  }
0x1c: {  	p1 =	slt.u32 s9, $0xF7A;
	s5 =	simm.s32 @!p2 $0x0  }
0x1d: {  	s5 =	simm.s32 @p1 $0x1;
	p0 =	seq.s32 s7, s2  }
0x1e: {  	s7 =	smul.u32 @!p0 $0xF7A, s2;
	p2 =	seq.s32 @!p0 s5, $0x0  }
0x1f: {  	s9 =	smul.u32 $0xF7A, s1;
	s8 =	simm.s32 @!p0 $0x1BF5;
	p2 =	por !p2, p0  }
0x20: {  	[sflag:s8] =	ssyncset.s32 @!p0 $0xFFFFF086;
	s6 =	sadd.s32 @!p0 s3, s7;
	s7 =	simm.s32 @!p0 $0x108  }
0x21: {  	s3 =	sadd.s32 s3, s9;
	s6 =	sadd.s32 @!p0 $0x88, s6;
	s7 =	simm.s32 @p2 $0x1082  }
0x22: {  	[simem:s7], [sflag:s8] =	dma.local @!p0 [hbm:s6], $0xF7A  }
0x23: {  	s9 =	sor.u32 $0xD0000000, s2;
	s6 =	simm.s32 $0x108;
	_ =	swait.ge @!p0 [sflag:s8], $0x0  }
0x24: {  	s3 =	sadd.s32 $0x88, s3;
	s6 =	simm.s32 @!p1 $0x1082;
	[sflag:s4] =	ssyncset.s32 $0xFFFFF086  }
0x25: {  	[simem:s6], [sflag:s4] =	dma.local [hbm:s3], $0xF7A  }
0x26: {  	[smem:$0x3F9B] =	sst s1;
	(tag) =	ssettag s2;
	_ =	strace s9  }
0x27: {  	s1 =	sld [smem:$0x3FAB]  }
0x28: {  	s2 =	sld [smem:$0x3FAC]  }
0x29: {  	s4 =	sld [smem:$0x3FAE]  }
0x2a: {  	p0 =	seq.s32 s5, $0x0;
	s5 =	sld [smem:$0x3FAF]  }
0x2b: {  	s6 =	sld [smem:$0x3FB0]  }
0x2c: {  	s7 =	sld [smem:$0x3FB1]  }
0x2d: {  	s3 =	simm.s32 $0x108;
	s8 =	sld [smem:$0x3FB2]  }
0x2e: {  	s3 =	simm.s32 @!p0 $0x1082;
	s9 =	sld [smem:$0x3FB3]  }
0x2f: {  	lr =	sadd.s32 s0, s3;
	s0 =	sld [smem:$0x3FAA]  }
0x30: {  	s3 =	sld [smem:$0x3FAD]  }
0x31: {  	[smem:$0x3FB6] =	sst s10  }
0x32: {  	s10 =	sld [smem:$0x3FB4];
	_ =	sdelay $0x3  }
0x33: {  	p0 =	seq.s32 s10, $0x1;
	s10 =	sld [smem:$0x3FB6];
	_ =	sdelay $0x3  }
0x34: {  	[smem:$0x3FB6] =	sst s10  }
0x35: {  	s10 =	sld [smem:$0x3FB5];
	_ =	sdelay $0x3  }
0x36: {  	p1 =	seq.s32 s10, $0x1;
	s10 =	sld [smem:$0x3FB6];
	_ =	sdelay $0x3  }
0x37: {  	[smem:$0x3FB6] =	sst s10  }
0x38: {  	s10 =	sld [smem:$0x3FB7]  }
0x39: {  	_ = 	snop;
	(pc) =	sbr.ind lr, $3  }
0x3a: {  	_ = 	snop  }
0x3b: {  	_ = 	snop  }
0x3c: {  	p2 =	seq.s32 s10, $0x1;
	s10 =	sld [smem:$0x3FB6]  }
0x3d: {  	_ =	shalt  }
0x3e: {  	_ =	shalt  }
0x3f: {  	_ =	shalt  }
0x40: {  	_ =	shalt  }
0x41: {  	_ =	shalt  }
0x42: {  	_ =	shalt  }
0x43: {  	_ =	shalt  }
0x44: {  	_ =	shalt  }
0x45: {  	_ =	shalt  }
0x46: {  	_ =	shalt  }
0x47: {  	_ =	shalt  }
0x48: {  	_ =	shalt  }
0x49: {  	_ =	shalt  }
0x4a: {  	_ =	shalt  }
0x4b: {  	_ =	shalt  }
0x4c: {  	_ =	shalt  }
0x4d: {  	_ =	shalt  }
0x4e: {  	_ =	shalt  }
0x4f: {  	_ =	shalt  }
0x50: {  	_ =	shalt  }
0x51: {  	_ =	shalt  }
0x52: {  	_ =	shalt  }
0x53: {  	_ =	shalt  }
0x54: {  	_ =	shalt  }
0x55: {  	_ =	shalt  }
0x56: {  	_ =	shalt  }
0x57: {  	_ =	shalt  }
0x58: {  	_ =	shalt  }
0x59: {  	_ =	shalt  }
0x5a: {  	_ =	shalt  }
0x5b: {  	_ =	shalt  }
0x5c: {  	_ =	shalt  }
0x5d: {  	_ =	shalt  }
0x5e: {  	_ =	shalt  }
0x5f: {  	_ =	shalt  }
0x60: {  	_ =	shalt  }
0x61: {  	_ =	shalt  }
0x62: {  	_ =	shalt  }
0x63: {  	_ =	shalt  }
0x64: {  	_ =	shalt  }
0x65: {  	_ =	shalt  }
0x66: {  	_ =	shalt  }
0x67: {  	_ =	shalt  }
0x68: {  	_ =	shalt  }
0x69: {  	_ =	shalt  }
0x6a: {  	_ =	shalt  }
0x6b: {  	_ =	shalt  }
0x6c: {  	_ =	shalt  }
0x6d: {  	_ =	shalt  }
0x6e: {  	_ =	shalt  }
0x6f: {  	_ =	shalt  }
0x70: {  	_ =	shalt  }
0x71: {  	_ =	shalt  }
0x72: {  	_ =	shalt  }
0x73: {  	_ =	shalt  }
0x74: {  	_ =	shalt  }
0x75: {  	_ =	shalt  }
0x76: {  	_ =	shalt  }
0x77: {  	_ =	shalt  }
0x78: {  	_ =	shalt  }
0x79: {  	_ =	shalt  }
0x7a: {  	_ =	shalt  }
0x7b: {  	_ =	shalt  }
0x7c: {  	_ =	shalt  }
0x7d: {  	_ =	shalt  }
0x7e: {  	_ =	shalt  }
0x7f: {  	_ =	shalt  }
0x80: {  	_ =	shalt  }
0x81: {  	_ =	shalt  }
0x82: {  	_ =	shalt  }
0x83: {  	_ =	shalt  }
0x84: {  	_ =	shalt  }
0x85: {  	_ =	shalt  }
0x86: {  	_ =	shalt  }
0x87: {  	_ =	shalt  }
.Lfunc_end0:
.L_simem_size_0:
called_computation.1_lowered:
.L_overlay_start_0:
0x88: {  	s2 =	sld [smem:$0x3FD9]  }
0x89: {  	s3 =	sld [smem:$0x3FFE];
	_ =	sdelay $0x1  }
0x8a: {  	s1 =	srdreg.scid  }
0x8b: {  	s0 =	sand.u32 $0x1, s1  }
0x8c: {  	s17 =	sshll.u32 s0, $0xA;
	s2 =	sadd.s32 s3, s2  }
0x8d: {  	s2 =	sadd.s32 s2, s17  }
0x8e: {  	[smem:$0x3FC2] =	sst s2  }
0x8f: {  	_ = 	snop  }
0x90: {  	s2 =	sld [smem:$0x3FD0];
	(tm) =	ssettm $0x1  }
0x91: {  	s18 =	sld [smem:$0x3FFB];
	_ =	sdelay $0x3  }
0x92: {  	_ =	strace s18  }
0x93: {  	s3 =	sld [smem:$0x3FFC];
	_ =	sdelay $0x3  }
0x94: {  	_ =	strace s3  }
0x95: {  	s3 =	sld [smem:$0x3FFD];
	_ =	sdelay $0x3  }
0x96: {  	_ =	strace s3  }
0x97: {  	_ =	strace $0x8FFFFFFF  }
0x98: {  	s19 =	sld [smem:$0x3FDB];
	_ =	sdelay $0x1  }
0x99: {  	s4 =	simm.s32 $_scs_section_size  }
0x9a: {  	s5 =	simm.s32 $_size__tile_overlayer_lowered;
	s6 =	simm.s32 $_tile_overlayer_lowered  }
0x9b: {  	s22 =	simm.s32 $0x1BFF;
	s21 =	sshll.u32 s6, $0x1;
	s3 =	sadd.s32 s4, s19  }
0x9c: {  	s7 =	simm.s32 $0x0;
	s20 =	sshll.u32 s5, $0x1;
	s5 =	sadd.s32 s21, s3  }
0x9d: {  	[timem:s7], [sflag:s22] =	dma.local [hbm:s5], s20  }
0x9e: {  	_ =	swait.ge [sflag:s22], s20  }
0x9f: {  	s4 =	ssub.s32 $0x0, s20;
	[sflag:s22] =	ssyncset.done $0x0  }
0xa0: {  	[sflag:s22] =	ssyncadd.s32 s4;
	_ =	sdelay $0x1  }
0xa1: {  	s23 =	simm.s32 $0x1B8B  }
0xa2: {  	_ =	swait.ge [sflag:s23], $0x1  }
0xa3: {  	[sflag:s23] =	ssyncset.done $0x0  }
0xa4: {  	s25 =	simm.s32 $0x1B8E;
	s24 =	sld [smem:$0x3FFE];
	[sflag:s23] =	ssyncadd.s32 $0xFFFFFFFF  }
0xa5: {  	s26 =	simm.s32 $execute0_lowered;
	[smem:$0x3FD2] =	sst s25  }
0xa6: {  	s5 =	sshll.u32 s26, $0x1;
	_ =	strace $0x80000049;
	[dreg:$0x1] =	wrdreg $0xFFFFFFFF  }
0xa7: {  	s28 =	simm.s32 $_size_execute0_lowered;
	s3 =	sadd.s32 s3, s5;
	[dreg:$0x0] =	wrdreg $0x0  }
0xa8: {  	s5 =	sshll.u32 s28, $0x1;
	[dreg:$0x2] =	wrdreg s3  }
0xa9: {  	[dreg:$0x3] =	wrdreg s5  }
0xaa: {  	[dreg:$0x4] =	wrdreg $0xC0  }
0xab: {  	_ =	task [dreg:s7], $0x5FFFF  }
0xac: {  	[dreg:$0x1] =	wrdreg $0xFFFFFFFF  }
0xad: {  	[dreg:$0x0] =	wrdreg $0x60  }
0xae: {  	[dreg:$0x2] =	wrdreg s24  }
0xaf: {  	[dreg:$0x3] =	wrdreg s2  }
0xb0: {  	[dreg:$0x4] =	wrdreg $0xA8000  }
0xb1: {  	[dreg:$0x5] =	wrdreg $0x9  }
0xb2: {  	_ =	task.clear_ibuf [dreg:s7], $0x6FFFF;
	_ =	strace $0x90000049  }
0xb3: {  	s29 =	simm.s32 $0x9;
	_ =	strace $0x8000004B  }
0xb4: {  	_ =	swait.ge [sflag:s29], $0x1  }
0xb5: {  	[sflag:s29] =	ssyncadd.s32 $0xFFFFFFFF  }
0xb6: {  	_ =	strace $0x9000004B  }
0xb7: {  	_ =	sfence  }
0xb8: {  	s30 =	sld [smem:$0x0];
	_ =	sdelay $0x2  }
0xb9: {  	s31 =	sshll.u32 s1, $0xD;
	s1 =	sshrl.u32 s1, $0x2  }
0xba: {  	s3 =	sand.u32 $0x4000, s31;
	s1 =	sadd.s32 s1, s30  }
0xbb: {  	s0 =	sor.u32 s3, s0;
	s1 =	sshll.u32 s1, $0x11  }
0xbc: {  	s0 =	sor.u32 s1, s0  }
0xbd: {  	s0 =	sadd.s32 $0x8F2B, s0  }
0xbe: {  	[sflag:s0] =	ssyncadd.remote.s32 $0x1  }
0xbf: {  	_ =	sfence.sel $0xFFFF  }
0xc0: {  	[dreg:$0x0] =	wrdreg $0xFFFFFFFF;
	(pc) =	sbr.abs _section_cstart, $3  }
0xc1: {  	[dreg:$0x1] =	wrdreg $0xFFFFFFFF  }
0xc2: {  	_ =	task.clear_ibuf [dreg:s7], $0x2FFFF;
	_ =	strace $0x9FFFFFFF  }
0xc3: {  	(tm) =	ssettm $0x7FFFFFFF  }
tec
execute0_lowered:
.L_overlay_start_1:
0x0: {  	(tag) =	ssettag $0x1  }
0x1: {  	s0 =	rddreg [dreg:$0x0]  }
0x2: {  	s3 =	rddreg [dreg:$0x1]  }
0x3: {  	s1 =	rddreg [dreg:$0x2];
	s2 =	simm.s32 $0x0  }
0x4: {  	s6 =	srdreg.scid;
	s10 =	stileid.u32;
	s28 =	simm.s32 $0x2  }
0x5: {  	s29 =	simm.s32 $0x1380;
	s30 =	simm.s32 $0x2700;
	s31 =	simm.s32 $0x2780  }
0x6: {  	[smem:$0x7FF] =	sst s2;
	s4 =	sadd.s32 $0xC600, s0;
	s5 =	sadd.s32 $0x2600, s0  }
0x7: {  	s7 =	sadd.s32 $0x33E00, s0;
	s11 =	sand.u32 $0x1, s6;
	s24 =	smul.u32 $0x4F000, s10  }
0x8: {  	s0 =	sadd.s32 $0x34600, s0;
	s9 =	sshll.u32 s10, $0x1;
	s13 =	smul.u32 $0x13C00, s10  }
0x9: {  	_ =	strace $0x8000004A;
	[dreg:$0x4] =	wrdreg s7;
	s6 =	ssub.s32 $0x2, s11  }
0xa: {  	s9 =	sor.u32 s11, s9;
	s21 =	smul.u32 $0x13C000, s11;
	s8 =	sshrl.u32 s6, $0x1  }
0xb: {  	s25 =	sshrl.u32 s24, $0x2;
	s14 =	sadd.s32 $0x4000, s13;
	s17 =	sadd.s32 $0x8000, s13  }
0xc: {  	s12 =	smul.u32 $0x500, s9;
	s18 =	sadd.s32 $0xC000, s13;
	s19 =	sadd.s32 $0x10000, s13  }
0xd: {  	s15 =	smul.u32 $0x2800, s9;
	s20 =	ssub.s32 s6, s8;
	s6 =	sadd.s32 s25, s1  }
0xe: {  	s7 =	sadd.s32 s14, s1;
	s8 =	sadd.s32 s17, s1;
	s9 =	sadd.s32 s18, s1  }
0xf: {  	s10 =	sadd.s32 s19, s1;
	s14 =	sadd.s32 s21, s14;
	s24 =	sadd.s32 s21, s17  }
0x10: {  	s25 =	sadd.s32 s21, s18;
	s26 =	sadd.s32 s5, s12;
	s16 =	sadd.s32 s3, s12  }
0x11: {  	s15 =	sshrl.u32 s15, $0x3;
	s23 =	sshrl.u32 s14, $0x3;
	[dreg:$0x5] =	wrdreg s26  }
0x12: {  	s20 =	smax.u32 s20, $0x1;
	[dreg:$0x6] =	wrdreg s16;
	s15 =	sadd.s32 $0x280, s15  }
0x13: {  	s16 =	sadd.s32 s13, s21;
	s26 =	sadd.s32 s21, s19;
	s21 =	simm.s32 $0x2800  }
0x14: {  	s5 =	sadd.s32 s5, s15;
	s22 =	sshrl.u32 s16, $0x3;
	s14 =	sadd.s32 s3, s15  }
0x15: {  	s16 =	sadd.s32 s0, s23;
	s3 =	sshrl.u32 s24, $0x3;
	s19 =	sshrl.u32 s26, $0x3  }
0x16: {  	s23 =	simm.s32 $0x1400;
	s24 =	simm.s32 $0x80;
	s26 =	simm.s32 $0x1  }
0x17: {  	[dreg:$0x7] =	wrdreg s5;
	s15 =	sadd.s32 s0, s22;
	s5 =	sshrl.u32 s25, $0x3  }
0x18: {  	s17 =	sadd.s32 s0, s3;
	s19 =	sadd.s32 s0, s19;
	s22 =	simm.s32 $0x3  }
0x19: {  	s25 =	simm.s32 $0x6800;
	s18 =	sadd.s32 s0, s5;
	s0 =	simm.s32 $0x0  }
.LBB2_1:
0x1a: {  	s3 =	rddreg [dreg:$0x4]  }
0x1b: {  	[tilespmem:s21], [sflag:$0x3] =	stream.linear.gather [hbm4b:s3+s2], $0x4000, $0x38;
	[tilespmem:$0x1E400] =	vst v63  }
0x1c: {  	_ =	swait.ge [sflag:s22], $0x4000  }
0x1d: {  	[sflag:s22] =	ssyncset.done $0x0  }
0x1e: {  	[sflag:s22] =	ssyncadd.s32 $0xFFFFC000  }
0x1f: {  	[spmem:s6] =	stream.linear.scatter [tilespmem:s21], [sflag:$0x3], $0x4000, $0x38;
	[tilespmem:$0x1E400] =	vst v63  }
0x20: {  	_ =	swait.ge [sflag:s22], $0x4000  }
0x21: {  	[sflag:s22] =	ssyncset.done $0x0  }
0x22: {  	[sflag:s22] =	ssyncadd.s32 $0xFFFFC000  }
0x23: {  	[spmem:s7] =	stream.linear.scatter [tilespmem:s21], [sflag:$0x3], $0x4000, $0x38;
	[tilespmem:$0x1E400] =	vst v63  }
0x24: {  	_ =	swait.ge [sflag:s22], $0x4000  }
0x25: {  	[sflag:s22] =	ssyncset.done $0x0  }
0x26: {  	[sflag:s22] =	ssyncadd.s32 $0xFFFFC000  }
0x27: {  	[spmem:s8] =	stream.linear.scatter [tilespmem:s21], [sflag:$0x3], $0x4000, $0x38;
	[tilespmem:$0x1E400] =	vst v63  }
0x28: {  	_ =	swait.ge [sflag:s22], $0x4000  }
0x29: {  	[sflag:s22] =	ssyncset.done $0x0  }
0x2a: {  	[sflag:s22] =	ssyncadd.s32 $0xFFFFC000  }
0x2b: {  	[spmem:s9] =	stream.linear.scatter [tilespmem:s21], [sflag:$0x3], $0x4000, $0x38;
	[tilespmem:$0x1E400] =	vst v63  }
0x2c: {  	_ =	swait.ge [sflag:s22], $0x4000  }
0x2d: {  	[sflag:s22] =	ssyncset.done $0x0  }
0x2e: {  	[sflag:s22] =	ssyncadd.s32 $0xFFFFC000  }
0x2f: {  	[spmem:s10] =	stream.linear.scatter [tilespmem:s21], [sflag:$0x3], $0x3C00, $0x38;
	[tilespmem:$0x1E400] =	vst v63  }
0x30: {  	_ =	swait.ge [sflag:s22], $0x3C00  }
0x31: {  	[sflag:s22] =	ssyncset.done $0x0  }
0x32: {  	[sflag:s22] =	ssyncadd.s32 $0xFFFFC400  }
0x33: {  	[bflag:$0x0] =	sbarrier.arrive $0xFFFF  }
0x34: {  	s12 =	rddreg [dreg:$0x5]  }
0x35: {  	[tilespmem:s2], [sflag:$0x3] =	stream.linear.gather [hbm4b:s12+s2], $0x1400, $0x38;
	[tilespmem:$0x1E400] =	vst v63  }
0x36: {  	_ =	swait.ge [sflag:s22], $0x1400  }
0x37: {  	[sflag:s22] =	ssyncset.done $0x0  }
0x38: {  	s13 =	rddreg [dreg:$0x6];
	[sflag:s22] =	ssyncadd.s32 $0xFFFFEC00  }
0x39: {  	[tilespmem:s23], [sflag:$0x3] =	stream.linear.gather [hbm4b:s13+s2], $0x1400, $0x38;
	[tilespmem:$0x1E400] =	vst v63  }
0x3a: {  	_ =	swait.ge [sflag:s22], $0x1400  }
0x3b: {  	[sflag:s22] =	ssyncset.done $0x0  }
0x3c: {  	[sflag:s22] =	ssyncadd.s32 $0xFFFFEC00  }
0x3d: {  	[tilespmem:s21], [sflag:$0x1] =	stream.indirect.gather [hbm4b:s4+s24], $0x80, s2, s24, $0xb8;
	[tilespmem:$0x1E400] =	vst v63  }
0x3e: {  	s5 =	simm.s32 $0x80  }
0x3f: {  	[tilespmem:s25], [sflag:$0x2] =	stream.indirect.gather [hbm4b:s4+s24], $0x80, s5, s24, $0xb8;
	[tilespmem:$0x1E400] =	vst v63  }
0x40: {  	_ =	swait.ge [sflag:s26], $0x4000  }
0x41: {  	[sflag:s26] =	ssyncset.done $0x0  }
0x42: {  	s11 =	simm.s32 $0x1400;
	[sflag:s26] =	ssyncadd.s32 $0xFFFFC000  }
0x43: {  	[spmem:s1] =	stream.indirect.scatter.add.f32 [tilespmem:s21], [sflag:$0x3], $0x80, s11, s24, $0xb8;
	[tilespmem:$0x1E400] =	vst v63  }
0x44: {  	_ =	swait.ge [sflag:s22], $0x4000  }
0x45: {  	[sflag:s22] =	ssyncset.done $0x0  }
0x46: {  	s12 =	simm.s32 $0x100;
	[sflag:s22] =	ssyncadd.s32 $0xFFFFC000  }
0x47: {  	[tilespmem:s21], [sflag:$0x1] =	stream.indirect.gather [hbm4b:s4+s24], $0x80, s12, s24, $0xb8;
	[tilespmem:$0x1E400] =	vst v63  }
0x48: {  	_ =	swait.ge [sflag:s28], $0x4000  }
0x49: {  	[sflag:s28] =	ssyncset.done $0x0  }
0x4a: {  	s13 =	simm.s32 $0x1480;
	[sflag:s28] =	ssyncadd.s32 $0xFFFFC000  }
0x4b: {  	[spmem:s1] =	stream.indirect.scatter.add.f32 [tilespmem:s25], [sflag:$0x3], $0x80, s13, s24, $0xb8;
	[tilespmem:$0x1E400] =	vst v63  }
0x4c: {  	_ =	swait.ge [sflag:s22], $0x4000  }
0x4d: {  	s3 =	simm.s32 $0x100;
	s5 =	simm.s32 $0x800;
	[sflag:s22] =	ssyncset.done $0x0  }
.LBB2_2:
0x4e: {  	s11 =	sadd.s32 $0x80, s3  }
0x4f: {  	[sflag:s22] =	ssyncadd.s32 $0xFFFFC000;
	s12 =	smov.u32 s5;
	s13 =	sadd.s32 $0x400, s5  }
0x50: {  	[tilespmem:s25], [sflag:$0x2] =	stream.indirect.gather [hbm4b:s4+s24], $0x80, s11, s24, $0xb8;
	[tilespmem:$0x1E400] =	vst v63  }
0x51: {  	p0 =	sne.s32 s5, $0x4800;
	_ =	swait.ge [sflag:s26], $0x4000  }
0x52: {  	[sflag:s26] =	ssyncset.done $0x0  }
0x53: {  	s5 =	sadd.s32 $0x1400, s3;
	[sflag:s26] =	ssyncadd.s32 $0xFFFFC000  }
0x54: {  	[spmem:s1] =	stream.indirect.scatter.add.f32 [tilespmem:s21], [sflag:$0x3], $0x80, s5, s24, $0xb8;
	[tilespmem:$0x1E400] =	vst v63  }
0x55: {  	_ =	swait.ge [sflag:s22], $0x4000  }
0x56: {  	[sflag:s22] =	ssyncset.done $0x0  }
0x57: {  	s5 =	sadd.s32 $0x100, s3;
	[sflag:s22] =	ssyncadd.s32 $0xFFFFC000  }
0x58: {  	[tilespmem:s21], [sflag:$0x1] =	stream.indirect.gather [hbm4b:s4+s24], $0x80, s5, s24, $0xb8;
	[tilespmem:$0x1E400] =	vst v63  }
0x59: {  	_ =	swait.ge [sflag:s28], $0x4000  }
.Ltmp0:
0x5a: {  	[sflag:s28] =	ssyncset.done $0x0;
	(pc) =	sbr.rel @p0 .LBB2_2-.Ltmp0, $4  }
0x5b: {  	s3 =	sadd.s32 $0x1480, s3;
	[sflag:s28] =	ssyncadd.s32 $0xFFFFC000  }
0x5c: {  	[spmem:s1] =	stream.indirect.scatter.add.f32 [tilespmem:s25], [sflag:$0x3], $0x80, s3, s24, $0xb8;
	[tilespmem:$0x1E400] =	vst v63  }
0x5d: {  	_ =	swait.ge [sflag:s22], $0x4000  }
0x5e: {  	s5 =	smov.u32 s13;
	s3 =	sshra.s32 s12, $0x2;
	[sflag:s22] =	ssyncset.done $0x0  }
0x5f: {  	s5 =	sadd.s32 $0x80, s3;
	[sflag:s22] =	ssyncadd.s32 $0xFFFFC000  }
0x60: {  	[tilespmem:s25], [sflag:$0x2] =	stream.indirect.gather [hbm4b:s4+s24], $0x80, s5, s24, $0xb8;
	[tilespmem:$0x1E400] =	vst v63  }
0x61: {  	_ =	swait.ge [sflag:s26], $0x4000  }
0x62: {  	[sflag:s26] =	ssyncset.done $0x0  }
0x63: {  	s12 =	sadd.s32 $0x1400, s3;
	[sflag:s26] =	ssyncadd.s32 $0xFFFFC000  }
0x64: {  	[spmem:s1] =	stream.indirect.scatter.add.f32 [tilespmem:s21], [sflag:$0x3], $0x80, s12, s24, $0xb8;
	[tilespmem:$0x1E400] =	vst v63  }
0x65: {  	_ =	swait.ge [sflag:s22], $0x4000  }
0x66: {  	[sflag:s22] =	ssyncset.done $0x0  }
0x67: {  	s13 =	sadd.s32 $0x100, s3;
	[sflag:s22] =	ssyncadd.s32 $0xFFFFC000  }
0x68: {  	[tilespmem:s21], [sflag:$0x1] =	stream.indirect.gather [hbm4b:s4+s24], $0x80, s13, s24, $0xb8;
	[tilespmem:$0x1E400] =	vst v63  }
0x69: {  	_ =	swait.ge [sflag:s28], $0x4000  }
0x6a: {  	[sflag:s28] =	ssyncset.done $0x0  }
0x6b: {  	s11 =	sadd.s32 $0x1480, s3;
	[sflag:s28] =	ssyncadd.s32 $0xFFFFC000  }
0x6c: {  	[spmem:s1] =	stream.indirect.scatter.add.f32 [tilespmem:s25], [sflag:$0x3], $0x80, s11, s24, $0xb8;
	[tilespmem:$0x1E400] =	vst v63  }
0x6d: {  	_ =	swait.ge [sflag:s22], $0x4000  }
0x6e: {  	[sflag:s22] =	ssyncset.done $0x0  }
0x6f: {  	[sflag:s22] =	ssyncadd.s32 $0xFFFFC000  }
0x70: {  	[tilespmem:s25], [sflag:$0x2] =	stream.indirect.gather [hbm4b:s4+s24], $0x80, s29, s24, $0xb8;
	[tilespmem:$0x1E400] =	vst v63  }
0x71: {  	_ =	swait.ge [sflag:s26], $0x4000  }
0x72: {  	[sflag:s26] =	ssyncset.done $0x0  }
0x73: {  	[sflag:s26] =	ssyncadd.s32 $0xFFFFC000  }
0x74: {  	[spmem:s1] =	stream.indirect.scatter.add.f32 [tilespmem:s21], [sflag:$0x3], $0x80, s30, s24, $0xb8;
	[tilespmem:$0x1E400] =	vst v63  }
0x75: {  	_ =	swait.ge [sflag:s22], $0x4000  }
0x76: {  	[sflag:s22] =	ssyncset.done $0x0  }
0x77: {  	[sflag:s22] =	ssyncadd.s32 $0xFFFFC000  }
0x78: {  	_ =	swait.ge [sflag:s28], $0x4000  }
0x79: {  	[sflag:s28] =	ssyncset.done $0x0  }
0x7a: {  	[sflag:s28] =	ssyncadd.s32 $0xFFFFC000  }
0x7b: {  	[spmem:s1] =	stream.indirect.scatter.add.f32 [tilespmem:s25], [sflag:$0x3], $0x80, s31, s24, $0xb8;
	[tilespmem:$0x1E400] =	vst v63  }
0x7c: {  	_ =	swait.ge [sflag:s22], $0x4000  }
0x7d: {  	[sflag:s22] =	ssyncset.done $0x0  }
0x7e: {  	s12 =	simm.s32 $0x0;
	s13 =	rddreg [dreg:$0x7];
	[sflag:s22] =	ssyncadd.s32 $0xFFFFC000  }
0x7f: {  	[tilespmem:s12], [sflag:$0x3] =	stream.linear.gather [hbm4b:s13+s12], $0x1400, $0x38;
	[tilespmem:$0x1E400] =	vst v63  }
0x80: {  	_ =	swait.ge [sflag:s22], $0x1400  }
0x81: {  	[sflag:s22] =	ssyncset.done $0x0  }
0x82: {  	[sflag:s22] =	ssyncadd.s32 $0xFFFFEC00  }
0x83: {  	[tilespmem:s23], [sflag:$0x3] =	stream.linear.gather [hbm4b:s14+s12], $0x1400, $0x38;
	[tilespmem:$0x1E400] =	vst v63  }
0x84: {  	_ =	swait.ge [sflag:s22], $0x1400  }
0x85: {  	[sflag:s22] =	ssyncset.done $0x0  }
0x86: {  	[sflag:s22] =	ssyncadd.s32 $0xFFFFEC00  }
0x87: {  	[tilespmem:s21], [sflag:$0x1] =	stream.indirect.gather [hbm4b:s4+s24], $0x80, s12, s24, $0xb8;
	[tilespmem:$0x1E400] =	vst v63  }
0x88: {  	s5 =	simm.s32 $0x80  }
0x89: {  	[tilespmem:s25], [sflag:$0x2] =	stream.indirect.gather [hbm4b:s4+s24], $0x80, s5, s24, $0xb8;
	[tilespmem:$0x1E400] =	vst v63  }
0x8a: {  	_ =	swait.ge [sflag:s26], $0x4000  }
0x8b: {  	[sflag:s26] =	ssyncset.done $0x0  }
0x8c: {  	s11 =	simm.s32 $0x1400;
	[sflag:s26] =	ssyncadd.s32 $0xFFFFC000  }
0x8d: {  	[spmem:s1] =	stream.indirect.scatter.add.f32 [tilespmem:s21], [sflag:$0x3], $0x80, s11, s24, $0xb8;
	[tilespmem:$0x1E400] =	vst v63  }
0x8e: {  	_ =	swait.ge [sflag:s22], $0x4000  }
0x8f: {  	[sflag:s22] =	ssyncset.done $0x0  }
0x90: {  	s12 =	simm.s32 $0x100;
	[sflag:s22] =	ssyncadd.s32 $0xFFFFC000  }
0x91: {  	[tilespmem:s21], [sflag:$0x1] =	stream.indirect.gather [hbm4b:s4+s24], $0x80, s12, s24, $0xb8;
	[tilespmem:$0x1E400] =	vst v63  }
0x92: {  	_ =	swait.ge [sflag:s28], $0x4000  }
0x93: {  	[sflag:s28] =	ssyncset.done $0x0  }
0x94: {  	s13 =	simm.s32 $0x1480;
	[sflag:s28] =	ssyncadd.s32 $0xFFFFC000  }
0x95: {  	[spmem:s1] =	stream.indirect.scatter.add.f32 [tilespmem:s25], [sflag:$0x3], $0x80, s13, s24, $0xb8;
	[tilespmem:$0x1E400] =	vst v63  }
0x96: {  	_ =	swait.ge [sflag:s22], $0x4000  }
0x97: {  	s3 =	simm.s32 $0x100;
	s5 =	simm.s32 $0x800;
	[sflag:s22] =	ssyncset.done $0x0  }
.LBB2_4:
0x98: {  	s11 =	sadd.s32 $0x80, s3  }
0x99: {  	[sflag:s22] =	ssyncadd.s32 $0xFFFFC000;
	s12 =	smov.u32 s5;
	s13 =	sadd.s32 $0x400, s5  }
0x9a: {  	[tilespmem:s25], [sflag:$0x2] =	stream.indirect.gather [hbm4b:s4+s24], $0x80, s11, s24, $0xb8;
	[tilespmem:$0x1E400] =	vst v63  }
0x9b: {  	p0 =	sne.s32 s5, $0x4800;
	_ =	swait.ge [sflag:s26], $0x4000  }
0x9c: {  	[sflag:s26] =	ssyncset.done $0x0  }
0x9d: {  	s5 =	sadd.s32 $0x1400, s3;
	[sflag:s26] =	ssyncadd.s32 $0xFFFFC000  }
0x9e: {  	[spmem:s1] =	stream.indirect.scatter.add.f32 [tilespmem:s21], [sflag:$0x3], $0x80, s5, s24, $0xb8;
	[tilespmem:$0x1E400] =	vst v63  }
0x9f: {  	_ =	swait.ge [sflag:s22], $0x4000  }
0xa0: {  	[sflag:s22] =	ssyncset.done $0x0  }
0xa1: {  	s5 =	sadd.s32 $0x100, s3;
	[sflag:s22] =	ssyncadd.s32 $0xFFFFC000  }
0xa2: {  	[tilespmem:s21], [sflag:$0x1] =	stream.indirect.gather [hbm4b:s4+s24], $0x80, s5, s24, $0xb8;
	[tilespmem:$0x1E400] =	vst v63  }
0xa3: {  	_ =	swait.ge [sflag:s28], $0x4000  }
.Ltmp1:
0xa4: {  	[sflag:s28] =	ssyncset.done $0x0;
	(pc) =	sbr.rel @p0 .LBB2_4-.Ltmp1, $4  }
0xa5: {  	s3 =	sadd.s32 $0x1480, s3;
	[sflag:s28] =	ssyncadd.s32 $0xFFFFC000  }
0xa6: {  	[spmem:s1] =	stream.indirect.scatter.add.f32 [tilespmem:s25], [sflag:$0x3], $0x80, s3, s24, $0xb8;
	[tilespmem:$0x1E400] =	vst v63  }
0xa7: {  	_ =	swait.ge [sflag:s22], $0x4000  }
0xa8: {  	s5 =	smov.u32 s13;
	s3 =	sshra.s32 s12, $0x2;
	[sflag:s22] =	ssyncset.done $0x0  }
0xa9: {  	s5 =	sadd.s32 $0x80, s3;
	[sflag:s22] =	ssyncadd.s32 $0xFFFFC000  }
0xaa: {  	[tilespmem:s25], [sflag:$0x2] =	stream.indirect.gather [hbm4b:s4+s24], $0x80, s5, s24, $0xb8;
	[tilespmem:$0x1E400] =	vst v63  }
0xab: {  	_ =	swait.ge [sflag:s26], $0x4000  }
0xac: {  	[sflag:s26] =	ssyncset.done $0x0  }
0xad: {  	s11 =	sadd.s32 $0x1400, s3;
	[sflag:s26] =	ssyncadd.s32 $0xFFFFC000  }
0xae: {  	[spmem:s1] =	stream.indirect.scatter.add.f32 [tilespmem:s21], [sflag:$0x3], $0x80, s11, s24, $0xb8;
	[tilespmem:$0x1E400] =	vst v63  }
0xaf: {  	_ =	swait.ge [sflag:s22], $0x4000  }
0xb0: {  	[sflag:s22] =	ssyncset.done $0x0  }
0xb1: {  	s12 =	sadd.s32 $0x100, s3;
	[sflag:s22] =	ssyncadd.s32 $0xFFFFC000  }
0xb2: {  	[tilespmem:s21], [sflag:$0x1] =	stream.indirect.gather [hbm4b:s4+s24], $0x80, s12, s24, $0xb8;
	[tilespmem:$0x1E400] =	vst v63  }
0xb3: {  	_ =	swait.ge [sflag:s28], $0x4000  }
0xb4: {  	[sflag:s28] =	ssyncset.done $0x0  }
0xb5: {  	s13 =	sadd.s32 $0x1480, s3;
	[sflag:s28] =	ssyncadd.s32 $0xFFFFC000  }
0xb6: {  	[spmem:s1] =	stream.indirect.scatter.add.f32 [tilespmem:s25], [sflag:$0x3], $0x80, s13, s24, $0xb8;
	[tilespmem:$0x1E400] =	vst v63  }
0xb7: {  	_ =	swait.ge [sflag:s22], $0x4000  }
0xb8: {  	[sflag:s22] =	ssyncset.done $0x0  }
0xb9: {  	[sflag:s22] =	ssyncadd.s32 $0xFFFFC000  }
0xba: {  	[tilespmem:s25], [sflag:$0x2] =	stream.indirect.gather [hbm4b:s4+s24], $0x80, s29, s24, $0xb8;
	[tilespmem:$0x1E400] =	vst v63  }
0xbb: {  	_ =	swait.ge [sflag:s26], $0x4000  }
0xbc: {  	[sflag:s26] =	ssyncset.done $0x0  }
0xbd: {  	[sflag:s26] =	ssyncadd.s32 $0xFFFFC000  }
0xbe: {  	[spmem:s1] =	stream.indirect.scatter.add.f32 [tilespmem:s21], [sflag:$0x3], $0x80, s30, s24, $0xb8;
	[tilespmem:$0x1E400] =	vst v63  }
0xbf: {  	_ =	swait.ge [sflag:s22], $0x4000  }
0xc0: {  	[sflag:s22] =	ssyncset.done $0x0  }
0xc1: {  	[sflag:s22] =	ssyncadd.s32 $0xFFFFC000  }
0xc2: {  	_ =	swait.ge [sflag:s28], $0x4000  }
0xc3: {  	[sflag:s28] =	ssyncset.done $0x0  }
0xc4: {  	[sflag:s28] =	ssyncadd.s32 $0xFFFFC000  }
0xc5: {  	[spmem:s1] =	stream.indirect.scatter.add.f32 [tilespmem:s25], [sflag:$0x3], $0x80, s31, s24, $0xb8;
	[tilespmem:$0x1E400] =	vst v63  }
0xc6: {  	_ =	swait.ge [sflag:s22], $0x4000  }
0xc7: {  	[sflag:s22] =	ssyncset.done $0x0  }
0xc8: {  	[sflag:s22] =	ssyncadd.s32 $0xFFFFC000  }
0xc9: {  	[bflag:$0x0] =	sbarrier.arrive $0xFFFF  }
0xca: {  	[tilespmem:s21], [sflag:$0x3] =	stream.linear.gather [spmem:s6], $0x4000, $0x38;
	[tilespmem:$0x1E400] =	vst v63  }
0xcb: {  	_ =	swait.ge [sflag:s22], $0x4000  }
0xcc: {  	[sflag:s22] =	ssyncset.done $0x0  }
0xcd: {  	[sflag:s22] =	ssyncadd.s32 $0xFFFFC000  }
0xce: {  	[hbm4b:s15+s2] =	stream.linear.scatter [tilespmem:s21], [sflag:$0x3], $0x4000, $0x38;
	[tilespmem:$0x1E400] =	vst v63  }
0xcf: {  	_ =	swait.ge [sflag:s22], $0x4000  }
0xd0: {  	[sflag:s22] =	ssyncset.done $0x0  }
0xd1: {  	[sflag:s22] =	ssyncadd.s32 $0xFFFFC000  }
0xd2: {  	[tilespmem:s21], [sflag:$0x3] =	stream.linear.gather [spmem:s7], $0x4000, $0x38;
	[tilespmem:$0x1E400] =	vst v63  }
0xd3: {  	_ =	swait.ge [sflag:s22], $0x4000  }
0xd4: {  	[sflag:s22] =	ssyncset.done $0x0  }
0xd5: {  	[sflag:s22] =	ssyncadd.s32 $0xFFFFC000  }
0xd6: {  	[hbm4b:s16+s2] =	stream.linear.scatter [tilespmem:s21], [sflag:$0x3], $0x4000, $0x38;
	[tilespmem:$0x1E400] =	vst v63  }
0xd7: {  	_ =	swait.ge [sflag:s22], $0x4000  }
0xd8: {  	[sflag:s22] =	ssyncset.done $0x0  }
0xd9: {  	[sflag:s22] =	ssyncadd.s32 $0xFFFFC000  }
0xda: {  	[tilespmem:s21], [sflag:$0x3] =	stream.linear.gather [spmem:s8], $0x4000, $0x38;
	[tilespmem:$0x1E400] =	vst v63  }
0xdb: {  	_ =	swait.ge [sflag:s22], $0x4000  }
0xdc: {  	[sflag:s22] =	ssyncset.done $0x0  }
0xdd: {  	[sflag:s22] =	ssyncadd.s32 $0xFFFFC000  }
0xde: {  	[hbm4b:s17+s2] =	stream.linear.scatter [tilespmem:s21], [sflag:$0x3], $0x4000, $0x38;
	[tilespmem:$0x1E400] =	vst v63  }
0xdf: {  	_ =	swait.ge [sflag:s22], $0x4000  }
0xe0: {  	[sflag:s22] =	ssyncset.done $0x0  }
0xe1: {  	[sflag:s22] =	ssyncadd.s32 $0xFFFFC000  }
0xe2: {  	[tilespmem:s21], [sflag:$0x3] =	stream.linear.gather [spmem:s9], $0x4000, $0x38;
	[tilespmem:$0x1E400] =	vst v63  }
0xe3: {  	_ =	swait.ge [sflag:s22], $0x4000  }
0xe4: {  	[sflag:s22] =	ssyncset.done $0x0  }
0xe5: {  	[sflag:s22] =	ssyncadd.s32 $0xFFFFC000  }
0xe6: {  	[hbm4b:s18+s2] =	stream.linear.scatter [tilespmem:s21], [sflag:$0x3], $0x4000, $0x38;
	[tilespmem:$0x1E400] =	vst v63  }
0xe7: {  	_ =	swait.ge [sflag:s22], $0x4000  }
0xe8: {  	[sflag:s22] =	ssyncset.done $0x0  }
0xe9: {  	[sflag:s22] =	ssyncadd.s32 $0xFFFFC000  }
0xea: {  	[tilespmem:s21], [sflag:$0x3] =	stream.linear.gather [spmem:s10], $0x3C00, $0x38;
	[tilespmem:$0x1E400] =	vst v63  }
0xeb: {  	s0 =	sadd.s32 $0x1, s0;
	_ =	swait.ge [sflag:s22], $0x3C00  }
0xec: {  	p0 =	sne.s32 s0, s20;
	[sflag:s22] =	ssyncset.done $0x0  }
.Ltmp2:
0xed: {  	[sflag:s22] =	ssyncadd.s32 $0xFFFFC400;
	(pc) =	sbr.rel @p0 .LBB2_1-.Ltmp2, $4  }
0xee: {  	[hbm4b:s19+s2] =	stream.linear.scatter [tilespmem:s21], [sflag:$0x3], $0x3C00, $0x38;
	[tilespmem:$0x1E400] =	vst v63  }
0xef: {  	_ =	swait.ge [sflag:s22], $0x3C00  }
0xf0: {  	[sflag:s22] =	ssyncset.done $0x0  }
0xf1: {  	[sflag:s22] =	ssyncadd.s32 $0xFFFFC400  }
0xf2: {  	_ =	sfence.sel $0x180000  }
0xf3: {  	[bflag:$0x0] =	sbarrier.arrive $0xFFFF  }
0xf4: {  	_ =	strace $0x9000004A  }
0xf5: {  	s0 =	stileid.u32;
	[bflag:$0x2] =	sbarrier.arrive $0xFFFF  }
0xf6: {  	p0 =	sne.s32 s0, $0x0;
	s0 =	rddreg [dreg:$0x3]  }
0xf7: {  	s0 =	sadd.s32 @!p0 $0x100000, s0  }
0xf8: {  	[sflag:s0] =	ssyncadd.tile.s32 @!p0 $0x1;
	_ =	shalt  }
.Lfunc_end2:
_tile_overlayer_lowered:
.L_overlay_start_2:
0xf9: {  	(tag) =	ssettag $0x2  }
0xfa: {  	s0 =	rddreg [dreg:$0x0];
	s2 =	stileid.u32  }
0xfb: {  	s1 =	rddreg [dreg:$0x1];
	p0 =	sne.s32 s2, $0x0  }
0xfc: {  	s3 =	rddreg [dreg:$0x2];
	[bflag:$0x3] =	sbarrier.arrive $0xFFFF;
	s2 =	simm.s32 @!p0 $0x1C03  }
0xfd: {  	[timem:s3], [sflag:s2] =	dma.local @!p0 [hbm:s0], s1  }
0xfe: {  	s0 =	simm.s32 @!p0 $0x3  }
0xff: {  	_ =	swait.ge @!p0 [sflag:s0], s1  }
0x100: {  	s1 =	ssub.s32 @!p0 $0x0, s1;
	[sflag:s0] =	ssyncset.done @!p0 $0x0  }
0x101: {  	[sflag:s0] =	ssyncadd.s32 @!p0 s1  }
0x102: {  	[bflag:$0x3] =	sbarrier.arrive $0xFFFF  }
0x103: {  	_ =	shalt  }

// kernel: kernel.14.cloned.1.call-start
scs
__scs_entry_jumppad:
0x0: {  	(pc) =	sbr.rel $0x88, $3  }
0x1: {  	(tag) =	ssettag $0x0;
	lr =	simm.s32 $0x1  }
0x2: {  	[smem:$0x3F9B] =	sst lr;
	_ =	strace $0xD0000000  }
0x3: {  	_ = 	snop  }
0x4: {  	_ = 	snop  }
0x5: {  	_ = 	snop  }
0x6: {  	_ = 	snop  }
0x7: {  	_ = 	snop  }
__scs_overlays_trampoline_lowered:
0x8: {  	[smem:$0x3FAA] =	sst s0  }
0x9: {  	[smem:$0x3FAB] =	sst s1  }
0xa: {  	[smem:$0x3FAC] =	sst s2  }
0xb: {  	[smem:$0x3FAD] =	sst s3  }
0xc: {  	[smem:$0x3FAE] =	sst s4  }
0xd: {  	[smem:$0x3FAF] =	sst s5  }
0xe: {  	[smem:$0x3FB0] =	sst s6  }
0xf: {  	[smem:$0x3FB1] =	sst s7  }
0x10: {  	[smem:$0x3FB2] =	sst s8  }
0x11: {  	[smem:$0x3FB3] =	sst s9;
	s0 =	simm.s32 @!p0 $0x0  }
0x12: {  	s1 =	sld [smem:$0x3F99];
	s0 =	simm.s32 @p0 $0x1  }
0x13: {  	[smem:$0x3FB4] =	sst s0;
	s0 =	simm.s32 @!p1 $0x0  }
0x14: {  	s2 =	sld [smem:$0x3F98];
	s0 =	simm.s32 @p1 $0x1  }
0x15: {  	[smem:$0x3FB5] =	sst s0;
	s0 =	simm.s32 @!p2 $0x0  }
0x16: {  	s3 =	sld [smem:$0x3FDB];
	s0 =	simm.s32 @p2 $0x1  }
0x17: {  	s4 =	simm.s32 $0x1BF5;
	[smem:$0x3FB7] =	sst s0  }
0x18: {  	s0 =	sld [smem:$0x3F9A];
	_ =	swait.ge [sflag:s4], $0x0  }
0x19: {  	s7 =	sld [smem:$0x3F9B]  }
0x1a: {  	s8 =	sadd.s32 $0xFFFFE003, lr  }
0x1b: {  	s9 =	sadd.s32 $0xFFFFFEF7, lr;
	s5 =	simm.s32 $0xFFFFFFFF;
	p2 =	slt.u32 s8, $0xFFFFF086  }
0x1c: {  	p1 =	slt.u32 s9, $0xF7A;
	s5 =	simm.s32 @!p2 $0x0  }
0x1d: {  	s5 =	simm.s32 @p1 $0x1;
	p0 =	seq.s32 s7, s2  }
0x1e: {  	s7 =	smul.u32 @!p0 $0xF7A, s2;
	p2 =	seq.s32 @!p0 s5, $0x0  }
0x1f: {  	s9 =	smul.u32 $0xF7A, s1;
	s8 =	simm.s32 @!p0 $0x1BF5;
	p2 =	por !p2, p0  }
0x20: {  	[sflag:s8] =	ssyncset.s32 @!p0 $0xFFFFF086;
	s6 =	sadd.s32 @!p0 s3, s7;
	s7 =	simm.s32 @!p0 $0x108  }
0x21: {  	s3 =	sadd.s32 s3, s9;
	s6 =	sadd.s32 @!p0 $0x88, s6;
	s7 =	simm.s32 @p2 $0x1082  }
0x22: {  	[simem:s7], [sflag:s8] =	dma.local @!p0 [hbm:s6], $0xF7A  }
0x23: {  	s9 =	sor.u32 $0xD0000000, s2;
	s6 =	simm.s32 $0x108;
	_ =	swait.ge @!p0 [sflag:s8], $0x0  }
0x24: {  	s3 =	sadd.s32 $0x88, s3;
	s6 =	simm.s32 @!p1 $0x1082;
	[sflag:s4] =	ssyncset.s32 $0xFFFFF086  }
0x25: {  	[simem:s6], [sflag:s4] =	dma.local [hbm:s3], $0xF7A  }
0x26: {  	[smem:$0x3F9B] =	sst s1;
	(tag) =	ssettag s2;
	_ =	strace s9  }
0x27: {  	s1 =	sld [smem:$0x3FAB]  }
0x28: {  	s2 =	sld [smem:$0x3FAC]  }
0x29: {  	s4 =	sld [smem:$0x3FAE]  }
0x2a: {  	p0 =	seq.s32 s5, $0x0;
	s5 =	sld [smem:$0x3FAF]  }
0x2b: {  	s6 =	sld [smem:$0x3FB0]  }
0x2c: {  	s7 =	sld [smem:$0x3FB1]  }
0x2d: {  	s3 =	simm.s32 $0x108;
	s8 =	sld [smem:$0x3FB2]  }
0x2e: {  	s3 =	simm.s32 @!p0 $0x1082;
	s9 =	sld [smem:$0x3FB3]  }
0x2f: {  	lr =	sadd.s32 s0, s3;
	s0 =	sld [smem:$0x3FAA]  }
0x30: {  	s3 =	sld [smem:$0x3FAD]  }
0x31: {  	[smem:$0x3FB6] =	sst s10  }
0x32: {  	s10 =	sld [smem:$0x3FB4];
	_ =	sdelay $0x3  }
0x33: {  	p0 =	seq.s32 s10, $0x1;
	s10 =	sld [smem:$0x3FB6];
	_ =	sdelay $0x3  }
0x34: {  	[smem:$0x3FB6] =	sst s10  }
0x35: {  	s10 =	sld [smem:$0x3FB5];
	_ =	sdelay $0x3  }
0x36: {  	p1 =	seq.s32 s10, $0x1;
	s10 =	sld [smem:$0x3FB6];
	_ =	sdelay $0x3  }
0x37: {  	[smem:$0x3FB6] =	sst s10  }
0x38: {  	s10 =	sld [smem:$0x3FB7]  }
0x39: {  	_ = 	snop;
	(pc) =	sbr.ind lr, $3  }
0x3a: {  	_ = 	snop  }
0x3b: {  	_ = 	snop  }
0x3c: {  	p2 =	seq.s32 s10, $0x1;
	s10 =	sld [smem:$0x3FB6]  }
0x3d: {  	_ =	shalt  }
0x3e: {  	_ =	shalt  }
0x3f: {  	_ =	shalt  }
0x40: {  	_ =	shalt  }
0x41: {  	_ =	shalt  }
0x42: {  	_ =	shalt  }
0x43: {  	_ =	shalt  }
0x44: {  	_ =	shalt  }
0x45: {  	_ =	shalt  }
0x46: {  	_ =	shalt  }
0x47: {  	_ =	shalt  }
0x48: {  	_ =	shalt  }
0x49: {  	_ =	shalt  }
0x4a: {  	_ =	shalt  }
0x4b: {  	_ =	shalt  }
0x4c: {  	_ =	shalt  }
0x4d: {  	_ =	shalt  }
0x4e: {  	_ =	shalt  }
0x4f: {  	_ =	shalt  }
0x50: {  	_ =	shalt  }
0x51: {  	_ =	shalt  }
0x52: {  	_ =	shalt  }
0x53: {  	_ =	shalt  }
0x54: {  	_ =	shalt  }
0x55: {  	_ =	shalt  }
0x56: {  	_ =	shalt  }
0x57: {  	_ =	shalt  }
0x58: {  	_ =	shalt  }
0x59: {  	_ =	shalt  }
0x5a: {  	_ =	shalt  }
0x5b: {  	_ =	shalt  }
0x5c: {  	_ =	shalt  }
0x5d: {  	_ =	shalt  }
0x5e: {  	_ =	shalt  }
0x5f: {  	_ =	shalt  }
0x60: {  	_ =	shalt  }
0x61: {  	_ =	shalt  }
0x62: {  	_ =	shalt  }
0x63: {  	_ =	shalt  }
0x64: {  	_ =	shalt  }
0x65: {  	_ =	shalt  }
0x66: {  	_ =	shalt  }
0x67: {  	_ =	shalt  }
0x68: {  	_ =	shalt  }
0x69: {  	_ =	shalt  }
0x6a: {  	_ =	shalt  }
0x6b: {  	_ =	shalt  }
0x6c: {  	_ =	shalt  }
0x6d: {  	_ =	shalt  }
0x6e: {  	_ =	shalt  }
0x6f: {  	_ =	shalt  }
0x70: {  	_ =	shalt  }
0x71: {  	_ =	shalt  }
0x72: {  	_ =	shalt  }
0x73: {  	_ =	shalt  }
0x74: {  	_ =	shalt  }
0x75: {  	_ =	shalt  }
0x76: {  	_ =	shalt  }
0x77: {  	_ =	shalt  }
0x78: {  	_ =	shalt  }
0x79: {  	_ =	shalt  }
0x7a: {  	_ =	shalt  }
0x7b: {  	_ =	shalt  }
0x7c: {  	_ =	shalt  }
0x7d: {  	_ =	shalt  }
0x7e: {  	_ =	shalt  }
0x7f: {  	_ =	shalt  }
0x80: {  	_ =	shalt  }
0x81: {  	_ =	shalt  }
0x82: {  	_ =	shalt  }
0x83: {  	_ =	shalt  }
0x84: {  	_ =	shalt  }
0x85: {  	_ =	shalt  }
0x86: {  	_ =	shalt  }
0x87: {  	_ =	shalt  }
.Lfunc_end0:
.L_simem_size_0:
called_computation.2_lowered:
.L_overlay_start_0:
0x88: {  	s2 =	sld [smem:$0x3FD9]  }
0x89: {  	s3 =	sld [smem:$0x3FFE];
	_ =	sdelay $0x1  }
0x8a: {  	s1 =	srdreg.scid  }
0x8b: {  	s0 =	sand.u32 $0x1, s1  }
0x8c: {  	s17 =	sshll.u32 s0, $0xA;
	s2 =	sadd.s32 s3, s2  }
0x8d: {  	s2 =	sadd.s32 s2, s17  }
0x8e: {  	[smem:$0x3FC2] =	sst s2  }
0x8f: {  	_ = 	snop  }
0x90: {  	s2 =	sld [smem:$0x3FD0];
	(tm) =	ssettm $0x1  }
0x91: {  	s18 =	sld [smem:$0x3FFB];
	_ =	sdelay $0x3  }
0x92: {  	_ =	strace s18  }
0x93: {  	s3 =	sld [smem:$0x3FFC];
	_ =	sdelay $0x3  }
0x94: {  	_ =	strace s3  }
0x95: {  	s3 =	sld [smem:$0x3FFD];
	_ =	sdelay $0x3  }
0x96: {  	_ =	strace s3  }
0x97: {  	_ =	strace $0x8FFFFFFF  }
0x98: {  	s19 =	sld [smem:$0x3FDB];
	_ =	sdelay $0x1  }
0x99: {  	s4 =	simm.s32 $_scs_section_size  }
0x9a: {  	s5 =	simm.s32 $_size__tile_overlayer_lowered;
	s6 =	simm.s32 $_tile_overlayer_lowered  }
0x9b: {  	s22 =	simm.s32 $0x1BFF;
	s21 =	sshll.u32 s6, $0x1;
	s3 =	sadd.s32 s4, s19  }
0x9c: {  	s7 =	simm.s32 $0x0;
	s20 =	sshll.u32 s5, $0x1;
	s5 =	sadd.s32 s21, s3  }
0x9d: {  	[timem:s7], [sflag:s22] =	dma.local [hbm:s5], s20  }
0x9e: {  	_ =	swait.ge [sflag:s22], s20  }
0x9f: {  	s4 =	ssub.s32 $0x0, s20;
	[sflag:s22] =	ssyncset.done $0x0  }
0xa0: {  	[sflag:s22] =	ssyncadd.s32 s4;
	_ =	sdelay $0x1  }
0xa1: {  	s23 =	simm.s32 $0x1B8B  }
0xa2: {  	_ =	swait.ge [sflag:s23], $0x1  }
0xa3: {  	[sflag:s23] =	ssyncset.done $0x0  }
0xa4: {  	s25 =	simm.s32 $0x1B8E;
	s24 =	sld [smem:$0x3FFE];
	[sflag:s23] =	ssyncadd.s32 $0xFFFFFFFF  }
0xa5: {  	s26 =	simm.s32 $execute0_lowered;
	[smem:$0x3FD2] =	sst s25  }
0xa6: {  	s5 =	sshll.u32 s26, $0x1;
	_ =	strace $0x8000004C;
	[dreg:$0x1] =	wrdreg $0xFFFFFFFF  }
0xa7: {  	s28 =	simm.s32 $_size_execute0_lowered;
	s3 =	sadd.s32 s3, s5;
	[dreg:$0x0] =	wrdreg $0x0  }
0xa8: {  	s5 =	sshll.u32 s28, $0x1;
	[dreg:$0x2] =	wrdreg s3  }
0xa9: {  	[dreg:$0x3] =	wrdreg s5  }
0xaa: {  	[dreg:$0x4] =	wrdreg $0xC0  }
0xab: {  	_ =	task [dreg:s7], $0x5FFFF  }
0xac: {  	[dreg:$0x1] =	wrdreg $0xFFFFFFFF  }
0xad: {  	[dreg:$0x0] =	wrdreg $0x60  }
0xae: {  	[dreg:$0x2] =	wrdreg s24  }
0xaf: {  	[dreg:$0x3] =	wrdreg s2  }
0xb0: {  	[dreg:$0x4] =	wrdreg $0xA8000  }
0xb1: {  	[dreg:$0x5] =	wrdreg $0x9  }
0xb2: {  	_ =	task.clear_ibuf [dreg:s7], $0x6FFFF;
	_ =	strace $0x9000004C  }
0xb3: {  	s29 =	simm.s32 $0x9;
	_ =	strace $0x8000004E  }
0xb4: {  	_ =	swait.ge [sflag:s29], $0x1  }
0xb5: {  	[sflag:s29] =	ssyncadd.s32 $0xFFFFFFFF  }
0xb6: {  	_ =	strace $0x9000004E  }
0xb7: {  	_ =	sfence  }
0xb8: {  	s30 =	sld [smem:$0x0];
	_ =	sdelay $0x2  }
0xb9: {  	s31 =	sshll.u32 s1, $0xD;
	s1 =	sshrl.u32 s1, $0x2  }
0xba: {  	s3 =	sand.u32 $0x4000, s31;
	s1 =	sadd.s32 s1, s30  }
0xbb: {  	s0 =	sor.u32 s3, s0;
	s1 =	sshll.u32 s1, $0x11  }
0xbc: {  	s0 =	sor.u32 s1, s0  }
0xbd: {  	s0 =	sadd.s32 $0x8F2B, s0  }
0xbe: {  	[sflag:s0] =	ssyncadd.remote.s32 $0x1  }
0xbf: {  	_ =	sfence.sel $0xFFFF  }
0xc0: {  	[dreg:$0x0] =	wrdreg $0xFFFFFFFF;
	(pc) =	sbr.abs _section_cstart, $3  }
0xc1: {  	[dreg:$0x1] =	wrdreg $0xFFFFFFFF  }
0xc2: {  	_ =	task.clear_ibuf [dreg:s7], $0x2FFFF;
	_ =	strace $0x9FFFFFFF  }
0xc3: {  	(tm) =	ssettm $0x7FFFFFFF  }
tec
execute0_lowered:
.L_overlay_start_1:
0x0: {  	(tag) =	ssettag $0x1  }
0x1: {  	s0 =	rddreg [dreg:$0x0]  }
0x2: {  	s3 =	rddreg [dreg:$0x1]  }
0x3: {  	s1 =	rddreg [dreg:$0x2];
	s2 =	simm.s32 $0x0  }
0x4: {  	s6 =	srdreg.scid;
	s10 =	stileid.u32;
	s28 =	simm.s32 $0x2  }
0x5: {  	s29 =	simm.s32 $0x1380;
	s30 =	simm.s32 $0x2700;
	s31 =	simm.s32 $0x2780  }
0x6: {  	[smem:$0x7FF] =	sst s2;
	s4 =	sadd.s32 $0xC600, s0;
	s5 =	sadd.s32 $0x2600, s0  }
0x7: {  	s7 =	sadd.s32 $0x33E00, s0;
	s11 =	sand.u32 $0x1, s6;
	s24 =	smul.u32 $0x4F000, s10  }
0x8: {  	s0 =	sadd.s32 $0x34600, s0;
	s9 =	sshll.u32 s10, $0x1;
	s13 =	smul.u32 $0x13C00, s10  }
0x9: {  	_ =	strace $0x8000004D;
	[dreg:$0x4] =	wrdreg s7;
	s6 =	ssub.s32 $0x2, s11  }
0xa: {  	s9 =	sor.u32 s11, s9;
	s21 =	smul.u32 $0x13C000, s11;
	s8 =	sshrl.u32 s6, $0x1  }
0xb: {  	s25 =	sshrl.u32 s24, $0x2;
	s14 =	sadd.s32 $0x4000, s13;
	s17 =	sadd.s32 $0x8000, s13  }
0xc: {  	s12 =	smul.u32 $0x500, s9;
	s18 =	sadd.s32 $0xC000, s13;
	s19 =	sadd.s32 $0x10000, s13  }
0xd: {  	s15 =	smul.u32 $0x2800, s9;
	s20 =	ssub.s32 s6, s8;
	s6 =	sadd.s32 s25, s1  }
0xe: {  	s7 =	sadd.s32 s14, s1;
	s8 =	sadd.s32 s17, s1;
	s9 =	sadd.s32 s18, s1  }
0xf: {  	s10 =	sadd.s32 s19, s1;
	s14 =	sadd.s32 s21, s14;
	s24 =	sadd.s32 s21, s17  }
0x10: {  	s25 =	sadd.s32 s21, s18;
	s26 =	sadd.s32 s5, s12;
	s16 =	sadd.s32 s3, s12  }
0x11: {  	s15 =	sshrl.u32 s15, $0x3;
	s23 =	sshrl.u32 s14, $0x3;
	[dreg:$0x5] =	wrdreg s26  }
0x12: {  	s20 =	smax.u32 s20, $0x1;
	[dreg:$0x6] =	wrdreg s16;
	s15 =	sadd.s32 $0x280, s15  }
0x13: {  	s16 =	sadd.s32 s13, s21;
	s26 =	sadd.s32 s21, s19;
	s21 =	simm.s32 $0x2800  }
0x14: {  	s5 =	sadd.s32 s5, s15;
	s22 =	sshrl.u32 s16, $0x3;
	s14 =	sadd.s32 s3, s15  }
0x15: {  	s16 =	sadd.s32 s0, s23;
	s3 =	sshrl.u32 s24, $0x3;
	s19 =	sshrl.u32 s26, $0x3  }
0x16: {  	s23 =	simm.s32 $0x1400;
	s24 =	simm.s32 $0x80;
	s26 =	simm.s32 $0x1  }
0x17: {  	[dreg:$0x7] =	wrdreg s5;
	s15 =	sadd.s32 s0, s22;
	s5 =	sshrl.u32 s25, $0x3  }
0x18: {  	s17 =	sadd.s32 s0, s3;
	s19 =	sadd.s32 s0, s19;
	s22 =	simm.s32 $0x3  }
0x19: {  	s25 =	simm.s32 $0x6800;
	s18 =	sadd.s32 s0, s5;
	s0 =	simm.s32 $0x0  }
.LBB2_1:
0x1a: {  	s3 =	rddreg [dreg:$0x4]  }
0x1b: {  	[tilespmem:s21], [sflag:$0x3] =	stream.linear.gather [hbm4b:s3+s2], $0x4000, $0x38;
	[tilespmem:$0x1E400] =	vst v63  }
0x1c: {  	_ =	swait.ge [sflag:s22], $0x4000  }
0x1d: {  	[sflag:s22] =	ssyncset.done $0x0  }
0x1e: {  	[sflag:s22] =	ssyncadd.s32 $0xFFFFC000  }
0x1f: {  	[spmem:s6] =	stream.linear.scatter [tilespmem:s21], [sflag:$0x3], $0x4000, $0x38;
	[tilespmem:$0x1E400] =	vst v63  }
0x20: {  	_ =	swait.ge [sflag:s22], $0x4000  }
0x21: {  	[sflag:s22] =	ssyncset.done $0x0  }
0x22: {  	[sflag:s22] =	ssyncadd.s32 $0xFFFFC000  }
0x23: {  	[spmem:s7] =	stream.linear.scatter [tilespmem:s21], [sflag:$0x3], $0x4000, $0x38;
	[tilespmem:$0x1E400] =	vst v63  }
0x24: {  	_ =	swait.ge [sflag:s22], $0x4000  }
0x25: {  	[sflag:s22] =	ssyncset.done $0x0  }
0x26: {  	[sflag:s22] =	ssyncadd.s32 $0xFFFFC000  }
0x27: {  	[spmem:s8] =	stream.linear.scatter [tilespmem:s21], [sflag:$0x3], $0x4000, $0x38;
	[tilespmem:$0x1E400] =	vst v63  }
0x28: {  	_ =	swait.ge [sflag:s22], $0x4000  }
0x29: {  	[sflag:s22] =	ssyncset.done $0x0  }
0x2a: {  	[sflag:s22] =	ssyncadd.s32 $0xFFFFC000  }
0x2b: {  	[spmem:s9] =	stream.linear.scatter [tilespmem:s21], [sflag:$0x3], $0x4000, $0x38;
	[tilespmem:$0x1E400] =	vst v63  }
0x2c: {  	_ =	swait.ge [sflag:s22], $0x4000  }
0x2d: {  	[sflag:s22] =	ssyncset.done $0x0  }
0x2e: {  	[sflag:s22] =	ssyncadd.s32 $0xFFFFC000  }
0x2f: {  	[spmem:s10] =	stream.linear.scatter [tilespmem:s21], [sflag:$0x3], $0x3C00, $0x38;
	[tilespmem:$0x1E400] =	vst v63  }
0x30: {  	_ =	swait.ge [sflag:s22], $0x3C00  }
0x31: {  	[sflag:s22] =	ssyncset.done $0x0  }
0x32: {  	[sflag:s22] =	ssyncadd.s32 $0xFFFFC400  }
0x33: {  	[bflag:$0x0] =	sbarrier.arrive $0xFFFF  }
0x34: {  	s12 =	rddreg [dreg:$0x5]  }
0x35: {  	[tilespmem:s2], [sflag:$0x3] =	stream.linear.gather [hbm4b:s12+s2], $0x1400, $0x38;
	[tilespmem:$0x1E400] =	vst v63  }
0x36: {  	_ =	swait.ge [sflag:s22], $0x1400  }
0x37: {  	[sflag:s22] =	ssyncset.done $0x0  }
0x38: {  	s13 =	rddreg [dreg:$0x6];
	[sflag:s22] =	ssyncadd.s32 $0xFFFFEC00  }
0x39: {  	[tilespmem:s23], [sflag:$0x3] =	stream.linear.gather [hbm4b:s13+s2], $0x1400, $0x38;
	[tilespmem:$0x1E400] =	vst v63  }
0x3a: {  	_ =	swait.ge [sflag:s22], $0x1400  }
0x3b: {  	[sflag:s22] =	ssyncset.done $0x0  }
0x3c: {  	[sflag:s22] =	ssyncadd.s32 $0xFFFFEC00  }
0x3d: {  	[tilespmem:s21], [sflag:$0x1] =	stream.indirect.gather [hbm4b:s4+s24], $0x80, s2, s24, $0xb8;
	[tilespmem:$0x1E400] =	vst v63  }
0x3e: {  	s5 =	simm.s32 $0x80  }
0x3f: {  	[tilespmem:s25], [sflag:$0x2] =	stream.indirect.gather [hbm4b:s4+s24], $0x80, s5, s24, $0xb8;
	[tilespmem:$0x1E400] =	vst v63  }
0x40: {  	_ =	swait.ge [sflag:s26], $0x4000  }
0x41: {  	[sflag:s26] =	ssyncset.done $0x0  }
0x42: {  	s11 =	simm.s32 $0x1400;
	[sflag:s26] =	ssyncadd.s32 $0xFFFFC000  }
0x43: {  	[spmem:s1] =	stream.indirect.scatter.add.f32 [tilespmem:s21], [sflag:$0x3], $0x80, s11, s24, $0xb8;
	[tilespmem:$0x1E400] =	vst v63  }
0x44: {  	_ =	swait.ge [sflag:s22], $0x4000  }
0x45: {  	[sflag:s22] =	ssyncset.done $0x0  }
0x46: {  	s12 =	simm.s32 $0x100;
	[sflag:s22] =	ssyncadd.s32 $0xFFFFC000  }
0x47: {  	[tilespmem:s21], [sflag:$0x1] =	stream.indirect.gather [hbm4b:s4+s24], $0x80, s12, s24, $0xb8;
	[tilespmem:$0x1E400] =	vst v63  }
0x48: {  	_ =	swait.ge [sflag:s28], $0x4000  }
0x49: {  	[sflag:s28] =	ssyncset.done $0x0  }
0x4a: {  	s13 =	simm.s32 $0x1480;
	[sflag:s28] =	ssyncadd.s32 $0xFFFFC000  }
0x4b: {  	[spmem:s1] =	stream.indirect.scatter.add.f32 [tilespmem:s25], [sflag:$0x3], $0x80, s13, s24, $0xb8;
	[tilespmem:$0x1E400] =	vst v63  }
0x4c: {  	_ =	swait.ge [sflag:s22], $0x4000  }
0x4d: {  	s3 =	simm.s32 $0x100;
	s5 =	simm.s32 $0x800;
	[sflag:s22] =	ssyncset.done $0x0  }
.LBB2_2:
0x4e: {  	s11 =	sadd.s32 $0x80, s3  }
0x4f: {  	[sflag:s22] =	ssyncadd.s32 $0xFFFFC000;
	s12 =	smov.u32 s5;
	s13 =	sadd.s32 $0x400, s5  }
0x50: {  	[tilespmem:s25], [sflag:$0x2] =	stream.indirect.gather [hbm4b:s4+s24], $0x80, s11, s24, $0xb8;
	[tilespmem:$0x1E400] =	vst v63  }
0x51: {  	p0 =	sne.s32 s5, $0x4800;
	_ =	swait.ge [sflag:s26], $0x4000  }
0x52: {  	[sflag:s26] =	ssyncset.done $0x0  }
0x53: {  	s5 =	sadd.s32 $0x1400, s3;
	[sflag:s26] =	ssyncadd.s32 $0xFFFFC000  }
0x54: {  	[spmem:s1] =	stream.indirect.scatter.add.f32 [tilespmem:s21], [sflag:$0x3], $0x80, s5, s24, $0xb8;
	[tilespmem:$0x1E400] =	vst v63  }
0x55: {  	_ =	swait.ge [sflag:s22], $0x4000  }
0x56: {  	[sflag:s22] =	ssyncset.done $0x0  }
0x57: {  	s5 =	sadd.s32 $0x100, s3;
	[sflag:s22] =	ssyncadd.s32 $0xFFFFC000  }
0x58: {  	[tilespmem:s21], [sflag:$0x1] =	stream.indirect.gather [hbm4b:s4+s24], $0x80, s5, s24, $0xb8;
	[tilespmem:$0x1E400] =	vst v63  }
0x59: {  	_ =	swait.ge [sflag:s28], $0x4000  }
.Ltmp0:
0x5a: {  	[sflag:s28] =	ssyncset.done $0x0;
	(pc) =	sbr.rel @p0 .LBB2_2-.Ltmp0, $4  }
0x5b: {  	s3 =	sadd.s32 $0x1480, s3;
	[sflag:s28] =	ssyncadd.s32 $0xFFFFC000  }
0x5c: {  	[spmem:s1] =	stream.indirect.scatter.add.f32 [tilespmem:s25], [sflag:$0x3], $0x80, s3, s24, $0xb8;
	[tilespmem:$0x1E400] =	vst v63  }
0x5d: {  	_ =	swait.ge [sflag:s22], $0x4000  }
0x5e: {  	s5 =	smov.u32 s13;
	s3 =	sshra.s32 s12, $0x2;
	[sflag:s22] =	ssyncset.done $0x0  }
0x5f: {  	s5 =	sadd.s32 $0x80, s3;
	[sflag:s22] =	ssyncadd.s32 $0xFFFFC000  }
0x60: {  	[tilespmem:s25], [sflag:$0x2] =	stream.indirect.gather [hbm4b:s4+s24], $0x80, s5, s24, $0xb8;
	[tilespmem:$0x1E400] =	vst v63  }
0x61: {  	_ =	swait.ge [sflag:s26], $0x4000  }
0x62: {  	[sflag:s26] =	ssyncset.done $0x0  }
0x63: {  	s12 =	sadd.s32 $0x1400, s3;
	[sflag:s26] =	ssyncadd.s32 $0xFFFFC000  }
0x64: {  	[spmem:s1] =	stream.indirect.scatter.add.f32 [tilespmem:s21], [sflag:$0x3], $0x80, s12, s24, $0xb8;
	[tilespmem:$0x1E400] =	vst v63  }
0x65: {  	_ =	swait.ge [sflag:s22], $0x4000  }
0x66: {  	[sflag:s22] =	ssyncset.done $0x0  }
0x67: {  	s13 =	sadd.s32 $0x100, s3;
	[sflag:s22] =	ssyncadd.s32 $0xFFFFC000  }
0x68: {  	[tilespmem:s21], [sflag:$0x1] =	stream.indirect.gather [hbm4b:s4+s24], $0x80, s13, s24, $0xb8;
	[tilespmem:$0x1E400] =	vst v63  }
0x69: {  	_ =	swait.ge [sflag:s28], $0x4000  }
0x6a: {  	[sflag:s28] =	ssyncset.done $0x0  }
0x6b: {  	s11 =	sadd.s32 $0x1480, s3;
	[sflag:s28] =	ssyncadd.s32 $0xFFFFC000  }
0x6c: {  	[spmem:s1] =	stream.indirect.scatter.add.f32 [tilespmem:s25], [sflag:$0x3], $0x80, s11, s24, $0xb8;
	[tilespmem:$0x1E400] =	vst v63  }
0x6d: {  	_ =	swait.ge [sflag:s22], $0x4000  }
0x6e: {  	[sflag:s22] =	ssyncset.done $0x0  }
0x6f: {  	[sflag:s22] =	ssyncadd.s32 $0xFFFFC000  }
0x70: {  	[tilespmem:s25], [sflag:$0x2] =	stream.indirect.gather [hbm4b:s4+s24], $0x80, s29, s24, $0xb8;
	[tilespmem:$0x1E400] =	vst v63  }
0x71: {  	_ =	swait.ge [sflag:s26], $0x4000  }
0x72: {  	[sflag:s26] =	ssyncset.done $0x0  }
0x73: {  	[sflag:s26] =	ssyncadd.s32 $0xFFFFC000  }
0x74: {  	[spmem:s1] =	stream.indirect.scatter.add.f32 [tilespmem:s21], [sflag:$0x3], $0x80, s30, s24, $0xb8;
	[tilespmem:$0x1E400] =	vst v63  }
0x75: {  	_ =	swait.ge [sflag:s22], $0x4000  }
0x76: {  	[sflag:s22] =	ssyncset.done $0x0  }
0x77: {  	[sflag:s22] =	ssyncadd.s32 $0xFFFFC000  }
0x78: {  	_ =	swait.ge [sflag:s28], $0x4000  }
0x79: {  	[sflag:s28] =	ssyncset.done $0x0  }
0x7a: {  	[sflag:s28] =	ssyncadd.s32 $0xFFFFC000  }
0x7b: {  	[spmem:s1] =	stream.indirect.scatter.add.f32 [tilespmem:s25], [sflag:$0x3], $0x80, s31, s24, $0xb8;
	[tilespmem:$0x1E400] =	vst v63  }
0x7c: {  	_ =	swait.ge [sflag:s22], $0x4000  }
0x7d: {  	[sflag:s22] =	ssyncset.done $0x0  }
0x7e: {  	s12 =	simm.s32 $0x0;
	s13 =	rddreg [dreg:$0x7];
	[sflag:s22] =	ssyncadd.s32 $0xFFFFC000  }
0x7f: {  	[tilespmem:s12], [sflag:$0x3] =	stream.linear.gather [hbm4b:s13+s12], $0x1400, $0x38;
	[tilespmem:$0x1E400] =	vst v63  }
0x80: {  	_ =	swait.ge [sflag:s22], $0x1400  }
0x81: {  	[sflag:s22] =	ssyncset.done $0x0  }
0x82: {  	[sflag:s22] =	ssyncadd.s32 $0xFFFFEC00  }
0x83: {  	[tilespmem:s23], [sflag:$0x3] =	stream.linear.gather [hbm4b:s14+s12], $0x1400, $0x38;
	[tilespmem:$0x1E400] =	vst v63  }
0x84: {  	_ =	swait.ge [sflag:s22], $0x1400  }
0x85: {  	[sflag:s22] =	ssyncset.done $0x0  }
0x86: {  	[sflag:s22] =	ssyncadd.s32 $0xFFFFEC00  }
0x87: {  	[tilespmem:s21], [sflag:$0x1] =	stream.indirect.gather [hbm4b:s4+s24], $0x80, s12, s24, $0xb8;
	[tilespmem:$0x1E400] =	vst v63  }
0x88: {  	s5 =	simm.s32 $0x80  }
0x89: {  	[tilespmem:s25], [sflag:$0x2] =	stream.indirect.gather [hbm4b:s4+s24], $0x80, s5, s24, $0xb8;
	[tilespmem:$0x1E400] =	vst v63  }
0x8a: {  	_ =	swait.ge [sflag:s26], $0x4000  }
0x8b: {  	[sflag:s26] =	ssyncset.done $0x0  }
0x8c: {  	s11 =	simm.s32 $0x1400;
	[sflag:s26] =	ssyncadd.s32 $0xFFFFC000  }
0x8d: {  	[spmem:s1] =	stream.indirect.scatter.add.f32 [tilespmem:s21], [sflag:$0x3], $0x80, s11, s24, $0xb8;
	[tilespmem:$0x1E400] =	vst v63  }
0x8e: {  	_ =	swait.ge [sflag:s22], $0x4000  }
0x8f: {  	[sflag:s22] =	ssyncset.done $0x0  }
0x90: {  	s12 =	simm.s32 $0x100;
	[sflag:s22] =	ssyncadd.s32 $0xFFFFC000  }
0x91: {  	[tilespmem:s21], [sflag:$0x1] =	stream.indirect.gather [hbm4b:s4+s24], $0x80, s12, s24, $0xb8;
	[tilespmem:$0x1E400] =	vst v63  }
0x92: {  	_ =	swait.ge [sflag:s28], $0x4000  }
0x93: {  	[sflag:s28] =	ssyncset.done $0x0  }
0x94: {  	s13 =	simm.s32 $0x1480;
	[sflag:s28] =	ssyncadd.s32 $0xFFFFC000  }
0x95: {  	[spmem:s1] =	stream.indirect.scatter.add.f32 [tilespmem:s25], [sflag:$0x3], $0x80, s13, s24, $0xb8;
	[tilespmem:$0x1E400] =	vst v63  }
0x96: {  	_ =	swait.ge [sflag:s22], $0x4000  }
0x97: {  	s3 =	simm.s32 $0x100;
	s5 =	simm.s32 $0x800;
	[sflag:s22] =	ssyncset.done $0x0  }
.LBB2_4:
0x98: {  	s11 =	sadd.s32 $0x80, s3  }
0x99: {  	[sflag:s22] =	ssyncadd.s32 $0xFFFFC000;
	s12 =	smov.u32 s5;
	s13 =	sadd.s32 $0x400, s5  }
0x9a: {  	[tilespmem:s25], [sflag:$0x2] =	stream.indirect.gather [hbm4b:s4+s24], $0x80, s11, s24, $0xb8;
	[tilespmem:$0x1E400] =	vst v63  }
0x9b: {  	p0 =	sne.s32 s5, $0x4800;
	_ =	swait.ge [sflag:s26], $0x4000  }
0x9c: {  	[sflag:s26] =	ssyncset.done $0x0  }
0x9d: {  	s5 =	sadd.s32 $0x1400, s3;
	[sflag:s26] =	ssyncadd.s32 $0xFFFFC000  }
0x9e: {  	[spmem:s1] =	stream.indirect.scatter.add.f32 [tilespmem:s21], [sflag:$0x3], $0x80, s5, s24, $0xb8;
	[tilespmem:$0x1E400] =	vst v63  }
0x9f: {  	_ =	swait.ge [sflag:s22], $0x4000  }
0xa0: {  	[sflag:s22] =	ssyncset.done $0x0  }
0xa1: {  	s5 =	sadd.s32 $0x100, s3;
	[sflag:s22] =	ssyncadd.s32 $0xFFFFC000  }
0xa2: {  	[tilespmem:s21], [sflag:$0x1] =	stream.indirect.gather [hbm4b:s4+s24], $0x80, s5, s24, $0xb8;
	[tilespmem:$0x1E400] =	vst v63  }
0xa3: {  	_ =	swait.ge [sflag:s28], $0x4000  }
.Ltmp1:
0xa4: {  	[sflag:s28] =	ssyncset.done $0x0;
	(pc) =	sbr.rel @p0 .LBB2_4-.Ltmp1, $4  }
0xa5: {  	s3 =	sadd.s32 $0x1480, s3;
	[sflag:s28] =	ssyncadd.s32 $0xFFFFC000  }
0xa6: {  	[spmem:s1] =	stream.indirect.scatter.add.f32 [tilespmem:s25], [sflag:$0x3], $0x80, s3, s24, $0xb8;
	[tilespmem:$0x1E400] =	vst v63  }
0xa7: {  	_ =	swait.ge [sflag:s22], $0x4000  }
0xa8: {  	s5 =	smov.u32 s13;
	s3 =	sshra.s32 s12, $0x2;
	[sflag:s22] =	ssyncset.done $0x0  }
0xa9: {  	s5 =	sadd.s32 $0x80, s3;
	[sflag:s22] =	ssyncadd.s32 $0xFFFFC000  }
0xaa: {  	[tilespmem:s25], [sflag:$0x2] =	stream.indirect.gather [hbm4b:s4+s24], $0x80, s5, s24, $0xb8;
	[tilespmem:$0x1E400] =	vst v63  }
0xab: {  	_ =	swait.ge [sflag:s26], $0x4000  }
0xac: {  	[sflag:s26] =	ssyncset.done $0x0  }
0xad: {  	s11 =	sadd.s32 $0x1400, s3;
	[sflag:s26] =	ssyncadd.s32 $0xFFFFC000  }
0xae: {  	[spmem:s1] =	stream.indirect.scatter.add.f32 [tilespmem:s21], [sflag:$0x3], $0x80, s11, s24, $0xb8;
	[tilespmem:$0x1E400] =	vst v63  }
0xaf: {  	_ =	swait.ge [sflag:s22], $0x4000  }
0xb0: {  	[sflag:s22] =	ssyncset.done $0x0  }
0xb1: {  	s12 =	sadd.s32 $0x100, s3;
	[sflag:s22] =	ssyncadd.s32 $0xFFFFC000  }
0xb2: {  	[tilespmem:s21], [sflag:$0x1] =	stream.indirect.gather [hbm4b:s4+s24], $0x80, s12, s24, $0xb8;
	[tilespmem:$0x1E400] =	vst v63  }
0xb3: {  	_ =	swait.ge [sflag:s28], $0x4000  }
0xb4: {  	[sflag:s28] =	ssyncset.done $0x0  }
0xb5: {  	s13 =	sadd.s32 $0x1480, s3;
	[sflag:s28] =	ssyncadd.s32 $0xFFFFC000  }
0xb6: {  	[spmem:s1] =	stream.indirect.scatter.add.f32 [tilespmem:s25], [sflag:$0x3], $0x80, s13, s24, $0xb8;
	[tilespmem:$0x1E400] =	vst v63  }
0xb7: {  	_ =	swait.ge [sflag:s22], $0x4000  }
0xb8: {  	[sflag:s22] =	ssyncset.done $0x0  }
0xb9: {  	[sflag:s22] =	ssyncadd.s32 $0xFFFFC000  }
0xba: {  	[tilespmem:s25], [sflag:$0x2] =	stream.indirect.gather [hbm4b:s4+s24], $0x80, s29, s24, $0xb8;
	[tilespmem:$0x1E400] =	vst v63  }
0xbb: {  	_ =	swait.ge [sflag:s26], $0x4000  }
0xbc: {  	[sflag:s26] =	ssyncset.done $0x0  }
0xbd: {  	[sflag:s26] =	ssyncadd.s32 $0xFFFFC000  }
0xbe: {  	[spmem:s1] =	stream.indirect.scatter.add.f32 [tilespmem:s21], [sflag:$0x3], $0x80, s30, s24, $0xb8;
	[tilespmem:$0x1E400] =	vst v63  }
0xbf: {  	_ =	swait.ge [sflag:s22], $0x4000  }
0xc0: {  	[sflag:s22] =	ssyncset.done $0x0  }
0xc1: {  	[sflag:s22] =	ssyncadd.s32 $0xFFFFC000  }
0xc2: {  	_ =	swait.ge [sflag:s28], $0x4000  }
0xc3: {  	[sflag:s28] =	ssyncset.done $0x0  }
0xc4: {  	[sflag:s28] =	ssyncadd.s32 $0xFFFFC000  }
0xc5: {  	[spmem:s1] =	stream.indirect.scatter.add.f32 [tilespmem:s25], [sflag:$0x3], $0x80, s31, s24, $0xb8;
	[tilespmem:$0x1E400] =	vst v63  }
0xc6: {  	_ =	swait.ge [sflag:s22], $0x4000  }
0xc7: {  	[sflag:s22] =	ssyncset.done $0x0  }
0xc8: {  	[sflag:s22] =	ssyncadd.s32 $0xFFFFC000  }
0xc9: {  	[bflag:$0x0] =	sbarrier.arrive $0xFFFF  }
0xca: {  	[tilespmem:s21], [sflag:$0x3] =	stream.linear.gather [spmem:s6], $0x4000, $0x38;
	[tilespmem:$0x1E400] =	vst v63  }
0xcb: {  	_ =	swait.ge [sflag:s22], $0x4000  }
0xcc: {  	[sflag:s22] =	ssyncset.done $0x0  }
0xcd: {  	[sflag:s22] =	ssyncadd.s32 $0xFFFFC000  }
0xce: {  	[hbm4b:s15+s2] =	stream.linear.scatter [tilespmem:s21], [sflag:$0x3], $0x4000, $0x38;
	[tilespmem:$0x1E400] =	vst v63  }
0xcf: {  	_ =	swait.ge [sflag:s22], $0x4000  }
0xd0: {  	[sflag:s22] =	ssyncset.done $0x0  }
0xd1: {  	[sflag:s22] =	ssyncadd.s32 $0xFFFFC000  }
0xd2: {  	[tilespmem:s21], [sflag:$0x3] =	stream.linear.gather [spmem:s7], $0x4000, $0x38;
	[tilespmem:$0x1E400] =	vst v63  }
0xd3: {  	_ =	swait.ge [sflag:s22], $0x4000  }
0xd4: {  	[sflag:s22] =	ssyncset.done $0x0  }
0xd5: {  	[sflag:s22] =	ssyncadd.s32 $0xFFFFC000  }
0xd6: {  	[hbm4b:s16+s2] =	stream.linear.scatter [tilespmem:s21], [sflag:$0x3], $0x4000, $0x38;
	[tilespmem:$0x1E400] =	vst v63  }
0xd7: {  	_ =	swait.ge [sflag:s22], $0x4000  }
0xd8: {  	[sflag:s22] =	ssyncset.done $0x0  }
0xd9: {  	[sflag:s22] =	ssyncadd.s32 $0xFFFFC000  }
0xda: {  	[tilespmem:s21], [sflag:$0x3] =	stream.linear.gather [spmem:s8], $0x4000, $0x38;
	[tilespmem:$0x1E400] =	vst v63  }
0xdb: {  	_ =	swait.ge [sflag:s22], $0x4000  }
0xdc: {  	[sflag:s22] =	ssyncset.done $0x0  }
0xdd: {  	[sflag:s22] =	ssyncadd.s32 $0xFFFFC000  }
0xde: {  	[hbm4b:s17+s2] =	stream.linear.scatter [tilespmem:s21], [sflag:$0x3], $0x4000, $0x38;
	[tilespmem:$0x1E400] =	vst v63  }
0xdf: {  	_ =	swait.ge [sflag:s22], $0x4000  }
0xe0: {  	[sflag:s22] =	ssyncset.done $0x0  }
0xe1: {  	[sflag:s22] =	ssyncadd.s32 $0xFFFFC000  }
0xe2: {  	[tilespmem:s21], [sflag:$0x3] =	stream.linear.gather [spmem:s9], $0x4000, $0x38;
	[tilespmem:$0x1E400] =	vst v63  }
0xe3: {  	_ =	swait.ge [sflag:s22], $0x4000  }
0xe4: {  	[sflag:s22] =	ssyncset.done $0x0  }
0xe5: {  	[sflag:s22] =	ssyncadd.s32 $0xFFFFC000  }
0xe6: {  	[hbm4b:s18+s2] =	stream.linear.scatter [tilespmem:s21], [sflag:$0x3], $0x4000, $0x38;
	[tilespmem:$0x1E400] =	vst v63  }
0xe7: {  	_ =	swait.ge [sflag:s22], $0x4000  }
0xe8: {  	[sflag:s22] =	ssyncset.done $0x0  }
0xe9: {  	[sflag:s22] =	ssyncadd.s32 $0xFFFFC000  }
0xea: {  	[tilespmem:s21], [sflag:$0x3] =	stream.linear.gather [spmem:s10], $0x3C00, $0x38;
	[tilespmem:$0x1E400] =	vst v63  }
0xeb: {  	s0 =	sadd.s32 $0x1, s0;
	_ =	swait.ge [sflag:s22], $0x3C00  }
0xec: {  	p0 =	sne.s32 s0, s20;
	[sflag:s22] =	ssyncset.done $0x0  }
.Ltmp2:
0xed: {  	[sflag:s22] =	ssyncadd.s32 $0xFFFFC400;
	(pc) =	sbr.rel @p0 .LBB2_1-.Ltmp2, $4  }
0xee: {  	[hbm4b:s19+s2] =	stream.linear.scatter [tilespmem:s21], [sflag:$0x3], $0x3C00, $0x38;
	[tilespmem:$0x1E400] =	vst v63  }
0xef: {  	_ =	swait.ge [sflag:s22], $0x3C00  }
0xf0: {  	[sflag:s22] =	ssyncset.done $0x0  }
0xf1: {  	[sflag:s22] =	ssyncadd.s32 $0xFFFFC400  }
0xf2: {  	_ =	sfence.sel $0x180000  }
0xf3: {  	[bflag:$0x0] =	sbarrier.arrive $0xFFFF  }
0xf4: {  	_ =	strace $0x9000004D  }
0xf5: {  	s0 =	stileid.u32;
	[bflag:$0x2] =	sbarrier.arrive $0xFFFF  }
0xf6: {  	p0 =	sne.s32 s0, $0x0;
	s0 =	rddreg [dreg:$0x3]  }
0xf7: {  	s0 =	sadd.s32 @!p0 $0x100000, s0  }
0xf8: {  	[sflag:s0] =	ssyncadd.tile.s32 @!p0 $0x1;
	_ =	shalt  }
.Lfunc_end2:
_tile_overlayer_lowered:
.L_overlay_start_2:
0xf9: {  	(tag) =	ssettag $0x2  }
0xfa: {  	s0 =	rddreg [dreg:$0x0];
	s2 =	stileid.u32  }
0xfb: {  	s1 =	rddreg [dreg:$0x1];
	p0 =	sne.s32 s2, $0x0  }
0xfc: {  	s3 =	rddreg [dreg:$0x2];
	[bflag:$0x3] =	sbarrier.arrive $0xFFFF;
	s2 =	simm.s32 @!p0 $0x1C03  }
0xfd: {  	[timem:s3], [sflag:s2] =	dma.local @!p0 [hbm:s0], s1  }
0xfe: {  	s0 =	simm.s32 @!p0 $0x3  }
0xff: {  	_ =	swait.ge @!p0 [sflag:s0], s1  }
0x100: {  	s1 =	ssub.s32 @!p0 $0x0, s1;
	[sflag:s0] =	ssyncset.done @!p0 $0x0  }
0x101: {  	[sflag:s0] =	ssyncadd.s32 @!p0 s1  }
0x102: {  	[bflag:$0x3] =	sbarrier.arrive $0xFFFF  }
0x103: {  	_ =	shalt  }

// kernel: kernel.8.cloned.1.call-start
scs
__scs_entry_jumppad:
0x0: {  	(pc) =	sbr.rel $0x88, $3  }
0x1: {  	(tag) =	ssettag $0x0;
	lr =	simm.s32 $0x1  }
0x2: {  	[smem:$0x3F9B] =	sst lr;
	_ =	strace $0xD0000000  }
0x3: {  	_ = 	snop  }
0x4: {  	_ = 	snop  }
0x5: {  	_ = 	snop  }
0x6: {  	_ = 	snop  }
0x7: {  	_ = 	snop  }
__scs_overlays_trampoline_lowered:
0x8: {  	[smem:$0x3FAA] =	sst s0  }
0x9: {  	[smem:$0x3FAB] =	sst s1  }
0xa: {  	[smem:$0x3FAC] =	sst s2  }
0xb: {  	[smem:$0x3FAD] =	sst s3  }
0xc: {  	[smem:$0x3FAE] =	sst s4  }
0xd: {  	[smem:$0x3FAF] =	sst s5  }
0xe: {  	[smem:$0x3FB0] =	sst s6  }
0xf: {  	[smem:$0x3FB1] =	sst s7  }
0x10: {  	[smem:$0x3FB2] =	sst s8  }
0x11: {  	[smem:$0x3FB3] =	sst s9;
	s0 =	simm.s32 @!p0 $0x0  }
0x12: {  	s1 =	sld [smem:$0x3F99];
	s0 =	simm.s32 @p0 $0x1  }
0x13: {  	[smem:$0x3FB4] =	sst s0;
	s0 =	simm.s32 @!p1 $0x0  }
0x14: {  	s2 =	sld [smem:$0x3F98];
	s0 =	simm.s32 @p1 $0x1  }
0x15: {  	[smem:$0x3FB5] =	sst s0;
	s0 =	simm.s32 @!p2 $0x0  }
0x16: {  	s3 =	sld [smem:$0x3FDB];
	s0 =	simm.s32 @p2 $0x1  }
0x17: {  	s4 =	simm.s32 $0x1BF5;
	[smem:$0x3FB7] =	sst s0  }
0x18: {  	s0 =	sld [smem:$0x3F9A];
	_ =	swait.ge [sflag:s4], $0x0  }
0x19: {  	s7 =	sld [smem:$0x3F9B]  }
0x1a: {  	s8 =	sadd.s32 $0xFFFFE003, lr  }
0x1b: {  	s9 =	sadd.s32 $0xFFFFFEF7, lr;
	s5 =	simm.s32 $0xFFFFFFFF;
	p2 =	slt.u32 s8, $0xFFFFF086  }
0x1c: {  	p1 =	slt.u32 s9, $0xF7A;
	s5 =	simm.s32 @!p2 $0x0  }
0x1d: {  	s5 =	simm.s32 @p1 $0x1;
	p0 =	seq.s32 s7, s2  }
0x1e: {  	s7 =	smul.u32 @!p0 $0xF7A, s2;
	p2 =	seq.s32 @!p0 s5, $0x0  }
0x1f: {  	s9 =	smul.u32 $0xF7A, s1;
	s8 =	simm.s32 @!p0 $0x1BF5;
	p2 =	por !p2, p0  }
0x20: {  	[sflag:s8] =	ssyncset.s32 @!p0 $0xFFFFF086;
	s6 =	sadd.s32 @!p0 s3, s7;
	s7 =	simm.s32 @!p0 $0x108  }
0x21: {  	s3 =	sadd.s32 s3, s9;
	s6 =	sadd.s32 @!p0 $0x88, s6;
	s7 =	simm.s32 @p2 $0x1082  }
0x22: {  	[simem:s7], [sflag:s8] =	dma.local @!p0 [hbm:s6], $0xF7A  }
0x23: {  	s9 =	sor.u32 $0xD0000000, s2;
	s6 =	simm.s32 $0x108;
	_ =	swait.ge @!p0 [sflag:s8], $0x0  }
0x24: {  	s3 =	sadd.s32 $0x88, s3;
	s6 =	simm.s32 @!p1 $0x1082;
	[sflag:s4] =	ssyncset.s32 $0xFFFFF086  }
0x25: {  	[simem:s6], [sflag:s4] =	dma.local [hbm:s3], $0xF7A  }
0x26: {  	[smem:$0x3F9B] =	sst s1;
	(tag) =	ssettag s2;
	_ =	strace s9  }
0x27: {  	s1 =	sld [smem:$0x3FAB]  }
0x28: {  	s2 =	sld [smem:$0x3FAC]  }
0x29: {  	s4 =	sld [smem:$0x3FAE]  }
0x2a: {  	p0 =	seq.s32 s5, $0x0;
	s5 =	sld [smem:$0x3FAF]  }
0x2b: {  	s6 =	sld [smem:$0x3FB0]  }
0x2c: {  	s7 =	sld [smem:$0x3FB1]  }
0x2d: {  	s3 =	simm.s32 $0x108;
	s8 =	sld [smem:$0x3FB2]  }
0x2e: {  	s3 =	simm.s32 @!p0 $0x1082;
	s9 =	sld [smem:$0x3FB3]  }
0x2f: {  	lr =	sadd.s32 s0, s3;
	s0 =	sld [smem:$0x3FAA]  }
0x30: {  	s3 =	sld [smem:$0x3FAD]  }
0x31: {  	[smem:$0x3FB6] =	sst s10  }
0x32: {  	s10 =	sld [smem:$0x3FB4];
	_ =	sdelay $0x3  }
0x33: {  	p0 =	seq.s32 s10, $0x1;
	s10 =	sld [smem:$0x3FB6];
	_ =	sdelay $0x3  }
0x34: {  	[smem:$0x3FB6] =	sst s10  }
0x35: {  	s10 =	sld [smem:$0x3FB5];
	_ =	sdelay $0x3  }
0x36: {  	p1 =	seq.s32 s10, $0x1;
	s10 =	sld [smem:$0x3FB6];
	_ =	sdelay $0x3  }
0x37: {  	[smem:$0x3FB6] =	sst s10  }
0x38: {  	s10 =	sld [smem:$0x3FB7]  }
0x39: {  	_ = 	snop;
	(pc) =	sbr.ind lr, $3  }
0x3a: {  	_ = 	snop  }
0x3b: {  	_ = 	snop  }
0x3c: {  	p2 =	seq.s32 s10, $0x1;
	s10 =	sld [smem:$0x3FB6]  }
0x3d: {  	_ =	shalt  }
0x3e: {  	_ =	shalt  }
0x3f: {  	_ =	shalt  }
0x40: {  	_ =	shalt  }
0x41: {  	_ =	shalt  }
0x42: {  	_ =	shalt  }
0x43: {  	_ =	shalt  }
0x44: {  	_ =	shalt  }
0x45: {  	_ =	shalt  }
0x46: {  	_ =	shalt  }
0x47: {  	_ =	shalt  }
0x48: {  	_ =	shalt  }
0x49: {  	_ =	shalt  }
0x4a: {  	_ =	shalt  }
0x4b: {  	_ =	shalt  }
0x4c: {  	_ =	shalt  }
0x4d: {  	_ =	shalt  }
0x4e: {  	_ =	shalt  }
0x4f: {  	_ =	shalt  }
0x50: {  	_ =	shalt  }
0x51: {  	_ =	shalt  }
0x52: {  	_ =	shalt  }
0x53: {  	_ =	shalt  }
0x54: {  	_ =	shalt  }
0x55: {  	_ =	shalt  }
0x56: {  	_ =	shalt  }
0x57: {  	_ =	shalt  }
0x58: {  	_ =	shalt  }
0x59: {  	_ =	shalt  }
0x5a: {  	_ =	shalt  }
0x5b: {  	_ =	shalt  }
0x5c: {  	_ =	shalt  }
0x5d: {  	_ =	shalt  }
0x5e: {  	_ =	shalt  }
0x5f: {  	_ =	shalt  }
0x60: {  	_ =	shalt  }
0x61: {  	_ =	shalt  }
0x62: {  	_ =	shalt  }
0x63: {  	_ =	shalt  }
0x64: {  	_ =	shalt  }
0x65: {  	_ =	shalt  }
0x66: {  	_ =	shalt  }
0x67: {  	_ =	shalt  }
0x68: {  	_ =	shalt  }
0x69: {  	_ =	shalt  }
0x6a: {  	_ =	shalt  }
0x6b: {  	_ =	shalt  }
0x6c: {  	_ =	shalt  }
0x6d: {  	_ =	shalt  }
0x6e: {  	_ =	shalt  }
0x6f: {  	_ =	shalt  }
0x70: {  	_ =	shalt  }
0x71: {  	_ =	shalt  }
0x72: {  	_ =	shalt  }
0x73: {  	_ =	shalt  }
0x74: {  	_ =	shalt  }
0x75: {  	_ =	shalt  }
0x76: {  	_ =	shalt  }
0x77: {  	_ =	shalt  }
0x78: {  	_ =	shalt  }
0x79: {  	_ =	shalt  }
0x7a: {  	_ =	shalt  }
0x7b: {  	_ =	shalt  }
0x7c: {  	_ =	shalt  }
0x7d: {  	_ =	shalt  }
0x7e: {  	_ =	shalt  }
0x7f: {  	_ =	shalt  }
0x80: {  	_ =	shalt  }
0x81: {  	_ =	shalt  }
0x82: {  	_ =	shalt  }
0x83: {  	_ =	shalt  }
0x84: {  	_ =	shalt  }
0x85: {  	_ =	shalt  }
0x86: {  	_ =	shalt  }
0x87: {  	_ =	shalt  }
.Lfunc_end0:
.L_simem_size_0:
called_computation_lowered:
.L_overlay_start_0:
0x88: {  	s2 =	sld [smem:$0x3FD9]  }
0x89: {  	s3 =	sld [smem:$0x3FFE];
	_ =	sdelay $0x1  }
0x8a: {  	s1 =	srdreg.scid  }
0x8b: {  	s0 =	sand.u32 $0x1, s1  }
0x8c: {  	s17 =	sshll.u32 s0, $0xA;
	s2 =	sadd.s32 s3, s2  }
0x8d: {  	s2 =	sadd.s32 s2, s17  }
0x8e: {  	[smem:$0x3FC2] =	sst s2  }
0x8f: {  	_ = 	snop  }
0x90: {  	s2 =	sld [smem:$0x3FD0];
	(tm) =	ssettm $0x1  }
0x91: {  	s18 =	sld [smem:$0x3FFB];
	_ =	sdelay $0x3  }
0x92: {  	_ =	strace s18  }
0x93: {  	s3 =	sld [smem:$0x3FFC];
	_ =	sdelay $0x3  }
0x94: {  	_ =	strace s3  }
0x95: {  	s3 =	sld [smem:$0x3FFD];
	_ =	sdelay $0x3  }
0x96: {  	_ =	strace s3  }
0x97: {  	_ =	strace $0x8FFFFFFF  }
0x98: {  	s19 =	sld [smem:$0x3FDB];
	_ =	sdelay $0x1  }
0x99: {  	s4 =	simm.s32 $_scs_section_size  }
0x9a: {  	s5 =	simm.s32 $_size__tile_overlayer_lowered;
	s6 =	simm.s32 $_tile_overlayer_lowered  }
0x9b: {  	s22 =	simm.s32 $0x1BFF;
	s21 =	sshll.u32 s6, $0x1;
	s3 =	sadd.s32 s4, s19  }
0x9c: {  	s7 =	simm.s32 $0x0;
	s20 =	sshll.u32 s5, $0x1;
	s5 =	sadd.s32 s21, s3  }
0x9d: {  	[timem:s7], [sflag:s22] =	dma.local [hbm:s5], s20  }
0x9e: {  	_ =	swait.ge [sflag:s22], s20  }
0x9f: {  	s4 =	ssub.s32 $0x0, s20;
	[sflag:s22] =	ssyncset.done $0x0  }
0xa0: {  	[sflag:s22] =	ssyncadd.s32 s4;
	_ =	sdelay $0x1  }
0xa1: {  	s23 =	simm.s32 $0x1B8B  }
0xa2: {  	_ =	swait.ge [sflag:s23], $0x1  }
0xa3: {  	[sflag:s23] =	ssyncset.done $0x0  }
0xa4: {  	s25 =	simm.s32 $0x1B8E;
	s24 =	sld [smem:$0x3FFE];
	[sflag:s23] =	ssyncadd.s32 $0xFFFFFFFF  }
0xa5: {  	s26 =	simm.s32 $execute0_lowered;
	[smem:$0x3FD2] =	sst s25  }
0xa6: {  	s5 =	sshll.u32 s26, $0x1;
	_ =	strace $0x80000046;
	[dreg:$0x1] =	wrdreg $0xFFFFFFFF  }
0xa7: {  	s28 =	simm.s32 $_size_execute0_lowered;
	s3 =	sadd.s32 s3, s5;
	[dreg:$0x0] =	wrdreg $0x0  }
0xa8: {  	s5 =	sshll.u32 s28, $0x1;
	[dreg:$0x2] =	wrdreg s3  }
0xa9: {  	[dreg:$0x3] =	wrdreg s5  }
0xaa: {  	[dreg:$0x4] =	wrdreg $0xC0  }
0xab: {  	_ =	task [dreg:s7], $0x5FFFF  }
0xac: {  	[dreg:$0x1] =	wrdreg $0xFFFFFFFF  }
0xad: {  	[dreg:$0x0] =	wrdreg $0x60  }
0xae: {  	[dreg:$0x2] =	wrdreg s24  }
0xaf: {  	[dreg:$0x3] =	wrdreg s2  }
0xb0: {  	[dreg:$0x4] =	wrdreg $0x53000  }
0xb1: {  	[dreg:$0x5] =	wrdreg $0x55780  }
0xb2: {  	[dreg:$0x6] =	wrdreg $0x9  }
0xb3: {  	_ =	task.clear_ibuf [dreg:s7], $0x7FFFF;
	_ =	strace $0x90000046  }
0xb4: {  	s29 =	simm.s32 $0x9;
	_ =	strace $0x80000048  }
0xb5: {  	_ =	swait.ge [sflag:s29], $0x1  }
0xb6: {  	[sflag:s29] =	ssyncadd.s32 $0xFFFFFFFF  }
0xb7: {  	_ =	strace $0x90000048  }
0xb8: {  	_ =	sfence  }
0xb9: {  	s30 =	sld [smem:$0x0];
	_ =	sdelay $0x2  }
0xba: {  	s31 =	sshll.u32 s1, $0xD;
	s1 =	sshrl.u32 s1, $0x2  }
0xbb: {  	s3 =	sand.u32 $0x4000, s31;
	s1 =	sadd.s32 s1, s30  }
0xbc: {  	s0 =	sor.u32 s3, s0;
	s1 =	sshll.u32 s1, $0x11  }
0xbd: {  	s0 =	sor.u32 s1, s0  }
0xbe: {  	s0 =	sadd.s32 $0x8F2B, s0  }
0xbf: {  	[sflag:s0] =	ssyncadd.remote.s32 $0x1  }
0xc0: {  	_ =	sfence.sel $0xFFFF  }
0xc1: {  	[dreg:$0x0] =	wrdreg $0xFFFFFFFF;
	(pc) =	sbr.abs _section_cstart, $3  }
0xc2: {  	[dreg:$0x1] =	wrdreg $0xFFFFFFFF  }
0xc3: {  	_ =	task.clear_ibuf [dreg:s7], $0x2FFFF;
	_ =	strace $0x9FFFFFFF  }
0xc4: {  	(tm) =	ssettm $0x7FFFFFFF  }
0xc5: {  	_ =	shalt  }
tec
execute0_lowered:
.L_overlay_start_1:
0x0: {  	(tag) =	ssettag $0x1  }
0x1: {  	s5 =	rddreg [dreg:$0x0]  }
0x2: {  	s8 =	rddreg [dreg:$0x1]  }
0x3: {  	s2 =	rddreg [dreg:$0x2]  }
0x4: {  	s3 =	rddreg [dreg:$0x3];
	s4 =	srdreg.scid  }
0x5: {  	s1 =	stileid.u32;
	s0 =	rddreg [dreg:$0x4];
	s13 =	simm.s32 $0x3  }
0x6: {  	s14 =	simm.s32 $0x2800;
	s15 =	simm.s32 $0x80;
	s16 =	simm.s32 $0x5000  }
0x7: {  	s17 =	simm.s32 $0x1;
	s18 =	simm.s32 $0x2;
	s19 =	simm.s32 $0x0  }
0x8: {  	s6 =	sand.u32 $0x1, s4;
	s7 =	smul.u32 $0x278, s1;
	s9 =	sshll.u32 s1, $0x1  }
0x9: {  	s4 =	simm.s32 $0x0;
	s10 =	smul.u32 $0x4F00, s6;
	s9 =	sor.u32 s6, s9  }
0xa: {  	[smem:$0x7FF] =	sst s4;
	s6 =	ssub.s32 $0x2, s6;
	s9 =	smul.u32 $0x500, s9  }
0xb: {  	_ =	strace $0x80000047;
	s11 =	sshrl.u32 s6, $0x1;
	s10 =	sadd.s32 s7, s10  }
0xc: {  	s11 =	ssub.s32 s6, s11;
	s6 =	sadd.s32 s7, s3;
	s10 =	sshrl.u32 s10, $0x3  }
0xd: {  	s12 =	sadd.s32 s9, s5;
	s8 =	sadd.s32 s8, s9;
	s11 =	smax.u32 s11, $0x1  }
0xe: {  	s10 =	sadd.s32 s10, s5;
	s5 =	sadd.s32 s7, s2;
	s7 =	sadd.s32 $0x2600, s12  }
0xf: {  	v0 =	vimm.f32 $1.000000000e+00;
	v1 =	vimm.f32 $0.0e+00;
	s12 =	simm.s32 $0x5080;
	s9 =	sadd.s32 $0xC600, s10;
	s10 =	sadd.s32 $0xCAF0, s10  }
.LBB2_1:
0x10: {  	[tilespmem:$0x5000] =	vst v0  }
0x11: {  	[tilespmem:$0x5010] =	vst v0  }
0x12: {  	[tilespmem:$0x5020] =	vst v0  }
0x13: {  	[tilespmem:$0x5030] =	vst v0  }
0x14: {  	[tilespmem:$0x5040] =	vst v0  }
0x15: {  	[tilespmem:$0x5050] =	vst v0  }
0x16: {  	[tilespmem:$0x5060] =	vst v0  }
0x17: {  	[tilespmem:$0x5070] =	vst v0  }
0x18: {  	[tilespmem:$0x5080] =	vst v1  }
0x19: {  	[tilespmem:$0x5090] =	vst v1  }
0x1a: {  	[tilespmem:$0x50A0] =	vst v1  }
0x1b: {  	[tilespmem:$0x50B0] =	vst v1  }
0x1c: {  	[tilespmem:$0x50C0] =	vst v1  }
0x1d: {  	[tilespmem:$0x50D0] =	vst v1  }
0x1e: {  	[tilespmem:$0x50E0] =	vst v1  }
0x1f: {  	[tilespmem:$0x50F0] =	vst v1  }
0x20: {  	[tilespmem:$0x5100] =	vst v1  }
0x21: {  	[tilespmem:$0x5110] =	vst v1  }
0x22: {  	[tilespmem:$0x5120] =	vst v1  }
0x23: {  	[tilespmem:$0x5130] =	vst v1  }
0x24: {  	[tilespmem:$0x5140] =	vst v1  }
0x25: {  	[tilespmem:$0x5150] =	vst v1  }
0x26: {  	[tilespmem:$0x5160] =	vst v1  }
0x27: {  	[tilespmem:$0x5170] =	vst v1  }
0x28: {  	[tilespmem:$0x5180] =	vst v1  }
0x29: {  	[tilespmem:$0x5190] =	vst v1  }
0x2a: {  	[tilespmem:$0x51A0] =	vst v1  }
0x2b: {  	[tilespmem:$0x51B0] =	vst v1  }
0x2c: {  	[tilespmem:$0x51C0] =	vst v1  }
0x2d: {  	[tilespmem:$0x51D0] =	vst v1  }
0x2e: {  	[tilespmem:$0x51E0] =	vst v1  }
0x2f: {  	[tilespmem:$0x51F0] =	vst v1  }
0x30: {  	[tilespmem:$0x5200] =	vst v1  }
0x31: {  	[tilespmem:$0x5210] =	vst v1  }
0x32: {  	[tilespmem:$0x5220] =	vst v1  }
0x33: {  	[tilespmem:$0x5230] =	vst v1  }
0x34: {  	[tilespmem:$0x5240] =	vst v1  }
0x35: {  	[tilespmem:$0x5250] =	vst v1  }
0x36: {  	[tilespmem:$0x5260] =	vst v1  }
0x37: {  	[tilespmem:$0x5270] =	vst v1  }
0x38: {  	[tilespmem:$0x5280] =	vst v1  }
0x39: {  	[tilespmem:$0x5290] =	vst v1  }
0x3a: {  	[tilespmem:$0x52A0] =	vst v1  }
0x3b: {  	[tilespmem:$0x52B0] =	vst v1  }
0x3c: {  	[tilespmem:$0x52C0] =	vst v1  }
0x3d: {  	[tilespmem:$0x52D0] =	vst v1  }
0x3e: {  	[tilespmem:$0x52E0] =	vst v1  }
0x3f: {  	[tilespmem:$0x52F0] =	vst v1  }
0x40: {  	[spmem:s5] =	stream.linear.scatter [tilespmem:s12], [sflag:$0x3], $0x278, $0x38;
	[tilespmem:$0x57F0] =	vst v63  }
0x41: {  	_ =	swait.ge [sflag:s13], $0x278  }
0x42: {  	[sflag:s13] =	ssyncset.done $0x0  }
0x43: {  	[sflag:s13] =	ssyncadd.s32 $0xFFFFFD88  }
0x44: {  	[spmem:s6] =	stream.linear.scatter [tilespmem:s12], [sflag:$0x3], $0x278, $0x38;
	[tilespmem:$0x57F0] =	vst v63  }
0x45: {  	_ =	swait.ge [sflag:s13], $0x278  }
0x46: {  	[sflag:s13] =	ssyncset.done $0x0  }
0x47: {  	[sflag:s13] =	ssyncadd.s32 $0xFFFFFD88  }
0x48: {  	[tilespmem:s4], [sflag:$0x3] =	stream.linear.gather [hbm4b:s7+s4], $0x2800, $0x38;
	[tilespmem:$0x57F0] =	vst v63  }
0x49: {  	_ =	swait.ge [sflag:s13], $0x2800  }
0x4a: {  	[sflag:s13] =	ssyncset.done $0x0  }
0x4b: {  	[sflag:s13] =	ssyncadd.s32 $0xFFFFD800  }
0x4c: {  	[tilespmem:s14], [sflag:$0x3] =	stream.linear.gather [hbm4b:s8+s4], $0x2800, $0x38;
	[tilespmem:$0x57F0] =	vst v63  }
0x4d: {  	_ =	swait.ge [sflag:s13], $0x2800  }
0x4e: {  	[sflag:s13] =	ssyncset.done $0x0  }
0x4f: {  	[sflag:s13] =	ssyncadd.s32 $0xFFFFD800  }
0x50: {  	[bflag:$0x0] =	sbarrier.arrive $0xFFFF  }
0x51: {  	[spmem:s2] =	stream.indirect.scatter.add.f32 [tilespmem:s16], [sflag:$0x1], $0x1, s4, s15, $0xb8;
	[tilespmem:$0x57F0] =	vst v63  }
0x52: {  	_ = 	snop  }
0x53: {  	[spmem:s3] =	stream.indirect.scatter.add.f32 [tilespmem:s16], [sflag:$0x2], $0x1, s14, s15, $0xb8;
	[tilespmem:$0x57F0] =	vst v63  }
0x54: {  	s20 =	simm.s32 $0x80  }
0x55: {  	[spmem:s2] =	stream.indirect.scatter.add.f32 [tilespmem:s16], [sflag:$0x1], $0x1, s20, s15, $0xb8;
	[tilespmem:$0x57F0] =	vst v63  }
0x56: {  	s31 =	simm.s32 $0x2880  }
0x57: {  	[spmem:s3] =	stream.indirect.scatter.add.f32 [tilespmem:s16], [sflag:$0x2], $0x1, s31, s15, $0xb8;
	[tilespmem:$0x57F0] =	vst v63  }
0x58: {  	_ =	swait.ge [sflag:s17], $0x80  }
0x59: {  	[sflag:s17] =	ssyncset.done $0x0  }
0x5a: {  	[sflag:s17] =	ssyncadd.s32 $0xFFFFFF80  }
0x5b: {  	_ =	swait.ge [sflag:s18], $0x80  }
0x5c: {  	s21 =	simm.s32 $0x600;
	s20 =	simm.s32 $0x400;
	[sflag:s18] =	ssyncset.done $0x0  }
.LBB2_2:
0x5d: {  	s22 =	sshra.s32 s20, $0x2  }
0x5e: {  	[sflag:s18] =	ssyncadd.s32 $0xFFFFFF80;
	s20 =	smov.u32 s21;
	s23 =	sadd.s32 $0x200, s21  }
0x5f: {  	[spmem:s2] =	stream.indirect.scatter.add.f32 [tilespmem:s16], [sflag:$0x1], $0x1, s22, s15, $0xb8;
	[tilespmem:$0x57F0] =	vst v63  }
0x60: {  	p0 =	sne.s32 s21, $0x9E00;
	s21 =	sadd.s32 $0x2800, s22  }
0x61: {  	[spmem:s3] =	stream.indirect.scatter.add.f32 [tilespmem:s16], [sflag:$0x2], $0x1, s21, s15, $0xb8;
	[tilespmem:$0x57F0] =	vst v63  }
.Ltmp0:
0x62: {  	_ =	swait.ge [sflag:s17], $0x80;
	(pc) =	sbr.rel @p0 .LBB2_2-.Ltmp0, $4  }
0x63: {  	[sflag:s17] =	ssyncset.done $0x0  }
0x64: {  	[sflag:s17] =	ssyncadd.s32 $0xFFFFFF80  }
0x65: {  	_ =	swait.ge [sflag:s18], $0x80  }
0x66: {  	s21 =	smov.u32 s23;
	[sflag:s18] =	ssyncset.done $0x0  }
0x67: {  	s20 =	sshra.s32 s20, $0x2;
	[sflag:s18] =	ssyncadd.s32 $0xFFFFFF80  }
0x68: {  	[spmem:s2] =	stream.indirect.scatter.add.f32 [tilespmem:s16], [sflag:$0x1], $0x1, s20, s15, $0xb8;
	[tilespmem:$0x57F0] =	vst v63  }
0x69: {  	s20 =	sadd.s32 $0x2800, s20  }
0x6a: {  	[spmem:s3] =	stream.indirect.scatter.add.f32 [tilespmem:s16], [sflag:$0x2], $0x1, s20, s15, $0xb8;
	[tilespmem:$0x57F0] =	vst v63  }
0x6b: {  	_ =	swait.ge [sflag:s17], $0x80  }
0x6c: {  	[sflag:s17] =	ssyncset.done $0x0  }
0x6d: {  	[sflag:s17] =	ssyncadd.s32 $0xFFFFFF80  }
0x6e: {  	_ =	swait.ge [sflag:s18], $0x80  }
0x6f: {  	[sflag:s18] =	ssyncset.done $0x0  }
0x70: {  	[sflag:s18] =	ssyncadd.s32 $0xFFFFFF80  }
0x71: {  	_ =	swait.ge [sflag:s17], $0x80  }
0x72: {  	[sflag:s17] =	ssyncset.done $0x0  }
0x73: {  	[sflag:s17] =	ssyncadd.s32 $0xFFFFFF80  }
0x74: {  	_ =	swait.ge [sflag:s18], $0x80  }
0x75: {  	[sflag:s18] =	ssyncset.done $0x0  }
0x76: {  	[sflag:s18] =	ssyncadd.s32 $0xFFFFFF80  }
0x77: {  	[bflag:$0x0] =	sbarrier.arrive $0xFFFF  }
0x78: {  	[tilespmem:s12], [sflag:$0x3] =	stream.linear.gather [spmem:s5], $0x278, $0x38;
	[tilespmem:$0x57F0] =	vst v63  }
0x79: {  	_ =	swait.ge [sflag:s13], $0x278  }
0x7a: {  	[sflag:s13] =	ssyncset.done $0x0  }
0x7b: {  	[sflag:s13] =	ssyncadd.s32 $0xFFFFFD88  }
0x7c: {  	[hbm4b:s9+s4] =	stream.linear.scatter [tilespmem:s12], [sflag:$0x3], $0x278, $0x38;
	[tilespmem:$0x57F0] =	vst v63  }
0x7d: {  	_ =	swait.ge [sflag:s13], $0x278  }
0x7e: {  	[sflag:s13] =	ssyncset.done $0x0  }
0x7f: {  	[sflag:s13] =	ssyncadd.s32 $0xFFFFFD88  }
0x80: {  	[tilespmem:s12], [sflag:$0x3] =	stream.linear.gather [spmem:s6], $0x278, $0x38;
	[tilespmem:$0x57F0] =	vst v63  }
0x81: {  	s19 =	sadd.s32 $0x1, s19;
	_ =	swait.ge [sflag:s13], $0x278  }
0x82: {  	p0 =	sne.s32 s19, s11;
	[sflag:s13] =	ssyncset.done $0x0  }
.Ltmp1:
0x83: {  	[sflag:s13] =	ssyncadd.s32 $0xFFFFFD88;
	(pc) =	sbr.rel @p0 .LBB2_1-.Ltmp1, $4  }
0x84: {  	[hbm4b:s10+s4] =	stream.linear.scatter [tilespmem:s12], [sflag:$0x3], $0x278, $0x38;
	[tilespmem:$0x57F0] =	vst v63  }
0x85: {  	_ =	swait.ge [sflag:s13], $0x278  }
0x86: {  	[sflag:s13] =	ssyncset.done $0x0  }
0x87: {  	[sflag:s13] =	ssyncadd.s32 $0xFFFFFD88  }
0x88: {  	_ =	sfence.sel $0x180000  }
0x89: {  	[bflag:$0x0] =	sbarrier.arrive $0xFFFF  }
0x8a: {  	p0 =	sne.s32 s1, $0x0;
	_ =	strace $0x90000047  }
0x8b: {  	s0 =	sadd.s32 @!p0 $0x100000, s0;
	[bflag:$0x2] =	sbarrier.arrive $0xFFFF  }
0x8c: {  	[sflag:s0] =	ssyncadd.tile.s32 @!p0 $0x1;
	_ =	shalt  }
.Lfunc_end2:
_tile_overlayer_lowered:
.L_overlay_start_2:
0x8d: {  	(tag) =	ssettag $0x2  }
0x8e: {  	s0 =	rddreg [dreg:$0x0];
	s2 =	stileid.u32  }
0x8f: {  	s1 =	rddreg [dreg:$0x1];
	p0 =	sne.s32 s2, $0x0  }
0x90: {  	s3 =	rddreg [dreg:$0x2];
	[bflag:$0x3] =	sbarrier.arrive $0xFFFF;
	s2 =	simm.s32 @!p0 $0x1C03  }
0x91: {  	[timem:s3], [sflag:s2] =	dma.local @!p0 [hbm:s0], s1  }
0x92: {  	s0 =	simm.s32 @!p0 $0x3  }
0x93: {  	_ =	swait.ge @!p0 [sflag:s0], s1  }
0x94: {  	s1 =	ssub.s32 @!p0 $0x0, s1;
	[sflag:s0] =	ssyncset.done @!p0 $0x0  }
0x95: {  	[sflag:s0] =	ssyncadd.s32 @!p0 s1  }
0x96: {  	[bflag:$0x3] =	sbarrier.arrive $0xFFFF  }
0x97: {  	_ =	shalt  }

</sc_bundles>
